<compile_context>
chip_gen: v7x
topology: tpu7x:2x2x1
jax: 0.10.2.dev20260603
libtpu: 0.0.44.dev20260713+nightly
codegen_flags: <defaults>
</compile_context>

<pallas_src>
import functools

import jax
import jax.numpy as jnp
from jax import lax
from jax.experimental import pallas as pl
from jax.experimental.pallas import tpu as pltpu
from jax.experimental.pallas import tpu_sc as plsc

N = 10000
N_PAD = 10016
NA = 10240
E_RAW = 320000
E1 = E_RAW + N
NC, NS = 2, 16
NW = NC * NS
EPT = 10368
E_PAD = EPT * NW
K1 = 384
K2 = 32
NCH = EPT // K2
ROWS_PT = N_PAD // NS
H = 8
C = 128

_SC_PARAMS = pltpu.CompilerParams(
    needs_layout_passes=False, use_tc_tiling_on_sc=False)


@functools.lru_cache(maxsize=None)
def _mesh():
    return plsc.VectorSubcoreMesh(
        core_axis_name="c", subcore_axis_name="s",
        num_cores=NC, num_subcores=NS)


def _proj_body(x_ref, wt_ref, abd_ref, xp_ref, as_ref, ad_ref):
    xb = x_ref[...]
    xp = jnp.dot(xb, wt_ref[...], preferred_element_type=jnp.float32)
    xp_ref[...] = xp.astype(jnp.bfloat16)
    ac = jnp.dot(xp, abd_ref[...], preferred_element_type=jnp.float32)
    as_ref[...] = ac[:, :H]
    ad_ref[...] = ac[:, H:]


def _project(x_pad, Wt, Abd):
    return pl.pallas_call(
        _proj_body,
        grid=(NA // 512,),
        in_specs=[
            pl.BlockSpec((512, C), lambda i: (i, 0)),
            pl.BlockSpec((C, H * C), lambda i: (0, 0)),
            pl.BlockSpec((H * C, 2 * H), lambda i: (0, 0)),
        ],
        out_specs=[
            pl.BlockSpec((512, H * C), lambda i: (i, 0)),
            pl.BlockSpec((512, H), lambda i: (i, 0)),
            pl.BlockSpec((512, H), lambda i: (i, 0)),
        ],
        out_shape=[
            jax.ShapeDtypeStruct((NA, H * C), jnp.bfloat16),
            jax.ShapeDtypeStruct((NA, H), jnp.float32),
            jax.ShapeDtypeStruct((NA, H), jnp.float32),
        ],
    )(x_pad, Wt, Abd)


def _pass1_body(src1_h, dst1_h, asrc_h, adst_h, z8_h,
                ex_h, d0_h, d1_h,
                srcv, dstv, av, bv, ev, ev1, dacc, sem):
    c = lax.axis_index("c")
    s = lax.axis_index("s")
    wid = s * NC + c
    row0 = s * ROWS_PT
    pltpu.sync_copy(z8_h.at[pl.ds(row0, ROWS_PT)], dacc.at[pl.ds(row0, ROWS_PT)])
    plsc.subcore_barrier()

    def chunk(i, carry):
        base = wid * EPT + i * K1
        pltpu.sync_copy(src1_h.at[pl.ds(base, K1)], srcv)
        for j in range(K1 // 128):
            pltpu.sync_copy(dst1_h.at[pl.ds(base + j * 128, 128)], dstv.at[j])
        for j in range(K1 // 128):
            pltpu.async_copy(asrc_h.at[srcv.at[pl.ds(j * 128, 128)]],
                             av.at[pl.ds(j * 128, 128)], sem).wait()
            pltpu.async_copy(adst_h.at[dstv.at[j]],
                             bv.at[pl.ds(j * 128, 128)], sem).wait()

        def vbody(jj, carry2):
            idx = jj * 16 + lax.iota(jnp.int32, 16)
            r = lax.shift_right_logical(idx, 3)
            cc = lax.bitwise_and(idx, 7)
            a = plsc.load_gather(av, [r, cc])
            b = plsc.load_gather(bv, [r, cc])
            al = a + b
            al = jnp.maximum(al, 0.2 * al)
            e = jnp.exp(al)
            plsc.store_scatter(ev, [r, cc], e)
            ev1[pl.ds(jj * 16, 16)] = e
            return carry2

        lax.fori_loop(0, K1 * H // 16, vbody, 0)
        pltpu.sync_copy(ev1, ex_h.at[pl.ds(base * H, K1 * H)])
        for j in range(K1 // 128):
            pltpu.sync_copy(ev.at[pl.ds(j * 128, 128)],
                            dacc.at[dstv.at[j]], add=True)
        return carry

    lax.fori_loop(0, EPT // K1, chunk, 0)
    plsc.subcore_barrier()
    sl = pl.ds(row0, ROWS_PT)

    @pl.when(c == 0)
    def _():
        pltpu.sync_copy(dacc.at[sl], d0_h.at[sl])

    @pl.when(c == 1)
    def _():
        pltpu.sync_copy(dacc.at[sl], d1_h.at[sl])


@functools.lru_cache(maxsize=None)
def _pass1():
    return pl.kernel(
        _pass1_body,
        out_type=[
            jax.ShapeDtypeStruct((E_PAD * H,), jnp.float32),
            jax.ShapeDtypeStruct((N_PAD, H), jnp.float32),
            jax.ShapeDtypeStruct((N_PAD, H), jnp.float32),
        ],
        mesh=_mesh(),
        compiler_params=_SC_PARAMS,
        scratch_types=[
            pltpu.VMEM((K1,), jnp.int32),
            pltpu.VMEM((K1 // 128, 128), jnp.int32),
            pltpu.VMEM((K1, H), jnp.float32),
            pltpu.VMEM((K1, H), jnp.float32),
            pltpu.VMEM((K1, H), jnp.float32),
            pltpu.VMEM((K1 * H,), jnp.float32),
            pltpu.VMEM_SHARED((N_PAD, H), jnp.float32),
            pltpu.SemaphoreType.DMA,
        ],
    )


@functools.lru_cache(maxsize=None)
def _pass2():
    def body(src1_h, dst1_h, ex_h, rc_h, xp_h, z128_h,
             o0_h, o1_h,
             srcv, dstv, exv, rcv, attv, xpv, msgv, dsts, oacc,
             isem, gsem, ssem):
        c = lax.axis_index("c")
        s = lax.axis_index("s")
        wid = s * NC + c
        row0 = s * ROWS_PT
        pltpu.sync_copy(z128_h.at[pl.ds(row0, ROWS_PT)],
                        oacc.at[pl.ds(row0, ROWS_PT)])
        plsc.subcore_barrier()
        e0 = wid * EPT

        def issue_idx(i, b):
            base = e0 + i * K2
            pltpu.async_copy(src1_h.at[pl.ds(base, K2)], srcv[b], isem[b])
            pltpu.async_copy(dst1_h.at[pl.ds(base, K2)], dstv[b], isem[b])
            pltpu.async_copy(ex_h.at[pl.ds(base * H, K2 * H)], exv[b], isem[b])

        def wait_idx(i, b):
            base = e0 + i * K2
            pltpu.make_async_copy(src1_h.at[pl.ds(base, K2)], srcv[b], isem[b]).wait()
            pltpu.make_async_copy(dst1_h.at[pl.ds(base, K2)], dstv[b], isem[b]).wait()
            pltpu.make_async_copy(ex_h.at[pl.ds(base * H, K2 * H)], exv[b], isem[b]).wait()

        def issue_gather(b):
            pltpu.async_copy(rc_h.at[dstv[b]], rcv[b], gsem[b])
            pltpu.async_copy(xp_h.at[srcv[b]], xpv[b], gsem[b])

        def wait_gather(b):
            pltpu.make_async_copy(rc_h.at[dstv[b]], rcv[b], gsem[b]).wait()
            pltpu.make_async_copy(xp_h.at[srcv[b]], xpv[b], gsem[b]).wait()

        def wait_scatter(b):
            pltpu.make_async_copy(z128_h.at[pl.ds(0, K2)], msgv[b], ssem[b]).wait()

        def compute(b):
            def vbody(jj, carry2):
                idx = jj * 16 + lax.iota(jnp.int32, 16)
                r = lax.shift_right_logical(idx, 3)
                cc = lax.bitwise_and(idx, 7)
                e = exv[b][pl.ds(jj * 16, 16)]
                q = plsc.load_gather(rcv[b], [r, cc])
                attv[pl.ds(jj * 16, 16)] = e * q
                return carry2

            lax.fori_loop(0, K2 * H // 16, vbody, 0)
            for t in range(K2 // 16):
                dsts[b][pl.ds(t * 16, 16)] = dstv[b][pl.ds(t * 16, 16)]

            def ebody(k, carry3):
                kb = k * H
                ah = [plsc.load_gather(attv, [jnp.full((16,), h, jnp.int32) + kb])
                      for h in range(H)]
                for g in range(4):
                    acc_a = acc_b = None
                    for h in range(H):
                        w = xpv[b][k, pl.ds(h * (C // 2) + g * 16, 16)]
                        u, v = plsc.unpack(
                            plsc.bitcast(w, jnp.bfloat16),
                            format=plsc.PackFormat.INTERLEAVED)
                        acc_a = ah[h] * u if acc_a is None else acc_a + ah[h] * u
                        acc_b = ah[h] * v if acc_b is None else acc_b + ah[h] * v
                    msgv[b][k, pl.ds(g * 32, 16)] = acc_a
                    msgv[b][k, pl.ds(g * 32 + 16, 16)] = acc_b
                return carry3

            lax.fori_loop(0, K2, ebody, 0)
            pltpu.async_copy(msgv[b], oacc.at[dsts[b]], ssem[b], add=True)

        issue_idx(0, 0)
        wait_idx(0, 0)
        issue_gather(0)
        issue_idx(1, 1)

        def pair(it, carry):
            for b in range(2):
                i = it * 2 + b
                if b == 0:
                    wait_idx(i + 1, 1)
                    issue_gather(1)
                else:
                    @pl.when(it < NCH // 2 - 1)
                    def _():
                        wait_idx(i + 1, 0)
                        issue_gather(0)

                @pl.when(it >= 1)
                def _():
                    wait_scatter(b)

                wait_gather(b)
                compute(b)

                @pl.when(it < NCH // 2 - 1)
                def _():
                    issue_idx(i + 2, b)
            return carry

        lax.fori_loop(0, NCH // 2, pair, 0)
        wait_scatter(0)
        wait_scatter(1)
        plsc.subcore_barrier()
        sl = pl.ds(row0, ROWS_PT)

        @pl.when(c == 0)
        def _():
            pltpu.sync_copy(oacc.at[sl], o0_h.at[sl])

        @pl.when(c == 1)
        def _():
            pltpu.sync_copy(oacc.at[sl], o1_h.at[sl])

    buf2 = lambda *shape_dtype: [pltpu.VMEM(*shape_dtype) for _ in range(2)]
    return pl.kernel(
        body,
        out_type=[
            jax.ShapeDtypeStruct((N_PAD, C), jnp.float32),
            jax.ShapeDtypeStruct((N_PAD, C), jnp.float32),
        ],
        mesh=_mesh(),
        compiler_params=_SC_PARAMS,
        scratch_types=[
            buf2((K2,), jnp.int32),
            buf2((K2,), jnp.int32),
            buf2((K2 * H,), jnp.float32),
            buf2((K2, H), jnp.float32),
            pltpu.VMEM((K2 * H,), jnp.float32),
            buf2((K2, H * C // 2), jnp.int32),
            buf2((K2, C), jnp.float32),
            buf2((K2,), jnp.int32),
            pltpu.VMEM_SHARED((N_PAD, C), jnp.float32),
            [pltpu.SemaphoreType.DMA for _ in range(2)],
            [pltpu.SemaphoreType.DMA for _ in range(2)],
            [pltpu.SemaphoreType.DMA for _ in range(2)],
        ],
    )


def _recip_body(d0_ref, d1_ref, out_ref):
    out_ref[...] = 1.0 / (d0_ref[...] + d1_ref[...] + 1e-16)


def _recip(d0, d1):
    return pl.pallas_call(
        _recip_body,
        grid=(1,),
        in_specs=[
            pl.BlockSpec((N_PAD, H), lambda i: (0, 0)),
            pl.BlockSpec((N_PAD, H), lambda i: (0, 0)),
        ],
        out_specs=pl.BlockSpec((N_PAD, H), lambda i: (0, 0)),
        out_shape=jax.ShapeDtypeStruct((N_PAD, H), jnp.float32),
    )(d0, d1)


def _final_body(o0_ref, o1_ref, b_ref, out_ref):
    out_ref[...] = (o0_ref[...] + o1_ref[...]) * (1.0 / H) + b_ref[...]


def _finalize(o0, o1, bias2d):
    return pl.pallas_call(
        _final_body,
        grid=(1,),
        in_specs=[
            pl.BlockSpec((N_PAD, C), lambda i: (0, 0)),
            pl.BlockSpec((N_PAD, C), lambda i: (0, 0)),
            pl.BlockSpec((1, C), lambda i: (0, 0)),
        ],
        out_specs=pl.BlockSpec((N_PAD, C), lambda i: (0, 0)),
        out_shape=jax.ShapeDtypeStruct((N_PAD, C), jnp.float32),
    )(o0, o1, bias2d)


@jax.jit
def kernel(x, edge_index, W, att_src, att_dst, bias):
    f32 = jnp.float32
    ei = edge_index.astype(jnp.int32)
    loops = jnp.arange(N, dtype=jnp.int32)
    pad_n = E_PAD - E1
    src1 = jnp.concatenate([ei[0], loops, jnp.zeros((pad_n,), jnp.int32)])
    dst1 = jnp.concatenate([ei[1], loops, jnp.full((pad_n,), N, jnp.int32)])
    x_pad = jnp.pad(x, ((0, NA - N), (0, 0)))
    rr = jnp.arange(H * C, dtype=jnp.int32)
    r32 = rr % 32
    perm = (rr // 32) * 32 + jnp.where(r32 % 2 == 0, r32 // 2, 16 + r32 // 2)
    Wt = W[perm].T
    eye = jnp.eye(H, dtype=f32)
    Abd = jnp.concatenate([
        (att_src[:, :, None] * eye[:, None, :]).reshape(H * C, H),
        (att_dst[:, :, None] * eye[:, None, :]).reshape(H * C, H),
    ], axis=1)[perm]
    z8 = jnp.zeros((N_PAD, H), f32)
    z128 = jnp.zeros((N_PAD, C), f32)

    xp, asrc, adst = _project(x_pad, Wt, Abd)
    xpw = lax.bitcast_convert_type(xp.reshape(NA, H * C // 2, 2), jnp.int32)
    ex, d0, d1 = _pass1()(src1, dst1, asrc, adst, z8)
    rc = _recip(d0, d1)
    o0, o1 = _pass2()(src1, dst1, ex, rc, xpw, z128)
    out = _finalize(o0, o1, bias.reshape(1, C))
    return out[:N]

# --- scband reference (transcript-rebuilt; emitter-appended) ---
"""Pipeline reference for scband-graph-attention-network-16509854286164 (READ-ONLY COPY).

The authoritative reference and input builder live on the scoring server;
editing this copy changes nothing except your own understanding.
"""

import jax, jax.numpy as jnp
import numpy as np

N_NODES = 10000
N_EDGES = 320000
DIM = 128
HEADS = 8


def setup_inputs(seed: int = 0) -> dict:
    key = jax.random.key(seed)
    k1, k2, k3, k4, k5, k6 = jax.random.split(key, 6)
    x = jax.random.normal(k1, (N_NODES, DIM), dtype=jnp.float32)
    edge_index = jax.random.randint(k2, (2, N_EDGES), 0, N_NODES, dtype=jnp.int64)
    # Parameters mirroring PyG GATConv(in_channels=128, out_channels=128, heads=8, concat=False)
    W = jax.random.normal(k3, (HEADS * DIM, DIM), dtype=jnp.float32) * (1.0 / np.sqrt(DIM))
    att_src = jax.random.normal(k4, (HEADS, DIM), dtype=jnp.float32) * (1.0 / np.sqrt(DIM))
    att_dst = jax.random.normal(k5, (HEADS, DIM), dtype=jnp.float32) * (1.0 / np.sqrt(DIM))
    bias = jnp.zeros((DIM,), dtype=jnp.float32)
    return {"x": x, "edge_index": edge_index, "W": W, "att_src": att_src, "att_dst": att_dst, "bias": bias}


def reference(x, edge_index, W, att_src, att_dst, bias):
    N = x.shape[0]
    H = HEADS
    C = DIM
    # Add self loops (PyG GATConv default add_self_loops=True)
    loop = jnp.arange(N, dtype=edge_index.dtype)
    ei = jnp.concatenate([edge_index, jnp.stack([loop, loop])], axis=1)
    src = ei[0]
    dst = ei[1]
    # Linear projection to [N, H, C]
    xp = (x @ W.T).reshape(N, H, C)
    # Per-node attention logits
    a_src = (xp * att_src[None, :, :]).sum(axis=-1)  # [N, H]
    a_dst = (xp * att_dst[None, :, :]).sum(axis=-1)  # [N, H]
    alpha = a_src[src] + a_dst[dst]                  # [E, H] gather
    alpha = jax.nn.leaky_relu(alpha, negative_slope=0.2)
    # Segment softmax over incoming edges of each destination node
    amax = jax.ops.segment_max(alpha, dst, num_segments=N)
    amax = jnp.where(jnp.isfinite(amax), amax, 0.0)
    ex = jnp.exp(alpha - amax[dst])
    denom = jax.ops.segment_sum(ex, dst, num_segments=N)
    att = ex / (denom[dst] + 1e-16)                  # [E, H]
    # Message passing: weighted gather of source features, scatter-add to dst
    msgs = xp[src] * att[:, :, None]                 # [E, H, C]
    out = jax.ops.segment_sum(msgs, dst, num_segments=N)  # [N, H, C]
    # concat=False -> mean over heads, then bias
    out = out.mean(axis=1) + bias
    return out

if __name__ == "__main__":
    import jax
    _d = setup_inputs()
    print(jax.jit(kernel)(*tuple(_d.values())))

</pallas_src>

<mosaic_0001>
#map = affine_map<(d0, d1) -> (0)>
#map1 = affine_map<(d0, d1) -> (0, 0)>
module attributes {stable_mosaic.version = 14 : i64} {
  func.func @_pass1_body(%arg0: i32, %arg1: i32, %arg2: memref<331776xi32, #tpu.memory_space<hbm>>, %arg3: memref<331776xi32, #tpu.memory_space<hbm>>, %arg4: memref<10240x8xf32, #tpu.memory_space<hbm>>, %arg5: memref<10240x8xf32, #tpu.memory_space<hbm>>, %arg6: memref<10016x8xf32, #tpu.memory_space<hbm>>, %arg7: memref<2654208xf32, #tpu.memory_space<hbm>>, %arg8: memref<10016x8xf32, #tpu.memory_space<hbm>>, %arg9: memref<10016x8xf32, #tpu.memory_space<hbm>>, %arg10: memref<384xi32, #tpu.memory_space<vmem>>, %arg11: memref<3x128xi32, #tpu.memory_space<vmem>>, %arg12: memref<384x8xf32, #tpu.memory_space<vmem>>, %arg13: memref<384x8xf32, #tpu.memory_space<vmem>>, %arg14: memref<384x8xf32, #tpu.memory_space<vmem>>, %arg15: memref<3072xf32, #tpu.memory_space<vmem>>, %arg16: memref<10016x8xf32, #tpu.memory_space<vmem_shared>>, %arg17: memref<!tpu.dma_semaphore, #tpu.memory_space<semaphore_mem>>) attributes {dimension_semantics = [#tpu.dimension_semantics<core_parallel>, #tpu.dimension_semantics<subcore_parallel>], iteration_bounds = array<i64: 2, 16>, scalar_prefetch = 0 : i64, scratch_operands = 8 : i64, tpu.core_type = #tpu.core_type<sc_vector_subcore>, window_params = [{transform_indices = #map}, {transform_indices = #map}, {transform_indices = #map1}, {transform_indices = #map1}, {transform_indices = #map1}, {transform_indices = #map}, {transform_indices = #map1}, {transform_indices = #map1}]} {
    %mul3A = arith.constant 2 : i32
    %mul3A_0 = arith.muli %arg1, %mul3A : i32
    %add3A = arith.addi %mul3A_0, %arg0 : i32
    %mul3A_1 = arith.constant 626 : i32
    %mul3A_2 = arith.muli %arg1, %mul3A_1 : i32
    "tpu.region"() ({
      %run_scoped3A = tpu.sem_alloc : memref<!tpu.dma_semaphore, #tpu.memory_space<semaphore_mem>>
      %dma_start3A = arith.constant 0 : i32
      %dma_start3A_16 = tpu.memref_slice %arg16[%mul3A_2, %dma_start3A] : memref<10016x8xf32, #tpu.memory_space<vmem_shared>> -> memref<626x8xf32, #tpu.memory_space<vmem_shared>>
      %dma_start3A_17 = arith.constant 0 : i32
      %dma_start3A_18 = tpu.memref_slice %arg6[%mul3A_2, %dma_start3A_17] : memref<10016x8xf32, #tpu.memory_space<hbm>> -> memref<626x8xf32, #tpu.memory_space<hbm>>
      tpu.enqueue_dma source(%dma_start3A_18 : memref<626x8xf32, #tpu.memory_space<hbm>>) target(%dma_start3A_16 : memref<626x8xf32, #tpu.memory_space<vmem_shared>>) target_semaphore(%run_scoped3A : memref<!tpu.dma_semaphore, #tpu.memory_space<semaphore_mem>>)
      %dma_wait3A = arith.constant 0 : i32
      %dma_wait3A_19 = tpu.memref_slice %arg16[%mul3A_2, %dma_wait3A] : memref<10016x8xf32, #tpu.memory_space<vmem_shared>> -> memref<626x8xf32, #tpu.memory_space<vmem_shared>>
      %dma_wait3A_20 = arith.constant 0 : i32
      %dma_wait3A_21 = tpu.memref_slice %arg6[%mul3A_2, %dma_wait3A_20] : memref<10016x8xf32, #tpu.memory_space<hbm>> -> memref<626x8xf32, #tpu.memory_space<hbm>>
      tpu.wait_dma2 semaphore(%run_scoped3A : memref<!tpu.dma_semaphore, #tpu.memory_space<semaphore_mem>>) src(%dma_wait3A_21 : memref<626x8xf32, #tpu.memory_space<hbm>>) dst(%dma_wait3A_19 : memref<626x8xf32, #tpu.memory_space<vmem_shared>>)
      tpu.yield
    }) : () -> ()
    %barrier3A = arith.constant 0 : index
    tpu.barrier barrier_id(%barrier3A)
    %scan3A = arith.constant 0 : i32
    %scan3A_3 = arith.constant 0 : i32
    %scan3A_4 = arith.constant 27 : i32
    %scan3A_5 = arith.addi %scan3A_3, %scan3A_4 : i32
    %scan3A_6 = arith.constant 1 : i32
    scf.for %scan3A_16 = %scan3A_3 to %scan3A_5 step %scan3A_6  : i32 {
      %mul3A_17 = arith.constant 10368 : i32
      %mul3A_18 = arith.muli %add3A, %mul3A_17 : i32
      %mul3A_19 = arith.constant 384 : i32
      %mul3A_20 = arith.muli %scan3A_16, %mul3A_19 : i32
      %add3A_21 = arith.addi %mul3A_18, %mul3A_20 : i32
      "tpu.region"() ({
        %run_scoped3A_147 = tpu.sem_alloc : memref<!tpu.dma_semaphore, #tpu.memory_space<semaphore_mem>>
        %dma_start3A_148 = tpu.memref_slice %arg2[%add3A_21] : memref<331776xi32, #tpu.memory_space<hbm>> -> memref<384xi32, #tpu.memory_space<hbm>>
        %dma_start3A_149 = tpu.memref_slice %arg2[%add3A_21] : memref<331776xi32, #tpu.memory_space<hbm>> -> memref<384xi32, #tpu.memory_space<hbm>>
        tpu.enqueue_dma source(%dma_start3A_149 : memref<384xi32, #tpu.memory_space<hbm>>) target(%arg10 : memref<384xi32, #tpu.memory_space<vmem>>) target_semaphore(%run_scoped3A_147 : memref<!tpu.dma_semaphore, #tpu.memory_space<semaphore_mem>>)
        %dma_wait3A_150 = tpu.memref_slice %arg2[%add3A_21] : memref<331776xi32, #tpu.memory_space<hbm>> -> memref<384xi32, #tpu.memory_space<hbm>>
        %dma_wait3A_151 = tpu.memref_slice %arg2[%add3A_21] : memref<331776xi32, #tpu.memory_space<hbm>> -> memref<384xi32, #tpu.memory_space<hbm>>
        tpu.wait_dma2 semaphore(%run_scoped3A_147 : memref<!tpu.dma_semaphore, #tpu.memory_space<semaphore_mem>>) src(%dma_wait3A_151 : memref<384xi32, #tpu.memory_space<hbm>>) dst(%arg10 : memref<384xi32, #tpu.memory_space<vmem>>)
        tpu.yield
      }) : () -> ()
      %add3A_22 = arith.constant 0 : i32
      %add3A_23 = arith.addi %add3A_21, %add3A_22 : i32
      %run_scoped3A = arith.constant 0 : i32
      "tpu.region"() ({
        %run_scoped3A_147 = tpu.sem_alloc : memref<!tpu.dma_semaphore, #tpu.memory_space<semaphore_mem>>
        %dma_start3A_148 = arith.constant 0 : i32
        %dma_start3A_149 = tpu.memref_slice %arg11[%run_scoped3A, %dma_start3A_148] : memref<3x128xi32, #tpu.memory_space<vmem>> -> memref<1x128xi32, #tpu.memory_space<vmem>>
        %dma_start3A_150 = tpu.memref_squeeze %dma_start3A_149 : memref<1x128xi32, #tpu.memory_space<vmem>> -> memref<128xi32, #tpu.memory_space<vmem>>
        %dma_start3A_151 = tpu.memref_slice %arg3[%add3A_23] : memref<331776xi32, #tpu.memory_space<hbm>> -> memref<128xi32, #tpu.memory_space<hbm>>
        %dma_start3A_152 = arith.constant 0 : i32
        %dma_start3A_153 = tpu.memref_slice %arg11[%run_scoped3A, %dma_start3A_152] : memref<3x128xi32, #tpu.memory_space<vmem>> -> memref<1x128xi32, #tpu.memory_space<vmem>>
        %dma_start3A_154 = tpu.memref_squeeze %dma_start3A_153 : memref<1x128xi32, #tpu.memory_space<vmem>> -> memref<128xi32, #tpu.memory_space<vmem>>
        %dma_start3A_155 = tpu.memref_slice %arg3[%add3A_23] : memref<331776xi32, #tpu.memory_space<hbm>> -> memref<128xi32, #tpu.memory_space<hbm>>
        tpu.enqueue_dma source(%dma_start3A_155 : memref<128xi32, #tpu.memory_space<hbm>>) target(%dma_start3A_154 : memref<128xi32, #tpu.memory_space<vmem>>) target_semaphore(%run_scoped3A_147 : memref<!tpu.dma_semaphore, #tpu.memory_space<semaphore_mem>>)
        %dma_wait3A_156 = arith.constant 0 : i32
        %dma_wait3A_157 = tpu.memref_slice %arg11[%run_scoped3A, %dma_wait3A_156] : memref<3x128xi32, #tpu.memory_space<vmem>> -> memref<1x128xi32, #tpu.memory_space<vmem>>
        %dma_wait3A_158 = tpu.memref_squeeze %dma_wait3A_157 : memref<1x128xi32, #tpu.memory_space<vmem>> -> memref<128xi32, #tpu.memory_space<vmem>>
        %dma_wait3A_159 = tpu.memref_slice %arg3[%add3A_23] : memref<331776xi32, #tpu.memory_space<hbm>> -> memref<128xi32, #tpu.memory_space<hbm>>
        %dma_wait3A_160 = arith.constant 0 : i32
        %dma_wait3A_161 = tpu.memref_slice %arg11[%run_scoped3A, %dma_wait3A_160] : memref<3x128xi32, #tpu.memory_space<vmem>> -> memref<1x128xi32, #tpu.memory_space<vmem>>
        %dma_wait3A_162 = tpu.memref_squeeze %dma_wait3A_161 : memref<1x128xi32, #tpu.memory_space<vmem>> -> memref<128xi32, #tpu.memory_space<vmem>>
        %dma_wait3A_163 = tpu.memref_slice %arg3[%add3A_23] : memref<331776xi32, #tpu.memory_space<hbm>> -> memref<128xi32, #tpu.memory_space<hbm>>
        tpu.wait_dma2 semaphore(%run_scoped3A_147 : memref<!tpu.dma_semaphore, #tpu.memory_space<semaphore_mem>>) src(%dma_wait3A_163 : memref<128xi32, #tpu.memory_space<hbm>>) dst(%dma_wait3A_162 : memref<128xi32, #tpu.memory_space<vmem>>)
        tpu.yield
      }) : () -> ()
      %add3A_24 = arith.constant 128 : i32
      %add3A_25 = arith.addi %add3A_21, %add3A_24 : i32
      %run_scoped3A_26 = arith.constant 1 : i32
      "tpu.region"() ({
        %run_scoped3A_147 = tpu.sem_alloc : memref<!tpu.dma_semaphore, #tpu.memory_space<semaphore_mem>>
        %dma_start3A_148 = arith.constant 0 : i32
        %dma_start3A_149 = tpu.memref_slice %arg11[%run_scoped3A_26, %dma_start3A_148] : memref<3x128xi32, #tpu.memory_space<vmem>> -> memref<1x128xi32, #tpu.memory_space<vmem>>
        %dma_start3A_150 = tpu.memref_squeeze %dma_start3A_149 : memref<1x128xi32, #tpu.memory_space<vmem>> -> memref<128xi32, #tpu.memory_space<vmem>>
        %dma_start3A_151 = tpu.memref_slice %arg3[%add3A_25] : memref<331776xi32, #tpu.memory_space<hbm>> -> memref<128xi32, #tpu.memory_space<hbm>>
        %dma_start3A_152 = arith.constant 0 : i32
        %dma_start3A_153 = tpu.memref_slice %arg11[%run_scoped3A_26, %dma_start3A_152] : memref<3x128xi32, #tpu.memory_space<vmem>> -> memref<1x128xi32, #tpu.memory_space<vmem>>
        %dma_start3A_154 = tpu.memref_squeeze %dma_start3A_153 : memref<1x128xi32, #tpu.memory_space<vmem>> -> memref<128xi32, #tpu.memory_space<vmem>>
        %dma_start3A_155 = tpu.memref_slice %arg3[%add3A_25] : memref<331776xi32, #tpu.memory_space<hbm>> -> memref<128xi32, #tpu.memory_space<hbm>>
        tpu.enqueue_dma source(%dma_start3A_155 : memref<128xi32, #tpu.memory_space<hbm>>) target(%dma_start3A_154 : memref<128xi32, #tpu.memory_space<vmem>>) target_semaphore(%run_scoped3A_147 : memref<!tpu.dma_semaphore, #tpu.memory_space<semaphore_mem>>)
        %dma_wait3A_156 = arith.constant 0 : i32
        %dma_wait3A_157 = tpu.memref_slice %arg11[%run_scoped3A_26, %dma_wait3A_156] : memref<3x128xi32, #tpu.memory_space<vmem>> -> memref<1x128xi32, #tpu.memory_space<vmem>>
        %dma_wait3A_158 = tpu.memref_squeeze %dma_wait3A_157 : memref<1x128xi32, #tpu.memory_space<vmem>> -> memref<128xi32, #tpu.memory_space<vmem>>
        %dma_wait3A_159 = tpu.memref_slice %arg3[%add3A_25] : memref<331776xi32, #tpu.memory_space<hbm>> -> memref<128xi32, #tpu.memory_space<hbm>>
        %dma_wait3A_160 = arith.constant 0 : i32
        %dma_wait3A_161 = tpu.memref_slice %arg11[%run_scoped3A_26, %dma_wait3A_160] : memref<3x128xi32, #tpu.memory_space<vmem>> -> memref<1x128xi32, #tpu.memory_space<vmem>>
        %dma_wait3A_162 = tpu.memref_squeeze %dma_wait3A_161 : memref<1x128xi32, #tpu.memory_space<vmem>> -> memref<128xi32, #tpu.memory_space<vmem>>
        %dma_wait3A_163 = tpu.memref_slice %arg3[%add3A_25] : memref<331776xi32, #tpu.memory_space<hbm>> -> memref<128xi32, #tpu.memory_space<hbm>>
        tpu.wait_dma2 semaphore(%run_scoped3A_147 : memref<!tpu.dma_semaphore, #tpu.memory_space<semaphore_mem>>) src(%dma_wait3A_163 : memref<128xi32, #tpu.memory_space<hbm>>) dst(%dma_wait3A_162 : memref<128xi32, #tpu.memory_space<vmem>>)
        tpu.yield
      }) : () -> ()
      %add3A_27 = arith.constant 256 : i32
      %add3A_28 = arith.addi %add3A_21, %add3A_27 : i32
      %run_scoped3A_29 = arith.constant 2 : i32
      "tpu.region"() ({
        %run_scoped3A_147 = tpu.sem_alloc : memref<!tpu.dma_semaphore, #tpu.memory_space<semaphore_mem>>
        %dma_start3A_148 = arith.constant 0 : i32
        %dma_start3A_149 = tpu.memref_slice %arg11[%run_scoped3A_29, %dma_start3A_148] : memref<3x128xi32, #tpu.memory_space<vmem>> -> memref<1x128xi32, #tpu.memory_space<vmem>>
        %dma_start3A_150 = tpu.memref_squeeze %dma_start3A_149 : memref<1x128xi32, #tpu.memory_space<vmem>> -> memref<128xi32, #tpu.memory_space<vmem>>
        %dma_start3A_151 = tpu.memref_slice %arg3[%add3A_28] : memref<331776xi32, #tpu.memory_space<hbm>> -> memref<128xi32, #tpu.memory_space<hbm>>
        %dma_start3A_152 = arith.constant 0 : i32
        %dma_start3A_153 = tpu.memref_slice %arg11[%run_scoped3A_29, %dma_start3A_152] : memref<3x128xi32, #tpu.memory_space<vmem>> -> memref<1x128xi32, #tpu.memory_space<vmem>>
        %dma_start3A_154 = tpu.memref_squeeze %dma_start3A_153 : memref<1x128xi32, #tpu.memory_space<vmem>> -> memref<128xi32, #tpu.memory_space<vmem>>
        %dma_start3A_155 = tpu.memref_slice %arg3[%add3A_28] : memref<331776xi32, #tpu.memory_space<hbm>> -> memref<128xi32, #tpu.memory_space<hbm>>
        tpu.enqueue_dma source(%dma_start3A_155 : memref<128xi32, #tpu.memory_space<hbm>>) target(%dma_start3A_154 : memref<128xi32, #tpu.memory_space<vmem>>) target_semaphore(%run_scoped3A_147 : memref<!tpu.dma_semaphore, #tpu.memory_space<semaphore_mem>>)
        %dma_wait3A_156 = arith.constant 0 : i32
        %dma_wait3A_157 = tpu.memref_slice %arg11[%run_scoped3A_29, %dma_wait3A_156] : memref<3x128xi32, #tpu.memory_space<vmem>> -> memref<1x128xi32, #tpu.memory_space<vmem>>
        %dma_wait3A_158 = tpu.memref_squeeze %dma_wait3A_157 : memref<1x128xi32, #tpu.memory_space<vmem>> -> memref<128xi32, #tpu.memory_space<vmem>>
        %dma_wait3A_159 = tpu.memref_slice %arg3[%add3A_28] : memref<331776xi32, #tpu.memory_space<hbm>> -> memref<128xi32, #tpu.memory_space<hbm>>
        %dma_wait3A_160 = arith.constant 0 : i32
        %dma_wait3A_161 = tpu.memref_slice %arg11[%run_scoped3A_29, %dma_wait3A_160] : memref<3x128xi32, #tpu.memory_space<vmem>> -> memref<1x128xi32, #tpu.memory_space<vmem>>
        %dma_wait3A_162 = tpu.memref_squeeze %dma_wait3A_161 : memref<1x128xi32, #tpu.memory_space<vmem>> -> memref<128xi32, #tpu.memory_space<vmem>>
        %dma_wait3A_163 = tpu.memref_slice %arg3[%add3A_28] : memref<331776xi32, #tpu.memory_space<hbm>> -> memref<128xi32, #tpu.memory_space<hbm>>
        tpu.wait_dma2 semaphore(%run_scoped3A_147 : memref<!tpu.dma_semaphore, #tpu.memory_space<semaphore_mem>>) src(%dma_wait3A_163 : memref<128xi32, #tpu.memory_space<hbm>>) dst(%dma_wait3A_162 : memref<128xi32, #tpu.memory_space<vmem>>)
        tpu.yield
      }) : () -> ()
      %dma_start3A = arith.constant 0 : i32
      %dma_start3A_30 = arith.constant 0 : i32
      %dma_start3A_31 = tpu.memref_slice %arg12[%dma_start3A, %dma_start3A_30] : memref<384x8xf32, #tpu.memory_space<vmem>> -> memref<128x8xf32, #tpu.memory_space<vmem>>
      %dma_start3A_32 = arith.constant 0 : i32
      %dma_start3A_33 = tpu.memref_slice %arg10[%dma_start3A_32] : memref<384xi32, #tpu.memory_space<vmem>> -> memref<128xi32, #tpu.memory_space<vmem>>
      %dma_start3A_34 = arith.constant 0 : i32
      %dma_start3A_35 = arith.constant 0 : i32
      %dma_start3A_36 = tpu.memref_slice %arg4[%dma_start3A_34, %dma_start3A_35] : memref<10240x8xf32, #tpu.memory_space<hbm>> -> memref<10240x8xf32, #tpu.memory_space<hbm>>
      tpu.enqueue_indirect_dma source(%dma_start3A_36 : memref<10240x8xf32, #tpu.memory_space<hbm>>) target(%dma_start3A_31 : memref<128x8xf32, #tpu.memory_space<vmem>>) offsets(%dma_start3A_33 : memref<128xi32, #tpu.memory_space<vmem>>) semaphore(%arg17 : memref<!tpu.dma_semaphore, #tpu.memory_space<semaphore_mem>>)
      %dma_wait3A = arith.constant 0 : i32
      %dma_wait3A_37 = arith.constant 0 : i32
      %dma_wait3A_38 = tpu.memref_slice %arg12[%dma_wait3A, %dma_wait3A_37] : memref<384x8xf32, #tpu.memory_space<vmem>> -> memref<128x8xf32, #tpu.memory_space<vmem>>
      %dma_wait3A_39 = arith.constant 0 : i32
      %dma_wait3A_40 = tpu.memref_slice %arg10[%dma_wait3A_39] : memref<384xi32, #tpu.memory_space<vmem>> -> memref<128xi32, #tpu.memory_space<vmem>>
      %dma_wait3A_41 = arith.constant 0 : i32
      %dma_wait3A_42 = arith.constant 0 : i32
      %dma_wait3A_43 = tpu.memref_slice %arg4[%dma_wait3A_41, %dma_wait3A_42] : memref<10240x8xf32, #tpu.memory_space<hbm>> -> memref<10240x8xf32, #tpu.memory_space<hbm>>
      tpu.wait_indirect_dma semaphore(%arg17 : memref<!tpu.dma_semaphore, #tpu.memory_space<semaphore_mem>>) src(%dma_wait3A_43 : memref<10240x8xf32, #tpu.memory_space<hbm>>) dst(%dma_wait3A_38 : memref<128x8xf32, #tpu.memory_space<vmem>>)
      %dma_start3A_44 = arith.constant 0 : i32
      %dma_start3A_45 = arith.constant 0 : i32
      %dma_start3A_46 = arith.constant 0 : i32
      %dma_start3A_47 = tpu.memref_slice %arg13[%dma_start3A_45, %dma_start3A_46] : memref<384x8xf32, #tpu.memory_space<vmem>> -> memref<128x8xf32, #tpu.memory_space<vmem>>
      %dma_start3A_48 = arith.constant 0 : i32
      %dma_start3A_49 = tpu.memref_slice %arg11[%dma_start3A_44, %dma_start3A_48] : memref<3x128xi32, #tpu.memory_space<vmem>> -> memref<1x128xi32, #tpu.memory_space<vmem>>
      %dma_start3A_50 = tpu.memref_squeeze %dma_start3A_49 : memref<1x128xi32, #tpu.memory_space<vmem>> -> memref<128xi32, #tpu.memory_space<vmem>>
      %dma_start3A_51 = arith.constant 0 : i32
      %dma_start3A_52 = arith.constant 0 : i32
      %dma_start3A_53 = tpu.memref_slice %arg5[%dma_start3A_51, %dma_start3A_52] : memref<10240x8xf32, #tpu.memory_space<hbm>> -> memref<10240x8xf32, #tpu.memory_space<hbm>>
      tpu.enqueue_indirect_dma source(%dma_start3A_53 : memref<10240x8xf32, #tpu.memory_space<hbm>>) target(%dma_start3A_47 : memref<128x8xf32, #tpu.memory_space<vmem>>) offsets(%dma_start3A_50 : memref<128xi32, #tpu.memory_space<vmem>>) semaphore(%arg17 : memref<!tpu.dma_semaphore, #tpu.memory_space<semaphore_mem>>)
      %dma_wait3A_54 = arith.constant 0 : i32
      %dma_wait3A_55 = arith.constant 0 : i32
      %dma_wait3A_56 = arith.constant 0 : i32
      %dma_wait3A_57 = tpu.memref_slice %arg13[%dma_wait3A_55, %dma_wait3A_56] : memref<384x8xf32, #tpu.memory_space<vmem>> -> memref<128x8xf32, #tpu.memory_space<vmem>>
      %dma_wait3A_58 = arith.constant 0 : i32
      %dma_wait3A_59 = tpu.memref_slice %arg11[%dma_wait3A_54, %dma_wait3A_58] : memref<3x128xi32, #tpu.memory_space<vmem>> -> memref<1x128xi32, #tpu.memory_space<vmem>>
      %dma_wait3A_60 = tpu.memref_squeeze %dma_wait3A_59 : memref<1x128xi32, #tpu.memory_space<vmem>> -> memref<128xi32, #tpu.memory_space<vmem>>
      %dma_wait3A_61 = arith.constant 0 : i32
      %dma_wait3A_62 = arith.constant 0 : i32
      %dma_wait3A_63 = tpu.memref_slice %arg5[%dma_wait3A_61, %dma_wait3A_62] : memref<10240x8xf32, #tpu.memory_space<hbm>> -> memref<10240x8xf32, #tpu.memory_space<hbm>>
      tpu.wait_indirect_dma semaphore(%arg17 : memref<!tpu.dma_semaphore, #tpu.memory_space<semaphore_mem>>) src(%dma_wait3A_63 : memref<10240x8xf32, #tpu.memory_space<hbm>>) dst(%dma_wait3A_57 : memref<128x8xf32, #tpu.memory_space<vmem>>)
      %dma_start3A_64 = arith.constant 128 : i32
      %dma_start3A_65 = arith.constant 0 : i32
      %dma_start3A_66 = tpu.memref_slice %arg12[%dma_start3A_64, %dma_start3A_65] : memref<384x8xf32, #tpu.memory_space<vmem>> -> memref<128x8xf32, #tpu.memory_space<vmem>>
      %dma_start3A_67 = arith.constant 128 : i32
      %dma_start3A_68 = tpu.memref_slice %arg10[%dma_start3A_67] : memref<384xi32, #tpu.memory_space<vmem>> -> memref<128xi32, #tpu.memory_space<vmem>>
      %dma_start3A_69 = arith.constant 0 : i32
      %dma_start3A_70 = arith.constant 0 : i32
      %dma_start3A_71 = tpu.memref_slice %arg4[%dma_start3A_69, %dma_start3A_70] : memref<10240x8xf32, #tpu.memory_space<hbm>> -> memref<10240x8xf32, #tpu.memory_space<hbm>>
      tpu.enqueue_indirect_dma source(%dma_start3A_71 : memref<10240x8xf32, #tpu.memory_space<hbm>>) target(%dma_start3A_66 : memref<128x8xf32, #tpu.memory_space<vmem>>) offsets(%dma_start3A_68 : memref<128xi32, #tpu.memory_space<vmem>>) semaphore(%arg17 : memref<!tpu.dma_semaphore, #tpu.memory_space<semaphore_mem>>)
      %dma_wait3A_72 = arith.constant 128 : i32
      %dma_wait3A_73 = arith.constant 0 : i32
      %dma_wait3A_74 = tpu.memref_slice %arg12[%dma_wait3A_72, %dma_wait3A_73] : memref<384x8xf32, #tpu.memory_space<vmem>> -> memref<128x8xf32, #tpu.memory_space<vmem>>
      %dma_wait3A_75 = arith.constant 128 : i32
      %dma_wait3A_76 = tpu.memref_slice %arg10[%dma_wait3A_75] : memref<384xi32, #tpu.memory_space<vmem>> -> memref<128xi32, #tpu.memory_space<vmem>>
      %dma_wait3A_77 = arith.constant 0 : i32
      %dma_wait3A_78 = arith.constant 0 : i32
      %dma_wait3A_79 = tpu.memref_slice %arg4[%dma_wait3A_77, %dma_wait3A_78] : memref<10240x8xf32, #tpu.memory_space<hbm>> -> memref<10240x8xf32, #tpu.memory_space<hbm>>
      tpu.wait_indirect_dma semaphore(%arg17 : memref<!tpu.dma_semaphore, #tpu.memory_space<semaphore_mem>>) src(%dma_wait3A_79 : memref<10240x8xf32, #tpu.memory_space<hbm>>) dst(%dma_wait3A_74 : memref<128x8xf32, #tpu.memory_space<vmem>>)
      %dma_start3A_80 = arith.constant 1 : i32
      %dma_start3A_81 = arith.constant 128 : i32
      %dma_start3A_82 = arith.constant 0 : i32
      %dma_start3A_83 = tpu.memref_slice %arg13[%dma_start3A_81, %dma_start3A_82] : memref<384x8xf32, #tpu.memory_space<vmem>> -> memref<128x8xf32, #tpu.memory_space<vmem>>
      %dma_start3A_84 = arith.constant 0 : i32
      %dma_start3A_85 = tpu.memref_slice %arg11[%dma_start3A_80, %dma_start3A_84] : memref<3x128xi32, #tpu.memory_space<vmem>> -> memref<1x128xi32, #tpu.memory_space<vmem>>
      %dma_start3A_86 = tpu.memref_squeeze %dma_start3A_85 : memref<1x128xi32, #tpu.memory_space<vmem>> -> memref<128xi32, #tpu.memory_space<vmem>>
      %dma_start3A_87 = arith.constant 0 : i32
      %dma_start3A_88 = arith.constant 0 : i32
      %dma_start3A_89 = tpu.memref_slice %arg5[%dma_start3A_87, %dma_start3A_88] : memref<10240x8xf32, #tpu.memory_space<hbm>> -> memref<10240x8xf32, #tpu.memory_space<hbm>>
      tpu.enqueue_indirect_dma source(%dma_start3A_89 : memref<10240x8xf32, #tpu.memory_space<hbm>>) target(%dma_start3A_83 : memref<128x8xf32, #tpu.memory_space<vmem>>) offsets(%dma_start3A_86 : memref<128xi32, #tpu.memory_space<vmem>>) semaphore(%arg17 : memref<!tpu.dma_semaphore, #tpu.memory_space<semaphore_mem>>)
      %dma_wait3A_90 = arith.constant 1 : i32
      %dma_wait3A_91 = arith.constant 128 : i32
      %dma_wait3A_92 = arith.constant 0 : i32
      %dma_wait3A_93 = tpu.memref_slice %arg13[%dma_wait3A_91, %dma_wait3A_92] : memref<384x8xf32, #tpu.memory_space<vmem>> -> memref<128x8xf32, #tpu.memory_space<vmem>>
      %dma_wait3A_94 = arith.constant 0 : i32
      %dma_wait3A_95 = tpu.memref_slice %arg11[%dma_wait3A_90, %dma_wait3A_94] : memref<3x128xi32, #tpu.memory_space<vmem>> -> memref<1x128xi32, #tpu.memory_space<vmem>>
      %dma_wait3A_96 = tpu.memref_squeeze %dma_wait3A_95 : memref<1x128xi32, #tpu.memory_space<vmem>> -> memref<128xi32, #tpu.memory_space<vmem>>
      %dma_wait3A_97 = arith.constant 0 : i32
      %dma_wait3A_98 = arith.constant 0 : i32
      %dma_wait3A_99 = tpu.memref_slice %arg5[%dma_wait3A_97, %dma_wait3A_98] : memref<10240x8xf32, #tpu.memory_space<hbm>> -> memref<10240x8xf32, #tpu.memory_space<hbm>>
      tpu.wait_indirect_dma semaphore(%arg17 : memref<!tpu.dma_semaphore, #tpu.memory_space<semaphore_mem>>) src(%dma_wait3A_99 : memref<10240x8xf32, #tpu.memory_space<hbm>>) dst(%dma_wait3A_93 : memref<128x8xf32, #tpu.memory_space<vmem>>)
      %dma_start3A_100 = arith.constant 256 : i32
      %dma_start3A_101 = arith.constant 0 : i32
      %dma_start3A_102 = tpu.memref_slice %arg12[%dma_start3A_100, %dma_start3A_101] : memref<384x8xf32, #tpu.memory_space<vmem>> -> memref<128x8xf32, #tpu.memory_space<vmem>>
      %dma_start3A_103 = arith.constant 256 : i32
      %dma_start3A_104 = tpu.memref_slice %arg10[%dma_start3A_103] : memref<384xi32, #tpu.memory_space<vmem>> -> memref<128xi32, #tpu.memory_space<vmem>>
      %dma_start3A_105 = arith.constant 0 : i32
      %dma_start3A_106 = arith.constant 0 : i32
      %dma_start3A_107 = tpu.memref_slice %arg4[%dma_start3A_105, %dma_start3A_106] : memref<10240x8xf32, #tpu.memory_space<hbm>> -> memref<10240x8xf32, #tpu.memory_space<hbm>>
      tpu.enqueue_indirect_dma source(%dma_start3A_107 : memref<10240x8xf32, #tpu.memory_space<hbm>>) target(%dma_start3A_102 : memref<128x8xf32, #tpu.memory_space<vmem>>) offsets(%dma_start3A_104 : memref<128xi32, #tpu.memory_space<vmem>>) semaphore(%arg17 : memref<!tpu.dma_semaphore, #tpu.memory_space<semaphore_mem>>)
      %dma_wait3A_108 = arith.constant 256 : i32
      %dma_wait3A_109 = arith.constant 0 : i32
      %dma_wait3A_110 = tpu.memref_slice %arg12[%dma_wait3A_108, %dma_wait3A_109] : memref<384x8xf32, #tpu.memory_space<vmem>> -> memref<128x8xf32, #tpu.memory_space<vmem>>
      %dma_wait3A_111 = arith.constant 256 : i32
      %dma_wait3A_112 = tpu.memref_slice %arg10[%dma_wait3A_111] : memref<384xi32, #tpu.memory_space<vmem>> -> memref<128xi32, #tpu.memory_space<vmem>>
      %dma_wait3A_113 = arith.constant 0 : i32
      %dma_wait3A_114 = arith.constant 0 : i32
      %dma_wait3A_115 = tpu.memref_slice %arg4[%dma_wait3A_113, %dma_wait3A_114] : memref<10240x8xf32, #tpu.memory_space<hbm>> -> memref<10240x8xf32, #tpu.memory_space<hbm>>
      tpu.wait_indirect_dma semaphore(%arg17 : memref<!tpu.dma_semaphore, #tpu.memory_space<semaphore_mem>>) src(%dma_wait3A_115 : memref<10240x8xf32, #tpu.memory_space<hbm>>) dst(%dma_wait3A_110 : memref<128x8xf32, #tpu.memory_space<vmem>>)
      %dma_start3A_116 = arith.constant 2 : i32
      %dma_start3A_117 = arith.constant 256 : i32
      %dma_start3A_118 = arith.constant 0 : i32
      %dma_start3A_119 = tpu.memref_slice %arg13[%dma_start3A_117, %dma_start3A_118] : memref<384x8xf32, #tpu.memory_space<vmem>> -> memref<128x8xf32, #tpu.memory_space<vmem>>
      %dma_start3A_120 = arith.constant 0 : i32
      %dma_start3A_121 = tpu.memref_slice %arg11[%dma_start3A_116, %dma_start3A_120] : memref<3x128xi32, #tpu.memory_space<vmem>> -> memref<1x128xi32, #tpu.memory_space<vmem>>
      %dma_start3A_122 = tpu.memref_squeeze %dma_start3A_121 : memref<1x128xi32, #tpu.memory_space<vmem>> -> memref<128xi32, #tpu.memory_space<vmem>>
      %dma_start3A_123 = arith.constant 0 : i32
      %dma_start3A_124 = arith.constant 0 : i32
      %dma_start3A_125 = tpu.memref_slice %arg5[%dma_start3A_123, %dma_start3A_124] : memref<10240x8xf32, #tpu.memory_space<hbm>> -> memref<10240x8xf32, #tpu.memory_space<hbm>>
      tpu.enqueue_indirect_dma source(%dma_start3A_125 : memref<10240x8xf32, #tpu.memory_space<hbm>>) target(%dma_start3A_119 : memref<128x8xf32, #tpu.memory_space<vmem>>) offsets(%dma_start3A_122 : memref<128xi32, #tpu.memory_space<vmem>>) semaphore(%arg17 : memref<!tpu.dma_semaphore, #tpu.memory_space<semaphore_mem>>)
      %dma_wait3A_126 = arith.constant 2 : i32
      %dma_wait3A_127 = arith.constant 256 : i32
      %dma_wait3A_128 = arith.constant 0 : i32
      %dma_wait3A_129 = tpu.memref_slice %arg13[%dma_wait3A_127, %dma_wait3A_128] : memref<384x8xf32, #tpu.memory_space<vmem>> -> memref<128x8xf32, #tpu.memory_space<vmem>>
      %dma_wait3A_130 = arith.constant 0 : i32
      %dma_wait3A_131 = tpu.memref_slice %arg11[%dma_wait3A_126, %dma_wait3A_130] : memref<3x128xi32, #tpu.memory_space<vmem>> -> memref<1x128xi32, #tpu.memory_space<vmem>>
      %dma_wait3A_132 = tpu.memref_squeeze %dma_wait3A_131 : memref<1x128xi32, #tpu.memory_space<vmem>> -> memref<128xi32, #tpu.memory_space<vmem>>
      %dma_wait3A_133 = arith.constant 0 : i32
      %dma_wait3A_134 = arith.constant 0 : i32
      %dma_wait3A_135 = tpu.memref_slice %arg5[%dma_wait3A_133, %dma_wait3A_134] : memref<10240x8xf32, #tpu.memory_space<hbm>> -> memref<10240x8xf32, #tpu.memory_space<hbm>>
      tpu.wait_indirect_dma semaphore(%arg17 : memref<!tpu.dma_semaphore, #tpu.memory_space<semaphore_mem>>) src(%dma_wait3A_135 : memref<10240x8xf32, #tpu.memory_space<hbm>>) dst(%dma_wait3A_129 : memref<128x8xf32, #tpu.memory_space<vmem>>)
      %scan3A_136 = arith.constant 0 : i32
      %scan3A_137 = arith.constant 0 : i32
      %scan3A_138 = arith.constant 192 : i32
      %scan3A_139 = arith.addi %scan3A_137, %scan3A_138 : i32
      %scan3A_140 = arith.constant 1 : i32
      scf.for %scan3A_147 = %scan3A_137 to %scan3A_139 step %scan3A_140  : i32 {
        %mul3A_148 = arith.constant 16 : i32
        %mul3A_149 = arith.muli %scan3A_147, %mul3A_148 : i32
        %iota3A = tpu.iota {dimensions = array<i32: 0>} : vector<16xi32>
        %add3A_150 = vector.broadcast %mul3A_149 : i32 to vector<16xi32>
        %add3A_151 = arith.addi %add3A_150, %iota3A : vector<16xi32>
        %shift_right_logical3A = arith.constant 3 : i32
        %shift_right_logical3A_152 = vector.broadcast %shift_right_logical3A : i32 to vector<16xi32>
        %shift_right_logical3A_153 = arith.shrui %add3A_151, %shift_right_logical3A_152 : vector<16xi32>
        %and3A = arith.constant 7 : i32
        %and3A_154 = vector.broadcast %and3A : i32 to vector<16xi32>
        %and3A_155 = arith.andi %add3A_151, %and3A_154 : vector<16xi32>
        %gather3A = tpu.vector_load_idx %arg12[%shift_right_logical3A_153, %and3A_155] : memref<384x8xf32, #tpu.memory_space<vmem>>[vector<16xi32>, vector<16xi32>], vector<16xf32>,
        %gather3A_156 = tpu.vector_load_idx %arg13[%shift_right_logical3A_153, %and3A_155] : memref<384x8xf32, #tpu.memory_space<vmem>>[vector<16xi32>, vector<16xi32>], vector<16xf32>,
        %add3A_157 = arith.addf %gather3A, %gather3A_156 : vector<16xf32>
        %mul3A_158 = arith.constant 2.000000e-01 : f32
        %mul3A_159 = vector.broadcast %mul3A_158 : f32 to vector<16xf32>
        %mul3A_160 = arith.mulf %mul3A_159, %add3A_157 : vector<16xf32>
        %max3A = arith.maximumf %add3A_157, %mul3A_160 : vector<16xf32>
        %exp3A = math.exp %max3A : vector<16xf32>
        tpu.vector_store_idx %arg14[%shift_right_logical3A_153, %and3A_155], %exp3A : memref<384x8xf32, #tpu.memory_space<vmem>>[vector<16xi32>, vector<16xi32>], vector<16xf32>,
        %mul3A_161 = arith.constant 16 : i32
        %mul3A_162 = arith.muli %scan3A_147, %mul3A_161 : i32
        %swap3A = arith.index_cast %mul3A_162 : i32 to index
        %swap3A_163 = tpu.vector_load %arg15[%swap3A] {strides = array<i32>} : memref<3072xf32, #tpu.memory_space<vmem>>, vector<16xf32>,
        tpu.vector_store %arg15[%swap3A], %exp3A {strides = array<i32>} : memref<3072xf32, #tpu.memory_space<vmem>>, vector<16xf32>,
      }
      %scan3A_141 = arith.constant 192 : i32
      %mul3A_142 = arith.constant 8 : i32
      %mul3A_143 = arith.muli %add3A_21, %mul3A_142 : i32
      "tpu.region"() ({
        %run_scoped3A_147 = tpu.sem_alloc : memref<!tpu.dma_semaphore, #tpu.memory_space<semaphore_mem>>
        %dma_start3A_148 = tpu.memref_slice %arg7[%mul3A_143] : memref<2654208xf32, #tpu.memory_space<hbm>> -> memref<3072xf32, #tpu.memory_space<hbm>>
        %dma_start3A_149 = tpu.memref_slice %arg7[%mul3A_143] : memref<2654208xf32, #tpu.memory_space<hbm>> -> memref<3072xf32, #tpu.memory_space<hbm>>
        tpu.enqueue_dma source(%arg15 : memref<3072xf32, #tpu.memory_space<vmem>>) target(%dma_start3A_149 : memref<3072xf32, #tpu.memory_space<hbm>>) target_semaphore(%run_scoped3A_147 : memref<!tpu.dma_semaphore, #tpu.memory_space<semaphore_mem>>)
        %dma_wait3A_150 = tpu.memref_slice %arg7[%mul3A_143] : memref<2654208xf32, #tpu.memory_space<hbm>> -> memref<3072xf32, #tpu.memory_space<hbm>>
        %dma_wait3A_151 = tpu.memref_slice %arg7[%mul3A_143] : memref<2654208xf32, #tpu.memory_space<hbm>> -> memref<3072xf32, #tpu.memory_space<hbm>>
        tpu.wait_dma2 semaphore(%run_scoped3A_147 : memref<!tpu.dma_semaphore, #tpu.memory_space<semaphore_mem>>) src(%arg15 : memref<3072xf32, #tpu.memory_space<vmem>>) dst(%dma_wait3A_151 : memref<3072xf32, #tpu.memory_space<hbm>>)
        tpu.yield
      }) : () -> ()
      %run_scoped3A_144 = arith.constant 0 : i32
      "tpu.region"() ({
        %run_scoped3A_147 = tpu.sem_alloc : memref<!tpu.dma_semaphore, #tpu.memory_space<semaphore_mem>>
        %dma_start3A_148 = arith.constant 0 : i32
        %dma_start3A_149 = arith.constant 0 : i32
        %dma_start3A_150 = tpu.memref_slice %arg14[%dma_start3A_148, %dma_start3A_149] : memref<384x8xf32, #tpu.memory_space<vmem>> -> memref<128x8xf32, #tpu.memory_space<vmem>>
        %dma_start3A_151 = arith.constant 0 : i32
        %dma_start3A_152 = tpu.memref_slice %arg11[%run_scoped3A_144, %dma_start3A_151] : memref<3x128xi32, #tpu.memory_space<vmem>> -> memref<1x128xi32, #tpu.memory_space<vmem>>
        %dma_start3A_153 = tpu.memref_squeeze %dma_start3A_152 : memref<1x128xi32, #tpu.memory_space<vmem>> -> memref<128xi32, #tpu.memory_space<vmem>>
        %dma_start3A_154 = arith.constant 0 : i32
        %dma_start3A_155 = arith.constant 0 : i32
        %dma_start3A_156 = tpu.memref_slice %arg16[%dma_start3A_154, %dma_start3A_155] : memref<10016x8xf32, #tpu.memory_space<vmem_shared>> -> memref<10016x8xf32, #tpu.memory_space<vmem_shared>>
        tpu.enqueue_indirect_dma source(%dma_start3A_150 : memref<128x8xf32, #tpu.memory_space<vmem>>) target(%dma_start3A_156 : memref<10016x8xf32, #tpu.memory_space<vmem_shared>>) offsets(%dma_start3A_153 : memref<128xi32, #tpu.memory_space<vmem>>) semaphore(%run_scoped3A_147 : memref<!tpu.dma_semaphore, #tpu.memory_space<semaphore_mem>>) {add = true}
        %dma_wait3A_157 = arith.constant 0 : i32
        %dma_wait3A_158 = arith.constant 0 : i32
        %dma_wait3A_159 = tpu.memref_slice %arg14[%dma_wait3A_157, %dma_wait3A_158] : memref<384x8xf32, #tpu.memory_space<vmem>> -> memref<128x8xf32, #tpu.memory_space<vmem>>
        %dma_wait3A_160 = arith.constant 0 : i32
        %dma_wait3A_161 = tpu.memref_slice %arg11[%run_scoped3A_144, %dma_wait3A_160] : memref<3x128xi32, #tpu.memory_space<vmem>> -> memref<1x128xi32, #tpu.memory_space<vmem>>
        %dma_wait3A_162 = tpu.memref_squeeze %dma_wait3A_161 : memref<1x128xi32, #tpu.memory_space<vmem>> -> memref<128xi32, #tpu.memory_space<vmem>>
        %dma_wait3A_163 = arith.constant 0 : i32
        %dma_wait3A_164 = arith.constant 0 : i32
        %dma_wait3A_165 = tpu.memref_slice %arg16[%dma_wait3A_163, %dma_wait3A_164] : memref<10016x8xf32, #tpu.memory_space<vmem_shared>> -> memref<10016x8xf32, #tpu.memory_space<vmem_shared>>
        tpu.wait_indirect_dma semaphore(%run_scoped3A_147 : memref<!tpu.dma_semaphore, #tpu.memory_space<semaphore_mem>>) src(%dma_wait3A_159 : memref<128x8xf32, #tpu.memory_space<vmem>>) dst(%dma_wait3A_165 : memref<10016x8xf32, #tpu.memory_space<vmem_shared>>)
        tpu.yield
      }) : () -> ()
      %run_scoped3A_145 = arith.constant 1 : i32
      "tpu.region"() ({
        %run_scoped3A_147 = tpu.sem_alloc : memref<!tpu.dma_semaphore, #tpu.memory_space<semaphore_mem>>
        %dma_start3A_148 = arith.constant 128 : i32
        %dma_start3A_149 = arith.constant 0 : i32
        %dma_start3A_150 = tpu.memref_slice %arg14[%dma_start3A_148, %dma_start3A_149] : memref<384x8xf32, #tpu.memory_space<vmem>> -> memref<128x8xf32, #tpu.memory_space<vmem>>
        %dma_start3A_151 = arith.constant 0 : i32
        %dma_start3A_152 = tpu.memref_slice %arg11[%run_scoped3A_145, %dma_start3A_151] : memref<3x128xi32, #tpu.memory_space<vmem>> -> memref<1x128xi32, #tpu.memory_space<vmem>>
        %dma_start3A_153 = tpu.memref_squeeze %dma_start3A_152 : memref<1x128xi32, #tpu.memory_space<vmem>> -> memref<128xi32, #tpu.memory_space<vmem>>
        %dma_start3A_154 = arith.constant 0 : i32
        %dma_start3A_155 = arith.constant 0 : i32
        %dma_start3A_156 = tpu.memref_slice %arg16[%dma_start3A_154, %dma_start3A_155] : memref<10016x8xf32, #tpu.memory_space<vmem_shared>> -> memref<10016x8xf32, #tpu.memory_space<vmem_shared>>
        tpu.enqueue_indirect_dma source(%dma_start3A_150 : memref<128x8xf32, #tpu.memory_space<vmem>>) target(%dma_start3A_156 : memref<10016x8xf32, #tpu.memory_space<vmem_shared>>) offsets(%dma_start3A_153 : memref<128xi32, #tpu.memory_space<vmem>>) semaphore(%run_scoped3A_147 : memref<!tpu.dma_semaphore, #tpu.memory_space<semaphore_mem>>) {add = true}
        %dma_wait3A_157 = arith.constant 128 : i32
        %dma_wait3A_158 = arith.constant 0 : i32
        %dma_wait3A_159 = tpu.memref_slice %arg14[%dma_wait3A_157, %dma_wait3A_158] : memref<384x8xf32, #tpu.memory_space<vmem>> -> memref<128x8xf32, #tpu.memory_space<vmem>>
        %dma_wait3A_160 = arith.constant 0 : i32
        %dma_wait3A_161 = tpu.memref_slice %arg11[%run_scoped3A_145, %dma_wait3A_160] : memref<3x128xi32, #tpu.memory_space<vmem>> -> memref<1x128xi32, #tpu.memory_space<vmem>>
        %dma_wait3A_162 = tpu.memref_squeeze %dma_wait3A_161 : memref<1x128xi32, #tpu.memory_space<vmem>> -> memref<128xi32, #tpu.memory_space<vmem>>
        %dma_wait3A_163 = arith.constant 0 : i32
        %dma_wait3A_164 = arith.constant 0 : i32
        %dma_wait3A_165 = tpu.memref_slice %arg16[%dma_wait3A_163, %dma_wait3A_164] : memref<10016x8xf32, #tpu.memory_space<vmem_shared>> -> memref<10016x8xf32, #tpu.memory_space<vmem_shared>>
        tpu.wait_indirect_dma semaphore(%run_scoped3A_147 : memref<!tpu.dma_semaphore, #tpu.memory_space<semaphore_mem>>) src(%dma_wait3A_159 : memref<128x8xf32, #tpu.memory_space<vmem>>) dst(%dma_wait3A_165 : memref<10016x8xf32, #tpu.memory_space<vmem_shared>>)
        tpu.yield
      }) : () -> ()
      %run_scoped3A_146 = arith.constant 2 : i32
      "tpu.region"() ({
        %run_scoped3A_147 = tpu.sem_alloc : memref<!tpu.dma_semaphore, #tpu.memory_space<semaphore_mem>>
        %dma_start3A_148 = arith.constant 256 : i32
        %dma_start3A_149 = arith.constant 0 : i32
        %dma_start3A_150 = tpu.memref_slice %arg14[%dma_start3A_148, %dma_start3A_149] : memref<384x8xf32, #tpu.memory_space<vmem>> -> memref<128x8xf32, #tpu.memory_space<vmem>>
        %dma_start3A_151 = arith.constant 0 : i32
        %dma_start3A_152 = tpu.memref_slice %arg11[%run_scoped3A_146, %dma_start3A_151] : memref<3x128xi32, #tpu.memory_space<vmem>> -> memref<1x128xi32, #tpu.memory_space<vmem>>
        %dma_start3A_153 = tpu.memref_squeeze %dma_start3A_152 : memref<1x128xi32, #tpu.memory_space<vmem>> -> memref<128xi32, #tpu.memory_space<vmem>>
        %dma_start3A_154 = arith.constant 0 : i32
        %dma_start3A_155 = arith.constant 0 : i32
        %dma_start3A_156 = tpu.memref_slice %arg16[%dma_start3A_154, %dma_start3A_155] : memref<10016x8xf32, #tpu.memory_space<vmem_shared>> -> memref<10016x8xf32, #tpu.memory_space<vmem_shared>>
        tpu.enqueue_indirect_dma source(%dma_start3A_150 : memref<128x8xf32, #tpu.memory_space<vmem>>) target(%dma_start3A_156 : memref<10016x8xf32, #tpu.memory_space<vmem_shared>>) offsets(%dma_start3A_153 : memref<128xi32, #tpu.memory_space<vmem>>) semaphore(%run_scoped3A_147 : memref<!tpu.dma_semaphore, #tpu.memory_space<semaphore_mem>>) {add = true}
        %dma_wait3A_157 = arith.constant 256 : i32
        %dma_wait3A_158 = arith.constant 0 : i32
        %dma_wait3A_159 = tpu.memref_slice %arg14[%dma_wait3A_157, %dma_wait3A_158] : memref<384x8xf32, #tpu.memory_space<vmem>> -> memref<128x8xf32, #tpu.memory_space<vmem>>
        %dma_wait3A_160 = arith.constant 0 : i32
        %dma_wait3A_161 = tpu.memref_slice %arg11[%run_scoped3A_146, %dma_wait3A_160] : memref<3x128xi32, #tpu.memory_space<vmem>> -> memref<1x128xi32, #tpu.memory_space<vmem>>
        %dma_wait3A_162 = tpu.memref_squeeze %dma_wait3A_161 : memref<1x128xi32, #tpu.memory_space<vmem>> -> memref<128xi32, #tpu.memory_space<vmem>>
        %dma_wait3A_163 = arith.constant 0 : i32
        %dma_wait3A_164 = arith.constant 0 : i32
        %dma_wait3A_165 = tpu.memref_slice %arg16[%dma_wait3A_163, %dma_wait3A_164] : memref<10016x8xf32, #tpu.memory_space<vmem_shared>> -> memref<10016x8xf32, #tpu.memory_space<vmem_shared>>
        tpu.wait_indirect_dma semaphore(%run_scoped3A_147 : memref<!tpu.dma_semaphore, #tpu.memory_space<semaphore_mem>>) src(%dma_wait3A_159 : memref<128x8xf32, #tpu.memory_space<vmem>>) dst(%dma_wait3A_165 : memref<10016x8xf32, #tpu.memory_space<vmem_shared>>)
        tpu.yield
      }) : () -> ()
    }
    %scan3A_7 = arith.constant 27 : i32
    %barrier3A_8 = arith.constant 0 : index
    tpu.barrier barrier_id(%barrier3A_8)
    %eq3A = arith.constant 0 : i32
    %eq3A_9 = arith.cmpi eq, %arg0, %eq3A : i32
    %convert_element_type3A = arith.extui %eq3A_9 : i1 to i32
    %cond3A = arith.constant 0 : i32
    %cond3A_10 = arith.cmpi ne, %convert_element_type3A, %cond3A : i32
    scf.if %cond3A_10 {
      "tpu.region"() ({
        %run_scoped3A = tpu.sem_alloc : memref<!tpu.dma_semaphore, #tpu.memory_space<semaphore_mem>>
        %dma_start3A = arith.constant 0 : i32
        %dma_start3A_16 = tpu.memref_slice %arg8[%mul3A_2, %dma_start3A] : memref<10016x8xf32, #tpu.memory_space<hbm>> -> memref<626x8xf32, #tpu.memory_space<hbm>>
        %dma_start3A_17 = arith.constant 0 : i32
        %dma_start3A_18 = tpu.memref_slice %arg16[%mul3A_2, %dma_start3A_17] : memref<10016x8xf32, #tpu.memory_space<vmem_shared>> -> memref<626x8xf32, #tpu.memory_space<vmem_shared>>
        tpu.enqueue_dma source(%dma_start3A_18 : memref<626x8xf32, #tpu.memory_space<vmem_shared>>) target(%dma_start3A_16 : memref<626x8xf32, #tpu.memory_space<hbm>>) target_semaphore(%run_scoped3A : memref<!tpu.dma_semaphore, #tpu.memory_space<semaphore_mem>>)
        %dma_wait3A = arith.constant 0 : i32
        %dma_wait3A_19 = tpu.memref_slice %arg8[%mul3A_2, %dma_wait3A] : memref<10016x8xf32, #tpu.memory_space<hbm>> -> memref<626x8xf32, #tpu.memory_space<hbm>>
        %dma_wait3A_20 = arith.constant 0 : i32
        %dma_wait3A_21 = tpu.memref_slice %arg16[%mul3A_2, %dma_wait3A_20] : memref<10016x8xf32, #tpu.memory_space<vmem_shared>> -> memref<626x8xf32, #tpu.memory_space<vmem_shared>>
        tpu.wait_dma2 semaphore(%run_scoped3A : memref<!tpu.dma_semaphore, #tpu.memory_space<semaphore_mem>>) src(%dma_wait3A_21 : memref<626x8xf32, #tpu.memory_space<vmem_shared>>) dst(%dma_wait3A_19 : memref<626x8xf32, #tpu.memory_space<hbm>>)
        tpu.yield
      }) : () -> ()
    } else {
    }
    %eq3A_11 = arith.constant 1 : i32
    %eq3A_12 = arith.cmpi eq, %arg0, %eq3A_11 : i32
    %convert_element_type3A_13 = arith.extui %eq3A_12 : i1 to i32
    %cond3A_14 = arith.constant 0 : i32
    %cond3A_15 = arith.cmpi ne, %convert_element_type3A_13, %cond3A_14 : i32
    scf.if %cond3A_15 {
      "tpu.region"() ({
        %run_scoped3A = tpu.sem_alloc : memref<!tpu.dma_semaphore, #tpu.memory_space<semaphore_mem>>
        %dma_start3A = arith.constant 0 : i32
        %dma_start3A_16 = tpu.memref_slice %arg9[%mul3A_2, %dma_start3A] : memref<10016x8xf32, #tpu.memory_space<hbm>> -> memref<626x8xf32, #tpu.memory_space<hbm>>
        %dma_start3A_17 = arith.constant 0 : i32
        %dma_start3A_18 = tpu.memref_slice %arg16[%mul3A_2, %dma_start3A_17] : memref<10016x8xf32, #tpu.memory_space<vmem_shared>> -> memref<626x8xf32, #tpu.memory_space<vmem_shared>>
        tpu.enqueue_dma source(%dma_start3A_18 : memref<626x8xf32, #tpu.memory_space<vmem_shared>>) target(%dma_start3A_16 : memref<626x8xf32, #tpu.memory_space<hbm>>) target_semaphore(%run_scoped3A : memref<!tpu.dma_semaphore, #tpu.memory_space<semaphore_mem>>)
        %dma_wait3A = arith.constant 0 : i32
        %dma_wait3A_19 = tpu.memref_slice %arg9[%mul3A_2, %dma_wait3A] : memref<10016x8xf32, #tpu.memory_space<hbm>> -> memref<626x8xf32, #tpu.memory_space<hbm>>
        %dma_wait3A_20 = arith.constant 0 : i32
        %dma_wait3A_21 = tpu.memref_slice %arg16[%mul3A_2, %dma_wait3A_20] : memref<10016x8xf32, #tpu.memory_space<vmem_shared>> -> memref<626x8xf32, #tpu.memory_space<vmem_shared>>
        tpu.wait_dma2 semaphore(%run_scoped3A : memref<!tpu.dma_semaphore, #tpu.memory_space<semaphore_mem>>) src(%dma_wait3A_21 : memref<626x8xf32, #tpu.memory_space<vmem_shared>>) dst(%dma_wait3A_19 : memref<626x8xf32, #tpu.memory_space<hbm>>)
        tpu.yield
      }) : () -> ()
    } else {
    }
    return
  }
}

#map = affine_map<(d0, d1) -> (0)>
#map1 = affine_map<(d0, d1) -> (0, 0)>
module attributes {stable_mosaic.version = 14 : i64} {
  func.func @body(%arg0: i32, %arg1: i32, %arg2: memref<331776xi32, #tpu.memory_space<hbm>>, %arg3: memref<331776xi32, #tpu.memory_space<hbm>>, %arg4: memref<2654208xf32, #tpu.memory_space<hbm>>, %arg5: memref<10016x8xf32, #tpu.memory_space<hbm>>, %arg6: memref<10240x512xi32, #tpu.memory_space<hbm>>, %arg7: memref<10016x128xf32, #tpu.memory_space<hbm>>, %arg8: memref<10016x128xf32, #tpu.memory_space<hbm>>, %arg9: memref<10016x128xf32, #tpu.memory_space<hbm>>, %arg10: memref<32xi32, #tpu.memory_space<vmem>>, %arg11: memref<32xi32, #tpu.memory_space<vmem>>, %arg12: memref<32xi32, #tpu.memory_space<vmem>>, %arg13: memref<32xi32, #tpu.memory_space<vmem>>, %arg14: memref<256xf32, #tpu.memory_space<vmem>>, %arg15: memref<256xf32, #tpu.memory_space<vmem>>, %arg16: memref<32x8xf32, #tpu.memory_space<vmem>>, %arg17: memref<32x8xf32, #tpu.memory_space<vmem>>, %arg18: memref<256xf32, #tpu.memory_space<vmem>>, %arg19: memref<32x512xi32, #tpu.memory_space<vmem>>, %arg20: memref<32x512xi32, #tpu.memory_space<vmem>>, %arg21: memref<32x128xf32, #tpu.memory_space<vmem>>, %arg22: memref<32x128xf32, #tpu.memory_space<vmem>>, %arg23: memref<32xi32, #tpu.memory_space<vmem>>, %arg24: memref<32xi32, #tpu.memory_space<vmem>>, %arg25: memref<10016x128xf32, #tpu.memory_space<vmem_shared>>, %arg26: memref<!tpu.dma_semaphore, #tpu.memory_space<semaphore_mem>>, %arg27: memref<!tpu.dma_semaphore, #tpu.memory_space<semaphore_mem>>, %arg28: memref<!tpu.dma_semaphore, #tpu.memory_space<semaphore_mem>>, %arg29: memref<!tpu.dma_semaphore, #tpu.memory_space<semaphore_mem>>, %arg30: memref<!tpu.dma_semaphore, #tpu.memory_space<semaphore_mem>>, %arg31: memref<!tpu.dma_semaphore, #tpu.memory_space<semaphore_mem>>) attributes {dimension_semantics = [#tpu.dimension_semantics<core_parallel>, #tpu.dimension_semantics<subcore_parallel>], iteration_bounds = array<i64: 2, 16>, scalar_prefetch = 0 : i64, scratch_operands = 22 : i64, tpu.core_type = #tpu.core_type<sc_vector_subcore>, window_params = [{transform_indices = #map}, {transform_indices = #map}, {transform_indices = #map}, {transform_indices = #map1}, {transform_indices = #map1}, {transform_indices = #map1}, {transform_indices = #map1}, {transform_indices = #map1}]} {
    %mul3A = arith.constant 2 : i32
    %mul3A_0 = arith.muli %arg1, %mul3A : i32
    %add3A = arith.addi %mul3A_0, %arg0 : i32
    %mul3A_1 = arith.constant 626 : i32
    %mul3A_2 = arith.muli %arg1, %mul3A_1 : i32
    "tpu.region"() ({
      %run_scoped3A = tpu.sem_alloc : memref<!tpu.dma_semaphore, #tpu.memory_space<semaphore_mem>>
      %dma_start3A_64 = arith.constant 0 : i32
      %dma_start3A_65 = tpu.memref_slice %arg25[%mul3A_2, %dma_start3A_64] : memref<10016x128xf32, #tpu.memory_space<vmem_shared>> -> memref<626x128xf32, #tpu.memory_space<vmem_shared>>
      %dma_start3A_66 = arith.constant 0 : i32
      %dma_start3A_67 = tpu.memref_slice %arg7[%mul3A_2, %dma_start3A_66] : memref<10016x128xf32, #tpu.memory_space<hbm>> -> memref<626x128xf32, #tpu.memory_space<hbm>>
      tpu.enqueue_dma source(%dma_start3A_67 : memref<626x128xf32, #tpu.memory_space<hbm>>) target(%dma_start3A_65 : memref<626x128xf32, #tpu.memory_space<vmem_shared>>) target_semaphore(%run_scoped3A : memref<!tpu.dma_semaphore, #tpu.memory_space<semaphore_mem>>)
      %dma_wait3A_68 = arith.constant 0 : i32
      %dma_wait3A_69 = tpu.memref_slice %arg25[%mul3A_2, %dma_wait3A_68] : memref<10016x128xf32, #tpu.memory_space<vmem_shared>> -> memref<626x128xf32, #tpu.memory_space<vmem_shared>>
      %dma_wait3A_70 = arith.constant 0 : i32
      %dma_wait3A_71 = tpu.memref_slice %arg7[%mul3A_2, %dma_wait3A_70] : memref<10016x128xf32, #tpu.memory_space<hbm>> -> memref<626x128xf32, #tpu.memory_space<hbm>>
      tpu.wait_dma2 semaphore(%run_scoped3A : memref<!tpu.dma_semaphore, #tpu.memory_space<semaphore_mem>>) src(%dma_wait3A_71 : memref<626x128xf32, #tpu.memory_space<hbm>>) dst(%dma_wait3A_69 : memref<626x128xf32, #tpu.memory_space<vmem_shared>>)
      tpu.yield
    }) : () -> ()
    %barrier3A = arith.constant 0 : index
    tpu.barrier barrier_id(%barrier3A)
    %mul3A_3 = arith.constant 10368 : i32
    %mul3A_4 = arith.muli %add3A, %mul3A_3 : i32
    %add3A_5 = arith.constant 0 : i32
    %add3A_6 = arith.addi %mul3A_4, %add3A_5 : i32
    %dma_start3A = tpu.memref_slice %arg2[%add3A_6] : memref<331776xi32, #tpu.memory_space<hbm>> -> memref<32xi32, #tpu.memory_space<hbm>>
    %dma_start3A_7 = tpu.memref_slice %arg2[%add3A_6] : memref<331776xi32, #tpu.memory_space<hbm>> -> memref<32xi32, #tpu.memory_space<hbm>>
    tpu.enqueue_dma source(%dma_start3A_7 : memref<32xi32, #tpu.memory_space<hbm>>) target(%arg10 : memref<32xi32, #tpu.memory_space<vmem>>) target_semaphore(%arg26 : memref<!tpu.dma_semaphore, #tpu.memory_space<semaphore_mem>>)
    %dma_start3A_8 = tpu.memref_slice %arg3[%add3A_6] : memref<331776xi32, #tpu.memory_space<hbm>> -> memref<32xi32, #tpu.memory_space<hbm>>
    %dma_start3A_9 = tpu.memref_slice %arg3[%add3A_6] : memref<331776xi32, #tpu.memory_space<hbm>> -> memref<32xi32, #tpu.memory_space<hbm>>
    tpu.enqueue_dma source(%dma_start3A_9 : memref<32xi32, #tpu.memory_space<hbm>>) target(%arg12 : memref<32xi32, #tpu.memory_space<vmem>>) target_semaphore(%arg26 : memref<!tpu.dma_semaphore, #tpu.memory_space<semaphore_mem>>)
    %mul3A_10 = arith.constant 8 : i32
    %mul3A_11 = arith.muli %add3A_6, %mul3A_10 : i32
    %dma_start3A_12 = tpu.memref_slice %arg4[%mul3A_11] : memref<2654208xf32, #tpu.memory_space<hbm>> -> memref<256xf32, #tpu.memory_space<hbm>>
    %dma_start3A_13 = tpu.memref_slice %arg4[%mul3A_11] : memref<2654208xf32, #tpu.memory_space<hbm>> -> memref<256xf32, #tpu.memory_space<hbm>>
    tpu.enqueue_dma source(%dma_start3A_13 : memref<256xf32, #tpu.memory_space<hbm>>) target(%arg14 : memref<256xf32, #tpu.memory_space<vmem>>) target_semaphore(%arg26 : memref<!tpu.dma_semaphore, #tpu.memory_space<semaphore_mem>>)
    %add3A_14 = arith.constant 0 : i32
    %add3A_15 = arith.addi %mul3A_4, %add3A_14 : i32
    %dma_wait3A = tpu.memref_slice %arg2[%add3A_15] : memref<331776xi32, #tpu.memory_space<hbm>> -> memref<32xi32, #tpu.memory_space<hbm>>
    %dma_wait3A_16 = tpu.memref_slice %arg2[%add3A_15] : memref<331776xi32, #tpu.memory_space<hbm>> -> memref<32xi32, #tpu.memory_space<hbm>>
    tpu.wait_dma2 semaphore(%arg26 : memref<!tpu.dma_semaphore, #tpu.memory_space<semaphore_mem>>) src(%dma_wait3A_16 : memref<32xi32, #tpu.memory_space<hbm>>) dst(%arg10 : memref<32xi32, #tpu.memory_space<vmem>>)
    %dma_wait3A_17 = tpu.memref_slice %arg3[%add3A_15] : memref<331776xi32, #tpu.memory_space<hbm>> -> memref<32xi32, #tpu.memory_space<hbm>>
    %dma_wait3A_18 = tpu.memref_slice %arg3[%add3A_15] : memref<331776xi32, #tpu.memory_space<hbm>> -> memref<32xi32, #tpu.memory_space<hbm>>
    tpu.wait_dma2 semaphore(%arg26 : memref<!tpu.dma_semaphore, #tpu.memory_space<semaphore_mem>>) src(%dma_wait3A_18 : memref<32xi32, #tpu.memory_space<hbm>>) dst(%arg12 : memref<32xi32, #tpu.memory_space<vmem>>)
    %mul3A_19 = arith.constant 8 : i32
    %mul3A_20 = arith.muli %add3A_15, %mul3A_19 : i32
    %dma_wait3A_21 = tpu.memref_slice %arg4[%mul3A_20] : memref<2654208xf32, #tpu.memory_space<hbm>> -> memref<256xf32, #tpu.memory_space<hbm>>
    %dma_wait3A_22 = tpu.memref_slice %arg4[%mul3A_20] : memref<2654208xf32, #tpu.memory_space<hbm>> -> memref<256xf32, #tpu.memory_space<hbm>>
    tpu.wait_dma2 semaphore(%arg26 : memref<!tpu.dma_semaphore, #tpu.memory_space<semaphore_mem>>) src(%dma_wait3A_22 : memref<256xf32, #tpu.memory_space<hbm>>) dst(%arg14 : memref<256xf32, #tpu.memory_space<vmem>>)
    %dma_start3A_23 = arith.constant 0 : i32
    %dma_start3A_24 = arith.constant 0 : i32
    %dma_start3A_25 = tpu.memref_slice %arg5[%dma_start3A_23, %dma_start3A_24] : memref<10016x8xf32, #tpu.memory_space<hbm>> -> memref<10016x8xf32, #tpu.memory_space<hbm>>
    tpu.enqueue_indirect_dma source(%dma_start3A_25 : memref<10016x8xf32, #tpu.memory_space<hbm>>) target(%arg16 : memref<32x8xf32, #tpu.memory_space<vmem>>) offsets(%arg12 : memref<32xi32, #tpu.memory_space<vmem>>) semaphore(%arg28 : memref<!tpu.dma_semaphore, #tpu.memory_space<semaphore_mem>>)
    %dma_start3A_26 = arith.constant 0 : i32
    %dma_start3A_27 = arith.constant 0 : i32
    %dma_start3A_28 = tpu.memref_slice %arg6[%dma_start3A_26, %dma_start3A_27] : memref<10240x512xi32, #tpu.memory_space<hbm>> -> memref<10240x512xi32, #tpu.memory_space<hbm>>
    tpu.enqueue_indirect_dma source(%dma_start3A_28 : memref<10240x512xi32, #tpu.memory_space<hbm>>) target(%arg19 : memref<32x512xi32, #tpu.memory_space<vmem>>) offsets(%arg10 : memref<32xi32, #tpu.memory_space<vmem>>) semaphore(%arg28 : memref<!tpu.dma_semaphore, #tpu.memory_space<semaphore_mem>>)
    %add3A_29 = arith.constant 32 : i32
    %add3A_30 = arith.addi %mul3A_4, %add3A_29 : i32
    %dma_start3A_31 = tpu.memref_slice %arg2[%add3A_30] : memref<331776xi32, #tpu.memory_space<hbm>> -> memref<32xi32, #tpu.memory_space<hbm>>
    %dma_start3A_32 = tpu.memref_slice %arg2[%add3A_30] : memref<331776xi32, #tpu.memory_space<hbm>> -> memref<32xi32, #tpu.memory_space<hbm>>
    tpu.enqueue_dma source(%dma_start3A_32 : memref<32xi32, #tpu.memory_space<hbm>>) target(%arg11 : memref<32xi32, #tpu.memory_space<vmem>>) target_semaphore(%arg27 : memref<!tpu.dma_semaphore, #tpu.memory_space<semaphore_mem>>)
    %dma_start3A_33 = tpu.memref_slice %arg3[%add3A_30] : memref<331776xi32, #tpu.memory_space<hbm>> -> memref<32xi32, #tpu.memory_space<hbm>>
    %dma_start3A_34 = tpu.memref_slice %arg3[%add3A_30] : memref<331776xi32, #tpu.memory_space<hbm>> -> memref<32xi32, #tpu.memory_space<hbm>>
    tpu.enqueue_dma source(%dma_start3A_34 : memref<32xi32, #tpu.memory_space<hbm>>) target(%arg13 : memref<32xi32, #tpu.memory_space<vmem>>) target_semaphore(%arg27 : memref<!tpu.dma_semaphore, #tpu.memory_space<semaphore_mem>>)
    %mul3A_35 = arith.constant 8 : i32
    %mul3A_36 = arith.muli %add3A_30, %mul3A_35 : i32
    %dma_start3A_37 = tpu.memref_slice %arg4[%mul3A_36] : memref<2654208xf32, #tpu.memory_space<hbm>> -> memref<256xf32, #tpu.memory_space<hbm>>
    %dma_start3A_38 = tpu.memref_slice %arg4[%mul3A_36] : memref<2654208xf32, #tpu.memory_space<hbm>> -> memref<256xf32, #tpu.memory_space<hbm>>
    tpu.enqueue_dma source(%dma_start3A_38 : memref<256xf32, #tpu.memory_space<hbm>>) target(%arg15 : memref<256xf32, #tpu.memory_space<vmem>>) target_semaphore(%arg27 : memref<!tpu.dma_semaphore, #tpu.memory_space<semaphore_mem>>)
    %scan3A = arith.constant 0 : i32
    %scan3A_39 = arith.constant 0 : i32
    %scan3A_40 = arith.constant 162 : i32
    %scan3A_41 = arith.addi %scan3A_39, %scan3A_40 : i32
    %scan3A_42 = arith.constant 1 : i32
    scf.for %scan3A_64 = %scan3A_39 to %scan3A_41 step %scan3A_42  : i32 {
      %mul3A_65 = arith.constant 2 : i32
      %mul3A_66 = arith.muli %scan3A_64, %mul3A_65 : i32
      %add3A_67 = arith.constant 0 : i32
      %add3A_68 = arith.addi %mul3A_66, %add3A_67 : i32
      %add3A_69 = arith.constant 1 : i32
      %add3A_70 = arith.addi %add3A_68, %add3A_69 : i32
      %mul3A_71 = arith.constant 32 : i32
      %mul3A_72 = arith.muli %add3A_70, %mul3A_71 : i32
      %add3A_73 = arith.addi %mul3A_4, %mul3A_72 : i32
      %dma_wait3A_74 = tpu.memref_slice %arg2[%add3A_73] : memref<331776xi32, #tpu.memory_space<hbm>> -> memref<32xi32, #tpu.memory_space<hbm>>
      %dma_wait3A_75 = tpu.memref_slice %arg2[%add3A_73] : memref<331776xi32, #tpu.memory_space<hbm>> -> memref<32xi32, #tpu.memory_space<hbm>>
      tpu.wait_dma2 semaphore(%arg27 : memref<!tpu.dma_semaphore, #tpu.memory_space<semaphore_mem>>) src(%dma_wait3A_75 : memref<32xi32, #tpu.memory_space<hbm>>) dst(%arg11 : memref<32xi32, #tpu.memory_space<vmem>>)
      %dma_wait3A_76 = tpu.memref_slice %arg3[%add3A_73] : memref<331776xi32, #tpu.memory_space<hbm>> -> memref<32xi32, #tpu.memory_space<hbm>>
      %dma_wait3A_77 = tpu.memref_slice %arg3[%add3A_73] : memref<331776xi32, #tpu.memory_space<hbm>> -> memref<32xi32, #tpu.memory_space<hbm>>
      tpu.wait_dma2 semaphore(%arg27 : memref<!tpu.dma_semaphore, #tpu.memory_space<semaphore_mem>>) src(%dma_wait3A_77 : memref<32xi32, #tpu.memory_space<hbm>>) dst(%arg13 : memref<32xi32, #tpu.memory_space<vmem>>)
      %mul3A_78 = arith.constant 8 : i32
      %mul3A_79 = arith.muli %add3A_73, %mul3A_78 : i32
      %dma_wait3A_80 = tpu.memref_slice %arg4[%mul3A_79] : memref<2654208xf32, #tpu.memory_space<hbm>> -> memref<256xf32, #tpu.memory_space<hbm>>
      %dma_wait3A_81 = tpu.memref_slice %arg4[%mul3A_79] : memref<2654208xf32, #tpu.memory_space<hbm>> -> memref<256xf32, #tpu.memory_space<hbm>>
      tpu.wait_dma2 semaphore(%arg27 : memref<!tpu.dma_semaphore, #tpu.memory_space<semaphore_mem>>) src(%dma_wait3A_81 : memref<256xf32, #tpu.memory_space<hbm>>) dst(%arg15 : memref<256xf32, #tpu.memory_space<vmem>>)
      %dma_start3A_82 = arith.constant 0 : i32
      %dma_start3A_83 = arith.constant 0 : i32
      %dma_start3A_84 = tpu.memref_slice %arg5[%dma_start3A_82, %dma_start3A_83] : memref<10016x8xf32, #tpu.memory_space<hbm>> -> memref<10016x8xf32, #tpu.memory_space<hbm>>
      tpu.enqueue_indirect_dma source(%dma_start3A_84 : memref<10016x8xf32, #tpu.memory_space<hbm>>) target(%arg17 : memref<32x8xf32, #tpu.memory_space<vmem>>) offsets(%arg13 : memref<32xi32, #tpu.memory_space<vmem>>) semaphore(%arg29 : memref<!tpu.dma_semaphore, #tpu.memory_space<semaphore_mem>>)
      %dma_start3A_85 = arith.constant 0 : i32
      %dma_start3A_86 = arith.constant 0 : i32
      %dma_start3A_87 = tpu.memref_slice %arg6[%dma_start3A_85, %dma_start3A_86] : memref<10240x512xi32, #tpu.memory_space<hbm>> -> memref<10240x512xi32, #tpu.memory_space<hbm>>
      tpu.enqueue_indirect_dma source(%dma_start3A_87 : memref<10240x512xi32, #tpu.memory_space<hbm>>) target(%arg20 : memref<32x512xi32, #tpu.memory_space<vmem>>) offsets(%arg11 : memref<32xi32, #tpu.memory_space<vmem>>) semaphore(%arg29 : memref<!tpu.dma_semaphore, #tpu.memory_space<semaphore_mem>>)
      %ge3A = arith.constant 1 : i32
      %ge3A_88 = arith.cmpi sge, %scan3A_64, %ge3A : i32
      %convert_element_type3A_89 = arith.extui %ge3A_88 : i1 to i32
      %cond3A_90 = arith.constant 0 : i32
      %cond3A_91 = arith.cmpi ne, %convert_element_type3A_89, %cond3A_90 : i32
      scf.if %cond3A_91 {
        %dma_wait3A_171 = arith.constant 0 : i32
        %dma_wait3A_172 = arith.constant 0 : i32
        %dma_wait3A_173 = tpu.memref_slice %arg7[%dma_wait3A_171, %dma_wait3A_172] : memref<10016x128xf32, #tpu.memory_space<hbm>> -> memref<32x128xf32, #tpu.memory_space<hbm>>
        %dma_wait3A_174 = arith.constant 0 : i32
        %dma_wait3A_175 = arith.constant 0 : i32
        %dma_wait3A_176 = tpu.memref_slice %arg7[%dma_wait3A_174, %dma_wait3A_175] : memref<10016x128xf32, #tpu.memory_space<hbm>> -> memref<32x128xf32, #tpu.memory_space<hbm>>
        tpu.wait_dma2 semaphore(%arg30 : memref<!tpu.dma_semaphore, #tpu.memory_space<semaphore_mem>>) src(%dma_wait3A_176 : memref<32x128xf32, #tpu.memory_space<hbm>>) dst(%arg21 : memref<32x128xf32, #tpu.memory_space<vmem>>)
      } else {
      }
      %dma_wait3A_92 = arith.constant 0 : i32
      %dma_wait3A_93 = arith.constant 0 : i32
      %dma_wait3A_94 = tpu.memref_slice %arg5[%dma_wait3A_92, %dma_wait3A_93] : memref<10016x8xf32, #tpu.memory_space<hbm>> -> memref<10016x8xf32, #tpu.memory_space<hbm>>
      tpu.wait_indirect_dma semaphore(%arg28 : memref<!tpu.dma_semaphore, #tpu.memory_space<semaphore_mem>>) src(%dma_wait3A_94 : memref<10016x8xf32, #tpu.memory_space<hbm>>) dst(%arg16 : memref<32x8xf32, #tpu.memory_space<vmem>>)
      %dma_wait3A_95 = arith.constant 0 : i32
      %dma_wait3A_96 = arith.constant 0 : i32
      %dma_wait3A_97 = tpu.memref_slice %arg6[%dma_wait3A_95, %dma_wait3A_96] : memref<10240x512xi32, #tpu.memory_space<hbm>> -> memref<10240x512xi32, #tpu.memory_space<hbm>>
      tpu.wait_indirect_dma semaphore(%arg28 : memref<!tpu.dma_semaphore, #tpu.memory_space<semaphore_mem>>) src(%dma_wait3A_97 : memref<10240x512xi32, #tpu.memory_space<hbm>>) dst(%arg19 : memref<32x512xi32, #tpu.memory_space<vmem>>)
      %scan3A_98 = arith.constant 0 : i32
      %scan3A_99 = arith.constant 0 : i32
      %scan3A_100 = arith.constant 16 : i32
      %scan3A_101 = arith.addi %scan3A_99, %scan3A_100 : i32
      %scan3A_102 = arith.constant 1 : i32
      scf.for %scan3A_171 = %scan3A_99 to %scan3A_101 step %scan3A_102  : i32 {
        %mul3A_172 = arith.constant 16 : i32
        %mul3A_173 = arith.muli %scan3A_171, %mul3A_172 : i32
        %iota3A = tpu.iota {dimensions = array<i32: 0>} : vector<16xi32>
        %add3A_174 = vector.broadcast %mul3A_173 : i32 to vector<16xi32>
        %add3A_175 = arith.addi %add3A_174, %iota3A : vector<16xi32>
        %shift_right_logical3A = arith.constant 3 : i32
        %shift_right_logical3A_176 = vector.broadcast %shift_right_logical3A : i32 to vector<16xi32>
        %shift_right_logical3A_177 = arith.shrui %add3A_175, %shift_right_logical3A_176 : vector<16xi32>
        %and3A = arith.constant 7 : i32
        %and3A_178 = vector.broadcast %and3A : i32 to vector<16xi32>
        %and3A_179 = arith.andi %add3A_175, %and3A_178 : vector<16xi32>
        %mul3A_180 = arith.constant 16 : i32
        %mul3A_181 = arith.muli %scan3A_171, %mul3A_180 : i32
        %get3A_182 = arith.index_cast %mul3A_181 : i32 to index
        %get3A_183 = tpu.vector_load %arg14[%get3A_182] {strides = array<i32>} : memref<256xf32, #tpu.memory_space<vmem>>, vector<16xf32>,
        %gather3A = tpu.vector_load_idx %arg16[%shift_right_logical3A_177, %and3A_179] : memref<32x8xf32, #tpu.memory_space<vmem>>[vector<16xi32>, vector<16xi32>], vector<16xf32>,
        %mul3A_184 = arith.mulf %get3A_183, %gather3A : vector<16xf32>
        %mul3A_185 = arith.constant 16 : i32
        %mul3A_186 = arith.muli %scan3A_171, %mul3A_185 : i32
        %swap3A_187 = arith.index_cast %mul3A_186 : i32 to index
        %swap3A_188 = tpu.vector_load %arg18[%swap3A_187] {strides = array<i32>} : memref<256xf32, #tpu.memory_space<vmem>>, vector<16xf32>,
        tpu.vector_store %arg18[%swap3A_187], %mul3A_184 {strides = array<i32>} : memref<256xf32, #tpu.memory_space<vmem>>, vector<16xf32>,
      }
      %scan3A_103 = arith.constant 16 : i32
      %get3A = arith.constant 0 : index
      %get3A_104 = tpu.vector_load %arg12[%get3A] {strides = array<i32>} : memref<32xi32, #tpu.memory_space<vmem>>, vector<16xi32>,
      %swap3A = arith.constant 0 : index
      %swap3A_105 = tpu.vector_load %arg23[%swap3A] {strides = array<i32>} : memref<32xi32, #tpu.memory_space<vmem>>, vector<16xi32>,
      tpu.vector_store %arg23[%swap3A], %get3A_104 {strides = array<i32>} : memref<32xi32, #tpu.memory_space<vmem>>, vector<16xi32>,
      %get3A_106 = arith.constant 16 : index
      %get3A_107 = tpu.vector_load %arg12[%get3A_106] {strides = array<i32>} : memref<32xi32, #tpu.memory_space<vmem>>, vector<16xi32>,
      %swap3A_108 = arith.constant 16 : index
      %swap3A_109 = tpu.vector_load %arg23[%swap3A_108] {strides = array<i32>} : memref<32xi32, #tpu.memory_space<vmem>>, vector<16xi32>,
      tpu.vector_store %arg23[%swap3A_108], %get3A_107 {strides = array<i32>} : memref<32xi32, #tpu.memory_space<vmem>>, vector<16xi32>,
      %scan3A_110 = arith.constant 0 : i32
      %scan3A_111 = arith.constant 0 : i32
      %scan3A_112 = arith.constant 32 : i32
      %scan3A_113 = arith.addi %scan3A_111, %scan3A_112 : i32
      %scan3A_114 = arith.constant 1 : i32
      scf.for %scan3A_171 = %scan3A_111 to %scan3A_113 step %scan3A_114  : i32 {
        %mul3A_172 = arith.constant 8 : i32
        %mul3A_173 = arith.muli %scan3A_171, %mul3A_172 : i32
        %broadcast_in_dim3A = arith.constant 0 : i32
        %broadcast_in_dim3A_174 = vector.broadcast %broadcast_in_dim3A : i32 to vector<16xi32>
        %add3A_175 = vector.broadcast %mul3A_173 : i32 to vector<16xi32>
        %add3A_176 = arith.addi %broadcast_in_dim3A_174, %add3A_175 : vector<16xi32>
        %gather3A = tpu.vector_load_idx %arg18[%add3A_176] : memref<256xf32, #tpu.memory_space<vmem>>[vector<16xi32>], vector<16xf32>,
        %broadcast_in_dim3A_177 = arith.constant 1 : i32
        %broadcast_in_dim3A_178 = vector.broadcast %broadcast_in_dim3A_177 : i32 to vector<16xi32>
        %add3A_179 = vector.broadcast %mul3A_173 : i32 to vector<16xi32>
        %add3A_180 = arith.addi %broadcast_in_dim3A_178, %add3A_179 : vector<16xi32>
        %gather3A_181 = tpu.vector_load_idx %arg18[%add3A_180] : memref<256xf32, #tpu.memory_space<vmem>>[vector<16xi32>], vector<16xf32>,
        %broadcast_in_dim3A_182 = arith.constant 2 : i32
        %broadcast_in_dim3A_183 = vector.broadcast %broadcast_in_dim3A_182 : i32 to vector<16xi32>
        %add3A_184 = vector.broadcast %mul3A_173 : i32 to vector<16xi32>
        %add3A_185 = arith.addi %broadcast_in_dim3A_183, %add3A_184 : vector<16xi32>
        %gather3A_186 = tpu.vector_load_idx %arg18[%add3A_185] : memref<256xf32, #tpu.memory_space<vmem>>[vector<16xi32>], vector<16xf32>,
        %broadcast_in_dim3A_187 = arith.constant 3 : i32
        %broadcast_in_dim3A_188 = vector.broadcast %broadcast_in_dim3A_187 : i32 to vector<16xi32>
        %add3A_189 = vector.broadcast %mul3A_173 : i32 to vector<16xi32>
        %add3A_190 = arith.addi %broadcast_in_dim3A_188, %add3A_189 : vector<16xi32>
        %gather3A_191 = tpu.vector_load_idx %arg18[%add3A_190] : memref<256xf32, #tpu.memory_space<vmem>>[vector<16xi32>], vector<16xf32>,
        %broadcast_in_dim3A_192 = arith.constant 4 : i32
        %broadcast_in_dim3A_193 = vector.broadcast %broadcast_in_dim3A_192 : i32 to vector<16xi32>
        %add3A_194 = vector.broadcast %mul3A_173 : i32 to vector<16xi32>
        %add3A_195 = arith.addi %broadcast_in_dim3A_193, %add3A_194 : vector<16xi32>
        %gather3A_196 = tpu.vector_load_idx %arg18[%add3A_195] : memref<256xf32, #tpu.memory_space<vmem>>[vector<16xi32>], vector<16xf32>,
        %broadcast_in_dim3A_197 = arith.constant 5 : i32
        %broadcast_in_dim3A_198 = vector.broadcast %broadcast_in_dim3A_197 : i32 to vector<16xi32>
        %add3A_199 = vector.broadcast %mul3A_173 : i32 to vector<16xi32>
        %add3A_200 = arith.addi %broadcast_in_dim3A_198, %add3A_199 : vector<16xi32>
        %gather3A_201 = tpu.vector_load_idx %arg18[%add3A_200] : memref<256xf32, #tpu.memory_space<vmem>>[vector<16xi32>], vector<16xf32>,
        %broadcast_in_dim3A_202 = arith.constant 6 : i32
        %broadcast_in_dim3A_203 = vector.broadcast %broadcast_in_dim3A_202 : i32 to vector<16xi32>
        %add3A_204 = vector.broadcast %mul3A_173 : i32 to vector<16xi32>
        %add3A_205 = arith.addi %broadcast_in_dim3A_203, %add3A_204 : vector<16xi32>
        %gather3A_206 = tpu.vector_load_idx %arg18[%add3A_205] : memref<256xf32, #tpu.memory_space<vmem>>[vector<16xi32>], vector<16xf32>,
        %broadcast_in_dim3A_207 = arith.constant 7 : i32
        %broadcast_in_dim3A_208 = vector.broadcast %broadcast_in_dim3A_207 : i32 to vector<16xi32>
        %add3A_209 = vector.broadcast %mul3A_173 : i32 to vector<16xi32>
        %add3A_210 = arith.addi %broadcast_in_dim3A_208, %add3A_209 : vector<16xi32>
        %gather3A_211 = tpu.vector_load_idx %arg18[%add3A_210] : memref<256xf32, #tpu.memory_space<vmem>>[vector<16xi32>], vector<16xf32>,
        %get3A_212 = arith.index_cast %scan3A_171 : i32 to index
        %get3A_213 = arith.constant 0 : index
        %get3A_214 = tpu.vector_load %arg19[%get3A_212, %get3A_213] {strides = array<i32>} : memref<32x512xi32, #tpu.memory_space<vmem>>, vector<16xi32>,
        %bitcast3A = vector.bitcast %get3A_214 : vector<16xi32> to vector<32xbf16>
        %unpack3A = tpu.unpack_subelements %bitcast3A, 0 {pack_format = #tpu.pack_format<interleaved>} : vector<32xbf16> -> vector<16xf32>
        %unpack3A_215 = tpu.unpack_subelements %bitcast3A, 1 {pack_format = #tpu.pack_format<interleaved>} : vector<32xbf16> -> vector<16xf32>
        %mul3A_216 = arith.mulf %gather3A, %unpack3A : vector<16xf32>
        %mul3A_217 = arith.mulf %gather3A, %unpack3A_215 : vector<16xf32>
        %get3A_218 = arith.index_cast %scan3A_171 : i32 to index
        %get3A_219 = arith.constant 64 : index
        %get3A_220 = tpu.vector_load %arg19[%get3A_218, %get3A_219] {strides = array<i32>} : memref<32x512xi32, #tpu.memory_space<vmem>>, vector<16xi32>,
        %bitcast3A_221 = vector.bitcast %get3A_220 : vector<16xi32> to vector<32xbf16>
        %unpack3A_222 = tpu.unpack_subelements %bitcast3A_221, 0 {pack_format = #tpu.pack_format<interleaved>} : vector<32xbf16> -> vector<16xf32>
        %unpack3A_223 = tpu.unpack_subelements %bitcast3A_221, 1 {pack_format = #tpu.pack_format<interleaved>} : vector<32xbf16> -> vector<16xf32>
        %mul3A_224 = arith.mulf %gather3A_181, %unpack3A_222 : vector<16xf32>
        %add3A_225 = arith.addf %mul3A_216, %mul3A_224 : vector<16xf32>
        %mul3A_226 = arith.mulf %gather3A_181, %unpack3A_223 : vector<16xf32>
        %add3A_227 = arith.addf %mul3A_217, %mul3A_226 : vector<16xf32>
        %get3A_228 = arith.index_cast %scan3A_171 : i32 to index
        %get3A_229 = arith.constant 128 : index
        %get3A_230 = tpu.vector_load %arg19[%get3A_228, %get3A_229] {strides = array<i32>} : memref<32x512xi32, #tpu.memory_space<vmem>>, vector<16xi32>,
        %bitcast3A_231 = vector.bitcast %get3A_230 : vector<16xi32> to vector<32xbf16>
        %unpack3A_232 = tpu.unpack_subelements %bitcast3A_231, 0 {pack_format = #tpu.pack_format<interleaved>} : vector<32xbf16> -> vector<16xf32>
        %unpack3A_233 = tpu.unpack_subelements %bitcast3A_231, 1 {pack_format = #tpu.pack_format<interleaved>} : vector<32xbf16> -> vector<16xf32>
        %mul3A_234 = arith.mulf %gather3A_186, %unpack3A_232 : vector<16xf32>
        %add3A_235 = arith.addf %add3A_225, %mul3A_234 : vector<16xf32>
        %mul3A_236 = arith.mulf %gather3A_186, %unpack3A_233 : vector<16xf32>
        %add3A_237 = arith.addf %add3A_227, %mul3A_236 : vector<16xf32>
        %get3A_238 = arith.index_cast %scan3A_171 : i32 to index
        %get3A_239 = arith.constant 192 : index
        %get3A_240 = tpu.vector_load %arg19[%get3A_238, %get3A_239] {strides = array<i32>} : memref<32x512xi32, #tpu.memory_space<vmem>>, vector<16xi32>,
        %bitcast3A_241 = vector.bitcast %get3A_240 : vector<16xi32> to vector<32xbf16>
        %unpack3A_242 = tpu.unpack_subelements %bitcast3A_241, 0 {pack_format = #tpu.pack_format<interleaved>} : vector<32xbf16> -> vector<16xf32>
        %unpack3A_243 = tpu.unpack_subelements %bitcast3A_241, 1 {pack_format = #tpu.pack_format<interleaved>} : vector<32xbf16> -> vector<16xf32>
        %mul3A_244 = arith.mulf %gather3A_191, %unpack3A_242 : vector<16xf32>
        %add3A_245 = arith.addf %add3A_235, %mul3A_244 : vector<16xf32>
        %mul3A_246 = arith.mulf %gather3A_191, %unpack3A_243 : vector<16xf32>
        %add3A_247 = arith.addf %add3A_237, %mul3A_246 : vector<16xf32>
        %get3A_248 = arith.index_cast %scan3A_171 : i32 to index
        %get3A_249 = arith.constant 256 : index
        %get3A_250 = tpu.vector_load %arg19[%get3A_248, %get3A_249] {strides = array<i32>} : memref<32x512xi32, #tpu.memory_space<vmem>>, vector<16xi32>,
        %bitcast3A_251 = vector.bitcast %get3A_250 : vector<16xi32> to vector<32xbf16>
        %unpack3A_252 = tpu.unpack_subelements %bitcast3A_251, 0 {pack_format = #tpu.pack_format<interleaved>} : vector<32xbf16> -> vector<16xf32>
        %unpack3A_253 = tpu.unpack_subelements %bitcast3A_251, 1 {pack_format = #tpu.pack_format<interleaved>} : vector<32xbf16> -> vector<16xf32>
        %mul3A_254 = arith.mulf %gather3A_196, %unpack3A_252 : vector<16xf32>
        %add3A_255 = arith.addf %add3A_245, %mul3A_254 : vector<16xf32>
        %mul3A_256 = arith.mulf %gather3A_196, %unpack3A_253 : vector<16xf32>
        %add3A_257 = arith.addf %add3A_247, %mul3A_256 : vector<16xf32>
        %get3A_258 = arith.index_cast %scan3A_171 : i32 to index
        %get3A_259 = arith.constant 320 : index
        %get3A_260 = tpu.vector_load %arg19[%get3A_258, %get3A_259] {strides = array<i32>} : memref<32x512xi32, #tpu.memory_space<vmem>>, vector<16xi32>,
        %bitcast3A_261 = vector.bitcast %get3A_260 : vector<16xi32> to vector<32xbf16>
        %unpack3A_262 = tpu.unpack_subelements %bitcast3A_261, 0 {pack_format = #tpu.pack_format<interleaved>} : vector<32xbf16> -> vector<16xf32>
        %unpack3A_263 = tpu.unpack_subelements %bitcast3A_261, 1 {pack_format = #tpu.pack_format<interleaved>} : vector<32xbf16> -> vector<16xf32>
        %mul3A_264 = arith.mulf %gather3A_201, %unpack3A_262 : vector<16xf32>
        %add3A_265 = arith.addf %add3A_255, %mul3A_264 : vector<16xf32>
        %mul3A_266 = arith.mulf %gather3A_201, %unpack3A_263 : vector<16xf32>
        %add3A_267 = arith.addf %add3A_257, %mul3A_266 : vector<16xf32>
        %get3A_268 = arith.index_cast %scan3A_171 : i32 to index
        %get3A_269 = arith.constant 384 : index
        %get3A_270 = tpu.vector_load %arg19[%get3A_268, %get3A_269] {strides = array<i32>} : memref<32x512xi32, #tpu.memory_space<vmem>>, vector<16xi32>,
        %bitcast3A_271 = vector.bitcast %get3A_270 : vector<16xi32> to vector<32xbf16>
        %unpack3A_272 = tpu.unpack_subelements %bitcast3A_271, 0 {pack_format = #tpu.pack_format<interleaved>} : vector<32xbf16> -> vector<16xf32>
        %unpack3A_273 = tpu.unpack_subelements %bitcast3A_271, 1 {pack_format = #tpu.pack_format<interleaved>} : vector<32xbf16> -> vector<16xf32>
        %mul3A_274 = arith.mulf %gather3A_206, %unpack3A_272 : vector<16xf32>
        %add3A_275 = arith.addf %add3A_265, %mul3A_274 : vector<16xf32>
        %mul3A_276 = arith.mulf %gather3A_206, %unpack3A_273 : vector<16xf32>
        %add3A_277 = arith.addf %add3A_267, %mul3A_276 : vector<16xf32>
        %get3A_278 = arith.index_cast %scan3A_171 : i32 to index
        %get3A_279 = arith.constant 448 : index
        %get3A_280 = tpu.vector_load %arg19[%get3A_278, %get3A_279] {strides = array<i32>} : memref<32x512xi32, #tpu.memory_space<vmem>>, vector<16xi32>,
        %bitcast3A_281 = vector.bitcast %get3A_280 : vector<16xi32> to vector<32xbf16>
        %unpack3A_282 = tpu.unpack_subelements %bitcast3A_281, 0 {pack_format = #tpu.pack_format<interleaved>} : vector<32xbf16> -> vector<16xf32>
        %unpack3A_283 = tpu.unpack_subelements %bitcast3A_281, 1 {pack_format = #tpu.pack_format<interleaved>} : vector<32xbf16> -> vector<16xf32>
        %mul3A_284 = arith.mulf %gather3A_211, %unpack3A_282 : vector<16xf32>
        %add3A_285 = arith.addf %add3A_275, %mul3A_284 : vector<16xf32>
        %mul3A_286 = arith.mulf %gather3A_211, %unpack3A_283 : vector<16xf32>
        %add3A_287 = arith.addf %add3A_277, %mul3A_286 : vector<16xf32>
        %swap3A_288 = arith.index_cast %scan3A_171 : i32 to index
        %swap3A_289 = arith.constant 0 : index
        %swap3A_290 = tpu.vector_load %arg21[%swap3A_288, %swap3A_289] {strides = array<i32>} : memref<32x128xf32, #tpu.memory_space<vmem>>, vector<16xf32>,
        tpu.vector_store %arg21[%swap3A_288, %swap3A_289], %add3A_285 {strides = array<i32>} : memref<32x128xf32, #tpu.memory_space<vmem>>, vector<16xf32>,
        %swap3A_291 = arith.index_cast %scan3A_171 : i32 to index
        %swap3A_292 = arith.constant 16 : index
        %swap3A_293 = tpu.vector_load %arg21[%swap3A_291, %swap3A_292] {strides = array<i32>} : memref<32x128xf32, #tpu.memory_space<vmem>>, vector<16xf32>,
        tpu.vector_store %arg21[%swap3A_291, %swap3A_292], %add3A_287 {strides = array<i32>} : memref<32x128xf32, #tpu.memory_space<vmem>>, vector<16xf32>,
        %get3A_294 = arith.index_cast %scan3A_171 : i32 to index
        %get3A_295 = arith.constant 16 : index
        %get3A_296 = tpu.vector_load %arg19[%get3A_294, %get3A_295] {strides = array<i32>} : memref<32x512xi32, #tpu.memory_space<vmem>>, vector<16xi32>,
        %bitcast3A_297 = vector.bitcast %get3A_296 : vector<16xi32> to vector<32xbf16>
        %unpack3A_298 = tpu.unpack_subelements %bitcast3A_297, 0 {pack_format = #tpu.pack_format<interleaved>} : vector<32xbf16> -> vector<16xf32>
        %unpack3A_299 = tpu.unpack_subelements %bitcast3A_297, 1 {pack_format = #tpu.pack_format<interleaved>} : vector<32xbf16> -> vector<16xf32>
        %mul3A_300 = arith.mulf %gather3A, %unpack3A_298 : vector<16xf32>
        %mul3A_301 = arith.mulf %gather3A, %unpack3A_299 : vector<16xf32>
        %get3A_302 = arith.index_cast %scan3A_171 : i32 to index
        %get3A_303 = arith.constant 80 : index
        %get3A_304 = tpu.vector_load %arg19[%get3A_302, %get3A_303] {strides = array<i32>} : memref<32x512xi32, #tpu.memory_space<vmem>>, vector<16xi32>,
        %bitcast3A_305 = vector.bitcast %get3A_304 : vector<16xi32> to vector<32xbf16>
        %unpack3A_306 = tpu.unpack_subelements %bitcast3A_305, 0 {pack_format = #tpu.pack_format<interleaved>} : vector<32xbf16> -> vector<16xf32>
        %unpack3A_307 = tpu.unpack_subelements %bitcast3A_305, 1 {pack_format = #tpu.pack_format<interleaved>} : vector<32xbf16> -> vector<16xf32>
        %mul3A_308 = arith.mulf %gather3A_181, %unpack3A_306 : vector<16xf32>
        %add3A_309 = arith.addf %mul3A_300, %mul3A_308 : vector<16xf32>
        %mul3A_310 = arith.mulf %gather3A_181, %unpack3A_307 : vector<16xf32>
        %add3A_311 = arith.addf %mul3A_301, %mul3A_310 : vector<16xf32>
        %get3A_312 = arith.index_cast %scan3A_171 : i32 to index
        %get3A_313 = arith.constant 144 : index
        %get3A_314 = tpu.vector_load %arg19[%get3A_312, %get3A_313] {strides = array<i32>} : memref<32x512xi32, #tpu.memory_space<vmem>>, vector<16xi32>,
        %bitcast3A_315 = vector.bitcast %get3A_314 : vector<16xi32> to vector<32xbf16>
        %unpack3A_316 = tpu.unpack_subelements %bitcast3A_315, 0 {pack_format = #tpu.pack_format<interleaved>} : vector<32xbf16> -> vector<16xf32>
        %unpack3A_317 = tpu.unpack_subelements %bitcast3A_315, 1 {pack_format = #tpu.pack_format<interleaved>} : vector<32xbf16> -> vector<16xf32>
        %mul3A_318 = arith.mulf %gather3A_186, %unpack3A_316 : vector<16xf32>
        %add3A_319 = arith.addf %add3A_309, %mul3A_318 : vector<16xf32>
        %mul3A_320 = arith.mulf %gather3A_186, %unpack3A_317 : vector<16xf32>
        %add3A_321 = arith.addf %add3A_311, %mul3A_320 : vector<16xf32>
        %get3A_322 = arith.index_cast %scan3A_171 : i32 to index
        %get3A_323 = arith.constant 208 : index
        %get3A_324 = tpu.vector_load %arg19[%get3A_322, %get3A_323] {strides = array<i32>} : memref<32x512xi32, #tpu.memory_space<vmem>>, vector<16xi32>,
        %bitcast3A_325 = vector.bitcast %get3A_324 : vector<16xi32> to vector<32xbf16>
        %unpack3A_326 = tpu.unpack_subelements %bitcast3A_325, 0 {pack_format = #tpu.pack_format<interleaved>} : vector<32xbf16> -> vector<16xf32>
        %unpack3A_327 = tpu.unpack_subelements %bitcast3A_325, 1 {pack_format = #tpu.pack_format<interleaved>} : vector<32xbf16> -> vector<16xf32>
        %mul3A_328 = arith.mulf %gather3A_191, %unpack3A_326 : vector<16xf32>
        %add3A_329 = arith.addf %add3A_319, %mul3A_328 : vector<16xf32>
        %mul3A_330 = arith.mulf %gather3A_191, %unpack3A_327 : vector<16xf32>
        %add3A_331 = arith.addf %add3A_321, %mul3A_330 : vector<16xf32>
        %get3A_332 = arith.index_cast %scan3A_171 : i32 to index
        %get3A_333 = arith.constant 272 : index
        %get3A_334 = tpu.vector_load %arg19[%get3A_332, %get3A_333] {strides = array<i32>} : memref<32x512xi32, #tpu.memory_space<vmem>>, vector<16xi32>,
        %bitcast3A_335 = vector.bitcast %get3A_334 : vector<16xi32> to vector<32xbf16>
        %unpack3A_336 = tpu.unpack_subelements %bitcast3A_335, 0 {pack_format = #tpu.pack_format<interleaved>} : vector<32xbf16> -> vector<16xf32>
        %unpack3A_337 = tpu.unpack_subelements %bitcast3A_335, 1 {pack_format = #tpu.pack_format<interleaved>} : vector<32xbf16> -> vector<16xf32>
        %mul3A_338 = arith.mulf %gather3A_196, %unpack3A_336 : vector<16xf32>
        %add3A_339 = arith.addf %add3A_329, %mul3A_338 : vector<16xf32>
        %mul3A_340 = arith.mulf %gather3A_196, %unpack3A_337 : vector<16xf32>
        %add3A_341 = arith.addf %add3A_331, %mul3A_340 : vector<16xf32>
        %get3A_342 = arith.index_cast %scan3A_171 : i32 to index
        %get3A_343 = arith.constant 336 : index
        %get3A_344 = tpu.vector_load %arg19[%get3A_342, %get3A_343] {strides = array<i32>} : memref<32x512xi32, #tpu.memory_space<vmem>>, vector<16xi32>,
        %bitcast3A_345 = vector.bitcast %get3A_344 : vector<16xi32> to vector<32xbf16>
        %unpack3A_346 = tpu.unpack_subelements %bitcast3A_345, 0 {pack_format = #tpu.pack_format<interleaved>} : vector<32xbf16> -> vector<16xf32>
        %unpack3A_347 = tpu.unpack_subelements %bitcast3A_345, 1 {pack_format = #tpu.pack_format<interleaved>} : vector<32xbf16> -> vector<16xf32>
        %mul3A_348 = arith.mulf %gather3A_201, %unpack3A_346 : vector<16xf32>
        %add3A_349 = arith.addf %add3A_339, %mul3A_348 : vector<16xf32>
        %mul3A_350 = arith.mulf %gather3A_201, %unpack3A_347 : vector<16xf32>
        %add3A_351 = arith.addf %add3A_341, %mul3A_350 : vector<16xf32>
        %get3A_352 = arith.index_cast %scan3A_171 : i32 to index
        %get3A_353 = arith.constant 400 : index
        %get3A_354 = tpu.vector_load %arg19[%get3A_352, %get3A_353] {strides = array<i32>} : memref<32x512xi32, #tpu.memory_space<vmem>>, vector<16xi32>,
        %bitcast3A_355 = vector.bitcast %get3A_354 : vector<16xi32> to vector<32xbf16>
        %unpack3A_356 = tpu.unpack_subelements %bitcast3A_355, 0 {pack_format = #tpu.pack_format<interleaved>} : vector<32xbf16> -> vector<16xf32>
        %unpack3A_357 = tpu.unpack_subelements %bitcast3A_355, 1 {pack_format = #tpu.pack_format<interleaved>} : vector<32xbf16> -> vector<16xf32>
        %mul3A_358 = arith.mulf %gather3A_206, %unpack3A_356 : vector<16xf32>
        %add3A_359 = arith.addf %add3A_349, %mul3A_358 : vector<16xf32>
        %mul3A_360 = arith.mulf %gather3A_206, %unpack3A_357 : vector<16xf32>
        %add3A_361 = arith.addf %add3A_351, %mul3A_360 : vector<16xf32>
        %get3A_362 = arith.index_cast %scan3A_171 : i32 to index
        %get3A_363 = arith.constant 464 : index
        %get3A_364 = tpu.vector_load %arg19[%get3A_362, %get3A_363] {strides = array<i32>} : memref<32x512xi32, #tpu.memory_space<vmem>>, vector<16xi32>,
        %bitcast3A_365 = vector.bitcast %get3A_364 : vector<16xi32> to vector<32xbf16>
        %unpack3A_366 = tpu.unpack_subelements %bitcast3A_365, 0 {pack_format = #tpu.pack_format<interleaved>} : vector<32xbf16> -> vector<16xf32>
        %unpack3A_367 = tpu.unpack_subelements %bitcast3A_365, 1 {pack_format = #tpu.pack_format<interleaved>} : vector<32xbf16> -> vector<16xf32>
        %mul3A_368 = arith.mulf %gather3A_211, %unpack3A_366 : vector<16xf32>
        %add3A_369 = arith.addf %add3A_359, %mul3A_368 : vector<16xf32>
        %mul3A_370 = arith.mulf %gather3A_211, %unpack3A_367 : vector<16xf32>
        %add3A_371 = arith.addf %add3A_361, %mul3A_370 : vector<16xf32>
        %swap3A_372 = arith.index_cast %scan3A_171 : i32 to index
        %swap3A_373 = arith.constant 32 : index
        %swap3A_374 = tpu.vector_load %arg21[%swap3A_372, %swap3A_373] {strides = array<i32>} : memref<32x128xf32, #tpu.memory_space<vmem>>, vector<16xf32>,
        tpu.vector_store %arg21[%swap3A_372, %swap3A_373], %add3A_369 {strides = array<i32>} : memref<32x128xf32, #tpu.memory_space<vmem>>, vector<16xf32>,
        %swap3A_375 = arith.index_cast %scan3A_171 : i32 to index
        %swap3A_376 = arith.constant 48 : index
        %swap3A_377 = tpu.vector_load %arg21[%swap3A_375, %swap3A_376] {strides = array<i32>} : memref<32x128xf32, #tpu.memory_space<vmem>>, vector<16xf32>,
        tpu.vector_store %arg21[%swap3A_375, %swap3A_376], %add3A_371 {strides = array<i32>} : memref<32x128xf32, #tpu.memory_space<vmem>>, vector<16xf32>,
        %get3A_378 = arith.index_cast %scan3A_171 : i32 to index
        %get3A_379 = arith.constant 32 : index
        %get3A_380 = tpu.vector_load %arg19[%get3A_378, %get3A_379] {strides = array<i32>} : memref<32x512xi32, #tpu.memory_space<vmem>>, vector<16xi32>,
        %bitcast3A_381 = vector.bitcast %get3A_380 : vector<16xi32> to vector<32xbf16>
        %unpack3A_382 = tpu.unpack_subelements %bitcast3A_381, 0 {pack_format = #tpu.pack_format<interleaved>} : vector<32xbf16> -> vector<16xf32>
        %unpack3A_383 = tpu.unpack_subelements %bitcast3A_381, 1 {pack_format = #tpu.pack_format<interleaved>} : vector<32xbf16> -> vector<16xf32>
        %mul3A_384 = arith.mulf %gather3A, %unpack3A_382 : vector<16xf32>
        %mul3A_385 = arith.mulf %gather3A, %unpack3A_383 : vector<16xf32>
        %get3A_386 = arith.index_cast %scan3A_171 : i32 to index
        %get3A_387 = arith.constant 96 : index
        %get3A_388 = tpu.vector_load %arg19[%get3A_386, %get3A_387] {strides = array<i32>} : memref<32x512xi32, #tpu.memory_space<vmem>>, vector<16xi32>,
        %bitcast3A_389 = vector.bitcast %get3A_388 : vector<16xi32> to vector<32xbf16>
        %unpack3A_390 = tpu.unpack_subelements %bitcast3A_389, 0 {pack_format = #tpu.pack_format<interleaved>} : vector<32xbf16> -> vector<16xf32>
        %unpack3A_391 = tpu.unpack_subelements %bitcast3A_389, 1 {pack_format = #tpu.pack_format<interleaved>} : vector<32xbf16> -> vector<16xf32>
        %mul3A_392 = arith.mulf %gather3A_181, %unpack3A_390 : vector<16xf32>
        %add3A_393 = arith.addf %mul3A_384, %mul3A_392 : vector<16xf32>
        %mul3A_394 = arith.mulf %gather3A_181, %unpack3A_391 : vector<16xf32>
        %add3A_395 = arith.addf %mul3A_385, %mul3A_394 : vector<16xf32>
        %get3A_396 = arith.index_cast %scan3A_171 : i32 to index
        %get3A_397 = arith.constant 160 : index
        %get3A_398 = tpu.vector_load %arg19[%get3A_396, %get3A_397] {strides = array<i32>} : memref<32x512xi32, #tpu.memory_space<vmem>>, vector<16xi32>,
        %bitcast3A_399 = vector.bitcast %get3A_398 : vector<16xi32> to vector<32xbf16>
        %unpack3A_400 = tpu.unpack_subelements %bitcast3A_399, 0 {pack_format = #tpu.pack_format<interleaved>} : vector<32xbf16> -> vector<16xf32>
        %unpack3A_401 = tpu.unpack_subelements %bitcast3A_399, 1 {pack_format = #tpu.pack_format<interleaved>} : vector<32xbf16> -> vector<16xf32>
        %mul3A_402 = arith.mulf %gather3A_186, %unpack3A_400 : vector<16xf32>
        %add3A_403 = arith.addf %add3A_393, %mul3A_402 : vector<16xf32>
        %mul3A_404 = arith.mulf %gather3A_186, %unpack3A_401 : vector<16xf32>
        %add3A_405 = arith.addf %add3A_395, %mul3A_404 : vector<16xf32>
        %get3A_406 = arith.index_cast %scan3A_171 : i32 to index
        %get3A_407 = arith.constant 224 : index
        %get3A_408 = tpu.vector_load %arg19[%get3A_406, %get3A_407] {strides = array<i32>} : memref<32x512xi32, #tpu.memory_space<vmem>>, vector<16xi32>,
        %bitcast3A_409 = vector.bitcast %get3A_408 : vector<16xi32> to vector<32xbf16>
        %unpack3A_410 = tpu.unpack_subelements %bitcast3A_409, 0 {pack_format = #tpu.pack_format<interleaved>} : vector<32xbf16> -> vector<16xf32>
        %unpack3A_411 = tpu.unpack_subelements %bitcast3A_409, 1 {pack_format = #tpu.pack_format<interleaved>} : vector<32xbf16> -> vector<16xf32>
        %mul3A_412 = arith.mulf %gather3A_191, %unpack3A_410 : vector<16xf32>
        %add3A_413 = arith.addf %add3A_403, %mul3A_412 : vector<16xf32>
        %mul3A_414 = arith.mulf %gather3A_191, %unpack3A_411 : vector<16xf32>
        %add3A_415 = arith.addf %add3A_405, %mul3A_414 : vector<16xf32>
        %get3A_416 = arith.index_cast %scan3A_171 : i32 to index
        %get3A_417 = arith.constant 288 : index
        %get3A_418 = tpu.vector_load %arg19[%get3A_416, %get3A_417] {strides = array<i32>} : memref<32x512xi32, #tpu.memory_space<vmem>>, vector<16xi32>,
        %bitcast3A_419 = vector.bitcast %get3A_418 : vector<16xi32> to vector<32xbf16>
        %unpack3A_420 = tpu.unpack_subelements %bitcast3A_419, 0 {pack_format = #tpu.pack_format<interleaved>} : vector<32xbf16> -> vector<16xf32>
        %unpack3A_421 = tpu.unpack_subelements %bitcast3A_419, 1 {pack_format = #tpu.pack_format<interleaved>} : vector<32xbf16> -> vector<16xf32>
        %mul3A_422 = arith.mulf %gather3A_196, %unpack3A_420 : vector<16xf32>
        %add3A_423 = arith.addf %add3A_413, %mul3A_422 : vector<16xf32>
        %mul3A_424 = arith.mulf %gather3A_196, %unpack3A_421 : vector<16xf32>
        %add3A_425 = arith.addf %add3A_415, %mul3A_424 : vector<16xf32>
        %get3A_426 = arith.index_cast %scan3A_171 : i32 to index
        %get3A_427 = arith.constant 352 : index
        %get3A_428 = tpu.vector_load %arg19[%get3A_426, %get3A_427] {strides = array<i32>} : memref<32x512xi32, #tpu.memory_space<vmem>>, vector<16xi32>,
        %bitcast3A_429 = vector.bitcast %get3A_428 : vector<16xi32> to vector<32xbf16>
        %unpack3A_430 = tpu.unpack_subelements %bitcast3A_429, 0 {pack_format = #tpu.pack_format<interleaved>} : vector<32xbf16> -> vector<16xf32>
        %unpack3A_431 = tpu.unpack_subelements %bitcast3A_429, 1 {pack_format = #tpu.pack_format<interleaved>} : vector<32xbf16> -> vector<16xf32>
        %mul3A_432 = arith.mulf %gather3A_201, %unpack3A_430 : vector<16xf32>
        %add3A_433 = arith.addf %add3A_423, %mul3A_432 : vector<16xf32>
        %mul3A_434 = arith.mulf %gather3A_201, %unpack3A_431 : vector<16xf32>
        %add3A_435 = arith.addf %add3A_425, %mul3A_434 : vector<16xf32>
        %get3A_436 = arith.index_cast %scan3A_171 : i32 to index
        %get3A_437 = arith.constant 416 : index
        %get3A_438 = tpu.vector_load %arg19[%get3A_436, %get3A_437] {strides = array<i32>} : memref<32x512xi32, #tpu.memory_space<vmem>>, vector<16xi32>,
        %bitcast3A_439 = vector.bitcast %get3A_438 : vector<16xi32> to vector<32xbf16>
        %unpack3A_440 = tpu.unpack_subelements %bitcast3A_439, 0 {pack_format = #tpu.pack_format<interleaved>} : vector<32xbf16> -> vector<16xf32>
        %unpack3A_441 = tpu.unpack_subelements %bitcast3A_439, 1 {pack_format = #tpu.pack_format<interleaved>} : vector<32xbf16> -> vector<16xf32>
        %mul3A_442 = arith.mulf %gather3A_206, %unpack3A_440 : vector<16xf32>
        %add3A_443 = arith.addf %add3A_433, %mul3A_442 : vector<16xf32>
        %mul3A_444 = arith.mulf %gather3A_206, %unpack3A_441 : vector<16xf32>
        %add3A_445 = arith.addf %add3A_435, %mul3A_444 : vector<16xf32>
        %get3A_446 = arith.index_cast %scan3A_171 : i32 to index
        %get3A_447 = arith.constant 480 : index
        %get3A_448 = tpu.vector_load %arg19[%get3A_446, %get3A_447] {strides = array<i32>} : memref<32x512xi32, #tpu.memory_space<vmem>>, vector<16xi32>,
        %bitcast3A_449 = vector.bitcast %get3A_448 : vector<16xi32> to vector<32xbf16>
        %unpack3A_450 = tpu.unpack_subelements %bitcast3A_449, 0 {pack_format = #tpu.pack_format<interleaved>} : vector<32xbf16> -> vector<16xf32>
        %unpack3A_451 = tpu.unpack_subelements %bitcast3A_449, 1 {pack_format = #tpu.pack_format<interleaved>} : vector<32xbf16> -> vector<16xf32>
        %mul3A_452 = arith.mulf %gather3A_211, %unpack3A_450 : vector<16xf32>
        %add3A_453 = arith.addf %add3A_443, %mul3A_452 : vector<16xf32>
        %mul3A_454 = arith.mulf %gather3A_211, %unpack3A_451 : vector<16xf32>
        %add3A_455 = arith.addf %add3A_445, %mul3A_454 : vector<16xf32>
        %swap3A_456 = arith.index_cast %scan3A_171 : i32 to index
        %swap3A_457 = arith.constant 64 : index
        %swap3A_458 = tpu.vector_load %arg21[%swap3A_456, %swap3A_457] {strides = array<i32>} : memref<32x128xf32, #tpu.memory_space<vmem>>, vector<16xf32>,
        tpu.vector_store %arg21[%swap3A_456, %swap3A_457], %add3A_453 {strides = array<i32>} : memref<32x128xf32, #tpu.memory_space<vmem>>, vector<16xf32>,
        %swap3A_459 = arith.index_cast %scan3A_171 : i32 to index
        %swap3A_460 = arith.constant 80 : index
        %swap3A_461 = tpu.vector_load %arg21[%swap3A_459, %swap3A_460] {strides = array<i32>} : memref<32x128xf32, #tpu.memory_space<vmem>>, vector<16xf32>,
        tpu.vector_store %arg21[%swap3A_459, %swap3A_460], %add3A_455 {strides = array<i32>} : memref<32x128xf32, #tpu.memory_space<vmem>>, vector<16xf32>,
        %get3A_462 = arith.index_cast %scan3A_171 : i32 to index
        %get3A_463 = arith.constant 48 : index
        %get3A_464 = tpu.vector_load %arg19[%get3A_462, %get3A_463] {strides = array<i32>} : memref<32x512xi32, #tpu.memory_space<vmem>>, vector<16xi32>,
        %bitcast3A_465 = vector.bitcast %get3A_464 : vector<16xi32> to vector<32xbf16>
        %unpack3A_466 = tpu.unpack_subelements %bitcast3A_465, 0 {pack_format = #tpu.pack_format<interleaved>} : vector<32xbf16> -> vector<16xf32>
        %unpack3A_467 = tpu.unpack_subelements %bitcast3A_465, 1 {pack_format = #tpu.pack_format<interleaved>} : vector<32xbf16> -> vector<16xf32>
        %mul3A_468 = arith.mulf %gather3A, %unpack3A_466 : vector<16xf32>
        %mul3A_469 = arith.mulf %gather3A, %unpack3A_467 : vector<16xf32>
        %get3A_470 = arith.index_cast %scan3A_171 : i32 to index
        %get3A_471 = arith.constant 112 : index
        %get3A_472 = tpu.vector_load %arg19[%get3A_470, %get3A_471] {strides = array<i32>} : memref<32x512xi32, #tpu.memory_space<vmem>>, vector<16xi32>,
        %bitcast3A_473 = vector.bitcast %get3A_472 : vector<16xi32> to vector<32xbf16>
        %unpack3A_474 = tpu.unpack_subelements %bitcast3A_473, 0 {pack_format = #tpu.pack_format<interleaved>} : vector<32xbf16> -> vector<16xf32>
        %unpack3A_475 = tpu.unpack_subelements %bitcast3A_473, 1 {pack_format = #tpu.pack_format<interleaved>} : vector<32xbf16> -> vector<16xf32>
        %mul3A_476 = arith.mulf %gather3A_181, %unpack3A_474 : vector<16xf32>
        %add3A_477 = arith.addf %mul3A_468, %mul3A_476 : vector<16xf32>
        %mul3A_478 = arith.mulf %gather3A_181, %unpack3A_475 : vector<16xf32>
        %add3A_479 = arith.addf %mul3A_469, %mul3A_478 : vector<16xf32>
        %get3A_480 = arith.index_cast %scan3A_171 : i32 to index
        %get3A_481 = arith.constant 176 : index
        %get3A_482 = tpu.vector_load %arg19[%get3A_480, %get3A_481] {strides = array<i32>} : memref<32x512xi32, #tpu.memory_space<vmem>>, vector<16xi32>,
        %bitcast3A_483 = vector.bitcast %get3A_482 : vector<16xi32> to vector<32xbf16>
        %unpack3A_484 = tpu.unpack_subelements %bitcast3A_483, 0 {pack_format = #tpu.pack_format<interleaved>} : vector<32xbf16> -> vector<16xf32>
        %unpack3A_485 = tpu.unpack_subelements %bitcast3A_483, 1 {pack_format = #tpu.pack_format<interleaved>} : vector<32xbf16> -> vector<16xf32>
        %mul3A_486 = arith.mulf %gather3A_186, %unpack3A_484 : vector<16xf32>
        %add3A_487 = arith.addf %add3A_477, %mul3A_486 : vector<16xf32>
        %mul3A_488 = arith.mulf %gather3A_186, %unpack3A_485 : vector<16xf32>
        %add3A_489 = arith.addf %add3A_479, %mul3A_488 : vector<16xf32>
        %get3A_490 = arith.index_cast %scan3A_171 : i32 to index
        %get3A_491 = arith.constant 240 : index
        %get3A_492 = tpu.vector_load %arg19[%get3A_490, %get3A_491] {strides = array<i32>} : memref<32x512xi32, #tpu.memory_space<vmem>>, vector<16xi32>,
        %bitcast3A_493 = vector.bitcast %get3A_492 : vector<16xi32> to vector<32xbf16>
        %unpack3A_494 = tpu.unpack_subelements %bitcast3A_493, 0 {pack_format = #tpu.pack_format<interleaved>} : vector<32xbf16> -> vector<16xf32>
        %unpack3A_495 = tpu.unpack_subelements %bitcast3A_493, 1 {pack_format = #tpu.pack_format<interleaved>} : vector<32xbf16> -> vector<16xf32>
        %mul3A_496 = arith.mulf %gather3A_191, %unpack3A_494 : vector<16xf32>
        %add3A_497 = arith.addf %add3A_487, %mul3A_496 : vector<16xf32>
        %mul3A_498 = arith.mulf %gather3A_191, %unpack3A_495 : vector<16xf32>
        %add3A_499 = arith.addf %add3A_489, %mul3A_498 : vector<16xf32>
        %get3A_500 = arith.index_cast %scan3A_171 : i32 to index
        %get3A_501 = arith.constant 304 : index
        %get3A_502 = tpu.vector_load %arg19[%get3A_500, %get3A_501] {strides = array<i32>} : memref<32x512xi32, #tpu.memory_space<vmem>>, vector<16xi32>,
        %bitcast3A_503 = vector.bitcast %get3A_502 : vector<16xi32> to vector<32xbf16>
        %unpack3A_504 = tpu.unpack_subelements %bitcast3A_503, 0 {pack_format = #tpu.pack_format<interleaved>} : vector<32xbf16> -> vector<16xf32>
        %unpack3A_505 = tpu.unpack_subelements %bitcast3A_503, 1 {pack_format = #tpu.pack_format<interleaved>} : vector<32xbf16> -> vector<16xf32>
        %mul3A_506 = arith.mulf %gather3A_196, %unpack3A_504 : vector<16xf32>
        %add3A_507 = arith.addf %add3A_497, %mul3A_506 : vector<16xf32>
        %mul3A_508 = arith.mulf %gather3A_196, %unpack3A_505 : vector<16xf32>
        %add3A_509 = arith.addf %add3A_499, %mul3A_508 : vector<16xf32>
        %get3A_510 = arith.index_cast %scan3A_171 : i32 to index
        %get3A_511 = arith.constant 368 : index
        %get3A_512 = tpu.vector_load %arg19[%get3A_510, %get3A_511] {strides = array<i32>} : memref<32x512xi32, #tpu.memory_space<vmem>>, vector<16xi32>,
        %bitcast3A_513 = vector.bitcast %get3A_512 : vector<16xi32> to vector<32xbf16>
        %unpack3A_514 = tpu.unpack_subelements %bitcast3A_513, 0 {pack_format = #tpu.pack_format<interleaved>} : vector<32xbf16> -> vector<16xf32>
        %unpack3A_515 = tpu.unpack_subelements %bitcast3A_513, 1 {pack_format = #tpu.pack_format<interleaved>} : vector<32xbf16> -> vector<16xf32>
        %mul3A_516 = arith.mulf %gather3A_201, %unpack3A_514 : vector<16xf32>
        %add3A_517 = arith.addf %add3A_507, %mul3A_516 : vector<16xf32>
        %mul3A_518 = arith.mulf %gather3A_201, %unpack3A_515 : vector<16xf32>
        %add3A_519 = arith.addf %add3A_509, %mul3A_518 : vector<16xf32>
        %get3A_520 = arith.index_cast %scan3A_171 : i32 to index
        %get3A_521 = arith.constant 432 : index
        %get3A_522 = tpu.vector_load %arg19[%get3A_520, %get3A_521] {strides = array<i32>} : memref<32x512xi32, #tpu.memory_space<vmem>>, vector<16xi32>,
        %bitcast3A_523 = vector.bitcast %get3A_522 : vector<16xi32> to vector<32xbf16>
        %unpack3A_524 = tpu.unpack_subelements %bitcast3A_523, 0 {pack_format = #tpu.pack_format<interleaved>} : vector<32xbf16> -> vector<16xf32>
        %unpack3A_525 = tpu.unpack_subelements %bitcast3A_523, 1 {pack_format = #tpu.pack_format<interleaved>} : vector<32xbf16> -> vector<16xf32>
        %mul3A_526 = arith.mulf %gather3A_206, %unpack3A_524 : vector<16xf32>
        %add3A_527 = arith.addf %add3A_517, %mul3A_526 : vector<16xf32>
        %mul3A_528 = arith.mulf %gather3A_206, %unpack3A_525 : vector<16xf32>
        %add3A_529 = arith.addf %add3A_519, %mul3A_528 : vector<16xf32>
        %get3A_530 = arith.index_cast %scan3A_171 : i32 to index
        %get3A_531 = arith.constant 496 : index
        %get3A_532 = tpu.vector_load %arg19[%get3A_530, %get3A_531] {strides = array<i32>} : memref<32x512xi32, #tpu.memory_space<vmem>>, vector<16xi32>,
        %bitcast3A_533 = vector.bitcast %get3A_532 : vector<16xi32> to vector<32xbf16>
        %unpack3A_534 = tpu.unpack_subelements %bitcast3A_533, 0 {pack_format = #tpu.pack_format<interleaved>} : vector<32xbf16> -> vector<16xf32>
        %unpack3A_535 = tpu.unpack_subelements %bitcast3A_533, 1 {pack_format = #tpu.pack_format<interleaved>} : vector<32xbf16> -> vector<16xf32>
        %mul3A_536 = arith.mulf %gather3A_211, %unpack3A_534 : vector<16xf32>
        %add3A_537 = arith.addf %add3A_527, %mul3A_536 : vector<16xf32>
        %mul3A_538 = arith.mulf %gather3A_211, %unpack3A_535 : vector<16xf32>
        %add3A_539 = arith.addf %add3A_529, %mul3A_538 : vector<16xf32>
        %swap3A_540 = arith.index_cast %scan3A_171 : i32 to index
        %swap3A_541 = arith.constant 96 : index
        %swap3A_542 = tpu.vector_load %arg21[%swap3A_540, %swap3A_541] {strides = array<i32>} : memref<32x128xf32, #tpu.memory_space<vmem>>, vector<16xf32>,
        tpu.vector_store %arg21[%swap3A_540, %swap3A_541], %add3A_537 {strides = array<i32>} : memref<32x128xf32, #tpu.memory_space<vmem>>, vector<16xf32>,
        %swap3A_543 = arith.index_cast %scan3A_171 : i32 to index
        %swap3A_544 = arith.constant 112 : index
        %swap3A_545 = tpu.vector_load %arg21[%swap3A_543, %swap3A_544] {strides = array<i32>} : memref<32x128xf32, #tpu.memory_space<vmem>>, vector<16xf32>,
        tpu.vector_store %arg21[%swap3A_543, %swap3A_544], %add3A_539 {strides = array<i32>} : memref<32x128xf32, #tpu.memory_space<vmem>>, vector<16xf32>,
      }
      %scan3A_115 = arith.constant 32 : i32
      %dma_start3A_116 = arith.constant 0 : i32
      %dma_start3A_117 = arith.constant 0 : i32
      %dma_start3A_118 = tpu.memref_slice %arg25[%dma_start3A_116, %dma_start3A_117] : memref<10016x128xf32, #tpu.memory_space<vmem_shared>> -> memref<10016x128xf32, #tpu.memory_space<vmem_shared>>
      tpu.enqueue_indirect_dma source(%arg21 : memref<32x128xf32, #tpu.memory_space<vmem>>) target(%dma_start3A_118 : memref<10016x128xf32, #tpu.memory_space<vmem_shared>>) offsets(%arg23 : memref<32xi32, #tpu.memory_space<vmem>>) semaphore(%arg30 : memref<!tpu.dma_semaphore, #tpu.memory_space<semaphore_mem>>) {add = true}
      %lt3A = arith.constant 161 : i32
      %lt3A_119 = arith.cmpi slt, %scan3A_64, %lt3A : i32
      %convert_element_type3A_120 = arith.extui %lt3A_119 : i1 to i32
      %cond3A_121 = arith.constant 0 : i32
      %cond3A_122 = arith.cmpi ne, %convert_element_type3A_120, %cond3A_121 : i32
      scf.if %cond3A_122 {
        %add3A_171 = arith.constant 2 : i32
        %add3A_172 = arith.addi %add3A_68, %add3A_171 : i32
        %mul3A_173 = arith.constant 32 : i32
        %mul3A_174 = arith.muli %add3A_172, %mul3A_173 : i32
        %add3A_175 = arith.addi %mul3A_4, %mul3A_174 : i32
        %dma_start3A_176 = tpu.memref_slice %arg2[%add3A_175] : memref<331776xi32, #tpu.memory_space<hbm>> -> memref<32xi32, #tpu.memory_space<hbm>>
        %dma_start3A_177 = tpu.memref_slice %arg2[%add3A_175] : memref<331776xi32, #tpu.memory_space<hbm>> -> memref<32xi32, #tpu.memory_space<hbm>>
        tpu.enqueue_dma source(%dma_start3A_177 : memref<32xi32, #tpu.memory_space<hbm>>) target(%arg10 : memref<32xi32, #tpu.memory_space<vmem>>) target_semaphore(%arg26 : memref<!tpu.dma_semaphore, #tpu.memory_space<semaphore_mem>>)
        %dma_start3A_178 = tpu.memref_slice %arg3[%add3A_175] : memref<331776xi32, #tpu.memory_space<hbm>> -> memref<32xi32, #tpu.memory_space<hbm>>
        %dma_start3A_179 = tpu.memref_slice %arg3[%add3A_175] : memref<331776xi32, #tpu.memory_space<hbm>> -> memref<32xi32, #tpu.memory_space<hbm>>
        tpu.enqueue_dma source(%dma_start3A_179 : memref<32xi32, #tpu.memory_space<hbm>>) target(%arg12 : memref<32xi32, #tpu.memory_space<vmem>>) target_semaphore(%arg26 : memref<!tpu.dma_semaphore, #tpu.memory_space<semaphore_mem>>)
        %mul3A_180 = arith.constant 8 : i32
        %mul3A_181 = arith.muli %add3A_175, %mul3A_180 : i32
        %dma_start3A_182 = tpu.memref_slice %arg4[%mul3A_181] : memref<2654208xf32, #tpu.memory_space<hbm>> -> memref<256xf32, #tpu.memory_space<hbm>>
        %dma_start3A_183 = tpu.memref_slice %arg4[%mul3A_181] : memref<2654208xf32, #tpu.memory_space<hbm>> -> memref<256xf32, #tpu.memory_space<hbm>>
        tpu.enqueue_dma source(%dma_start3A_183 : memref<256xf32, #tpu.memory_space<hbm>>) target(%arg14 : memref<256xf32, #tpu.memory_space<vmem>>) target_semaphore(%arg26 : memref<!tpu.dma_semaphore, #tpu.memory_space<semaphore_mem>>)
      } else {
      }
      %mul3A_123 = arith.constant 2 : i32
      %mul3A_124 = arith.muli %scan3A_64, %mul3A_123 : i32
      %add3A_125 = arith.constant 1 : i32
      %add3A_126 = arith.addi %mul3A_124, %add3A_125 : i32
      %lt3A_127 = arith.constant 161 : i32
      %lt3A_128 = arith.cmpi slt, %scan3A_64, %lt3A_127 : i32
      %convert_element_type3A_129 = arith.extui %lt3A_128 : i1 to i32
      %cond3A_130 = arith.constant 0 : i32
      %cond3A_131 = arith.cmpi ne, %convert_element_type3A_129, %cond3A_130 : i32
      scf.if %cond3A_131 {
        %add3A_171 = arith.constant 1 : i32
        %add3A_172 = arith.addi %add3A_126, %add3A_171 : i32
        %mul3A_173 = arith.constant 32 : i32
        %mul3A_174 = arith.muli %add3A_172, %mul3A_173 : i32
        %add3A_175 = arith.addi %mul3A_4, %mul3A_174 : i32
        %dma_wait3A_176 = tpu.memref_slice %arg2[%add3A_175] : memref<331776xi32, #tpu.memory_space<hbm>> -> memref<32xi32, #tpu.memory_space<hbm>>
        %dma_wait3A_177 = tpu.memref_slice %arg2[%add3A_175] : memref<331776xi32, #tpu.memory_space<hbm>> -> memref<32xi32, #tpu.memory_space<hbm>>
        tpu.wait_dma2 semaphore(%arg26 : memref<!tpu.dma_semaphore, #tpu.memory_space<semaphore_mem>>) src(%dma_wait3A_177 : memref<32xi32, #tpu.memory_space<hbm>>) dst(%arg10 : memref<32xi32, #tpu.memory_space<vmem>>)
        %dma_wait3A_178 = tpu.memref_slice %arg3[%add3A_175] : memref<331776xi32, #tpu.memory_space<hbm>> -> memref<32xi32, #tpu.memory_space<hbm>>
        %dma_wait3A_179 = tpu.memref_slice %arg3[%add3A_175] : memref<331776xi32, #tpu.memory_space<hbm>> -> memref<32xi32, #tpu.memory_space<hbm>>
        tpu.wait_dma2 semaphore(%arg26 : memref<!tpu.dma_semaphore, #tpu.memory_space<semaphore_mem>>) src(%dma_wait3A_179 : memref<32xi32, #tpu.memory_space<hbm>>) dst(%arg12 : memref<32xi32, #tpu.memory_space<vmem>>)
        %mul3A_180 = arith.constant 8 : i32
        %mul3A_181 = arith.muli %add3A_175, %mul3A_180 : i32
        %dma_wait3A_182 = tpu.memref_slice %arg4[%mul3A_181] : memref<2654208xf32, #tpu.memory_space<hbm>> -> memref<256xf32, #tpu.memory_space<hbm>>
        %dma_wait3A_183 = tpu.memref_slice %arg4[%mul3A_181] : memref<2654208xf32, #tpu.memory_space<hbm>> -> memref<256xf32, #tpu.memory_space<hbm>>
        tpu.wait_dma2 semaphore(%arg26 : memref<!tpu.dma_semaphore, #tpu.memory_space<semaphore_mem>>) src(%dma_wait3A_183 : memref<256xf32, #tpu.memory_space<hbm>>) dst(%arg14 : memref<256xf32, #tpu.memory_space<vmem>>)
        %dma_start3A_184 = arith.constant 0 : i32
        %dma_start3A_185 = arith.constant 0 : i32
        %dma_start3A_186 = tpu.memref_slice %arg5[%dma_start3A_184, %dma_start3A_185] : memref<10016x8xf32, #tpu.memory_space<hbm>> -> memref<10016x8xf32, #tpu.memory_space<hbm>>
        tpu.enqueue_indirect_dma source(%dma_start3A_186 : memref<10016x8xf32, #tpu.memory_space<hbm>>) target(%arg16 : memref<32x8xf32, #tpu.memory_space<vmem>>) offsets(%arg12 : memref<32xi32, #tpu.memory_space<vmem>>) semaphore(%arg28 : memref<!tpu.dma_semaphore, #tpu.memory_space<semaphore_mem>>)
        %dma_start3A_187 = arith.constant 0 : i32
        %dma_start3A_188 = arith.constant 0 : i32
        %dma_start3A_189 = tpu.memref_slice %arg6[%dma_start3A_187, %dma_start3A_188] : memref<10240x512xi32, #tpu.memory_space<hbm>> -> memref<10240x512xi32, #tpu.memory_space<hbm>>
        tpu.enqueue_indirect_dma source(%dma_start3A_189 : memref<10240x512xi32, #tpu.memory_space<hbm>>) target(%arg19 : memref<32x512xi32, #tpu.memory_space<vmem>>) offsets(%arg10 : memref<32xi32, #tpu.memory_space<vmem>>) semaphore(%arg28 : memref<!tpu.dma_semaphore, #tpu.memory_space<semaphore_mem>>)
      } else {
      }
      %ge3A_132 = arith.constant 1 : i32
      %ge3A_133 = arith.cmpi sge, %scan3A_64, %ge3A_132 : i32
      %convert_element_type3A_134 = arith.extui %ge3A_133 : i1 to i32
      %cond3A_135 = arith.constant 0 : i32
      %cond3A_136 = arith.cmpi ne, %convert_element_type3A_134, %cond3A_135 : i32
      scf.if %cond3A_136 {
        %dma_wait3A_171 = arith.constant 0 : i32
        %dma_wait3A_172 = arith.constant 0 : i32
        %dma_wait3A_173 = tpu.memref_slice %arg7[%dma_wait3A_171, %dma_wait3A_172] : memref<10016x128xf32, #tpu.memory_space<hbm>> -> memref<32x128xf32, #tpu.memory_space<hbm>>
        %dma_wait3A_174 = arith.constant 0 : i32
        %dma_wait3A_175 = arith.constant 0 : i32
        %dma_wait3A_176 = tpu.memref_slice %arg7[%dma_wait3A_174, %dma_wait3A_175] : memref<10016x128xf32, #tpu.memory_space<hbm>> -> memref<32x128xf32, #tpu.memory_space<hbm>>
        tpu.wait_dma2 semaphore(%arg31 : memref<!tpu.dma_semaphore, #tpu.memory_space<semaphore_mem>>) src(%dma_wait3A_176 : memref<32x128xf32, #tpu.memory_space<hbm>>) dst(%arg22 : memref<32x128xf32, #tpu.memory_space<vmem>>)
      } else {
      }
      %dma_wait3A_137 = arith.constant 0 : i32
      %dma_wait3A_138 = arith.constant 0 : i32
      %dma_wait3A_139 = tpu.memref_slice %arg5[%dma_wait3A_137, %dma_wait3A_138] : memref<10016x8xf32, #tpu.memory_space<hbm>> -> memref<10016x8xf32, #tpu.memory_space<hbm>>
      tpu.wait_indirect_dma semaphore(%arg29 : memref<!tpu.dma_semaphore, #tpu.memory_space<semaphore_mem>>) src(%dma_wait3A_139 : memref<10016x8xf32, #tpu.memory_space<hbm>>) dst(%arg17 : memref<32x8xf32, #tpu.memory_space<vmem>>)
      %dma_wait3A_140 = arith.constant 0 : i32
      %dma_wait3A_141 = arith.constant 0 : i32
      %dma_wait3A_142 = tpu.memref_slice %arg6[%dma_wait3A_140, %dma_wait3A_141] : memref<10240x512xi32, #tpu.memory_space<hbm>> -> memref<10240x512xi32, #tpu.memory_space<hbm>>
      tpu.wait_indirect_dma semaphore(%arg29 : memref<!tpu.dma_semaphore, #tpu.memory_space<semaphore_mem>>) src(%dma_wait3A_142 : memref<10240x512xi32, #tpu.memory_space<hbm>>) dst(%arg20 : memref<32x512xi32, #tpu.memory_space<vmem>>)
      %scan3A_143 = arith.constant 0 : i32
      %scan3A_144 = arith.constant 0 : i32
      %scan3A_145 = arith.constant 16 : i32
      %scan3A_146 = arith.addi %scan3A_144, %scan3A_145 : i32
      %scan3A_147 = arith.constant 1 : i32
      scf.for %scan3A_171 = %scan3A_144 to %scan3A_146 step %scan3A_147  : i32 {
        %mul3A_172 = arith.constant 16 : i32
        %mul3A_173 = arith.muli %scan3A_171, %mul3A_172 : i32
        %iota3A = tpu.iota {dimensions = array<i32: 0>} : vector<16xi32>
        %add3A_174 = vector.broadcast %mul3A_173 : i32 to vector<16xi32>
        %add3A_175 = arith.addi %add3A_174, %iota3A : vector<16xi32>
        %shift_right_logical3A = arith.constant 3 : i32
        %shift_right_logical3A_176 = vector.broadcast %shift_right_logical3A : i32 to vector<16xi32>
        %shift_right_logical3A_177 = arith.shrui %add3A_175, %shift_right_logical3A_176 : vector<16xi32>
        %and3A = arith.constant 7 : i32
        %and3A_178 = vector.broadcast %and3A : i32 to vector<16xi32>
        %and3A_179 = arith.andi %add3A_175, %and3A_178 : vector<16xi32>
        %mul3A_180 = arith.constant 16 : i32
        %mul3A_181 = arith.muli %scan3A_171, %mul3A_180 : i32
        %get3A_182 = arith.index_cast %mul3A_181 : i32 to index
        %get3A_183 = tpu.vector_load %arg15[%get3A_182] {strides = array<i32>} : memref<256xf32, #tpu.memory_space<vmem>>, vector<16xf32>,
        %gather3A = tpu.vector_load_idx %arg17[%shift_right_logical3A_177, %and3A_179] : memref<32x8xf32, #tpu.memory_space<vmem>>[vector<16xi32>, vector<16xi32>], vector<16xf32>,
        %mul3A_184 = arith.mulf %get3A_183, %gather3A : vector<16xf32>
        %mul3A_185 = arith.constant 16 : i32
        %mul3A_186 = arith.muli %scan3A_171, %mul3A_185 : i32
        %swap3A_187 = arith.index_cast %mul3A_186 : i32 to index
        %swap3A_188 = tpu.vector_load %arg18[%swap3A_187] {strides = array<i32>} : memref<256xf32, #tpu.memory_space<vmem>>, vector<16xf32>,
        tpu.vector_store %arg18[%swap3A_187], %mul3A_184 {strides = array<i32>} : memref<256xf32, #tpu.memory_space<vmem>>, vector<16xf32>,
      }
      %scan3A_148 = arith.constant 16 : i32
      %get3A_149 = arith.constant 0 : index
      %get3A_150 = tpu.vector_load %arg13[%get3A_149] {strides = array<i32>} : memref<32xi32, #tpu.memory_space<vmem>>, vector<16xi32>,
      %swap3A_151 = arith.constant 0 : index
      %swap3A_152 = tpu.vector_load %arg24[%swap3A_151] {strides = array<i32>} : memref<32xi32, #tpu.memory_space<vmem>>, vector<16xi32>,
      tpu.vector_store %arg24[%swap3A_151], %get3A_150 {strides = array<i32>} : memref<32xi32, #tpu.memory_space<vmem>>, vector<16xi32>,
      %get3A_153 = arith.constant 16 : index
      %get3A_154 = tpu.vector_load %arg13[%get3A_153] {strides = array<i32>} : memref<32xi32, #tpu.memory_space<vmem>>, vector<16xi32>,
      %swap3A_155 = arith.constant 16 : index
      %swap3A_156 = tpu.vector_load %arg24[%swap3A_155] {strides = array<i32>} : memref<32xi32, #tpu.memory_space<vmem>>, vector<16xi32>,
      tpu.vector_store %arg24[%swap3A_155], %get3A_154 {strides = array<i32>} : memref<32xi32, #tpu.memory_space<vmem>>, vector<16xi32>,
      %scan3A_157 = arith.constant 0 : i32
      %scan3A_158 = arith.constant 0 : i32
      %scan3A_159 = arith.constant 32 : i32
      %scan3A_160 = arith.addi %scan3A_158, %scan3A_159 : i32
      %scan3A_161 = arith.constant 1 : i32
      scf.for %scan3A_171 = %scan3A_158 to %scan3A_160 step %scan3A_161  : i32 {
        %mul3A_172 = arith.constant 8 : i32
        %mul3A_173 = arith.muli %scan3A_171, %mul3A_172 : i32
        %broadcast_in_dim3A = arith.constant 0 : i32
        %broadcast_in_dim3A_174 = vector.broadcast %broadcast_in_dim3A : i32 to vector<16xi32>
        %add3A_175 = vector.broadcast %mul3A_173 : i32 to vector<16xi32>
        %add3A_176 = arith.addi %broadcast_in_dim3A_174, %add3A_175 : vector<16xi32>
        %gather3A = tpu.vector_load_idx %arg18[%add3A_176] : memref<256xf32, #tpu.memory_space<vmem>>[vector<16xi32>], vector<16xf32>,
        %broadcast_in_dim3A_177 = arith.constant 1 : i32
        %broadcast_in_dim3A_178 = vector.broadcast %broadcast_in_dim3A_177 : i32 to vector<16xi32>
        %add3A_179 = vector.broadcast %mul3A_173 : i32 to vector<16xi32>
        %add3A_180 = arith.addi %broadcast_in_dim3A_178, %add3A_179 : vector<16xi32>
        %gather3A_181 = tpu.vector_load_idx %arg18[%add3A_180] : memref<256xf32, #tpu.memory_space<vmem>>[vector<16xi32>], vector<16xf32>,
        %broadcast_in_dim3A_182 = arith.constant 2 : i32
        %broadcast_in_dim3A_183 = vector.broadcast %broadcast_in_dim3A_182 : i32 to vector<16xi32>
        %add3A_184 = vector.broadcast %mul3A_173 : i32 to vector<16xi32>
        %add3A_185 = arith.addi %broadcast_in_dim3A_183, %add3A_184 : vector<16xi32>
        %gather3A_186 = tpu.vector_load_idx %arg18[%add3A_185] : memref<256xf32, #tpu.memory_space<vmem>>[vector<16xi32>], vector<16xf32>,
        %broadcast_in_dim3A_187 = arith.constant 3 : i32
        %broadcast_in_dim3A_188 = vector.broadcast %broadcast_in_dim3A_187 : i32 to vector<16xi32>
        %add3A_189 = vector.broadcast %mul3A_173 : i32 to vector<16xi32>
        %add3A_190 = arith.addi %broadcast_in_dim3A_188, %add3A_189 : vector<16xi32>
        %gather3A_191 = tpu.vector_load_idx %arg18[%add3A_190] : memref<256xf32, #tpu.memory_space<vmem>>[vector<16xi32>], vector<16xf32>,
        %broadcast_in_dim3A_192 = arith.constant 4 : i32
        %broadcast_in_dim3A_193 = vector.broadcast %broadcast_in_dim3A_192 : i32 to vector<16xi32>
        %add3A_194 = vector.broadcast %mul3A_173 : i32 to vector<16xi32>
        %add3A_195 = arith.addi %broadcast_in_dim3A_193, %add3A_194 : vector<16xi32>
        %gather3A_196 = tpu.vector_load_idx %arg18[%add3A_195] : memref<256xf32, #tpu.memory_space<vmem>>[vector<16xi32>], vector<16xf32>,
        %broadcast_in_dim3A_197 = arith.constant 5 : i32
        %broadcast_in_dim3A_198 = vector.broadcast %broadcast_in_dim3A_197 : i32 to vector<16xi32>
        %add3A_199 = vector.broadcast %mul3A_173 : i32 to vector<16xi32>
        %add3A_200 = arith.addi %broadcast_in_dim3A_198, %add3A_199 : vector<16xi32>
        %gather3A_201 = tpu.vector_load_idx %arg18[%add3A_200] : memref<256xf32, #tpu.memory_space<vmem>>[vector<16xi32>], vector<16xf32>,
        %broadcast_in_dim3A_202 = arith.constant 6 : i32
        %broadcast_in_dim3A_203 = vector.broadcast %broadcast_in_dim3A_202 : i32 to vector<16xi32>
        %add3A_204 = vector.broadcast %mul3A_173 : i32 to vector<16xi32>
        %add3A_205 = arith.addi %broadcast_in_dim3A_203, %add3A_204 : vector<16xi32>
        %gather3A_206 = tpu.vector_load_idx %arg18[%add3A_205] : memref<256xf32, #tpu.memory_space<vmem>>[vector<16xi32>], vector<16xf32>,
        %broadcast_in_dim3A_207 = arith.constant 7 : i32
        %broadcast_in_dim3A_208 = vector.broadcast %broadcast_in_dim3A_207 : i32 to vector<16xi32>
        %add3A_209 = vector.broadcast %mul3A_173 : i32 to vector<16xi32>
        %add3A_210 = arith.addi %broadcast_in_dim3A_208, %add3A_209 : vector<16xi32>
        %gather3A_211 = tpu.vector_load_idx %arg18[%add3A_210] : memref<256xf32, #tpu.memory_space<vmem>>[vector<16xi32>], vector<16xf32>,
        %get3A_212 = arith.index_cast %scan3A_171 : i32 to index
        %get3A_213 = arith.constant 0 : index
        %get3A_214 = tpu.vector_load %arg20[%get3A_212, %get3A_213] {strides = array<i32>} : memref<32x512xi32, #tpu.memory_space<vmem>>, vector<16xi32>,
        %bitcast3A = vector.bitcast %get3A_214 : vector<16xi32> to vector<32xbf16>
        %unpack3A = tpu.unpack_subelements %bitcast3A, 0 {pack_format = #tpu.pack_format<interleaved>} : vector<32xbf16> -> vector<16xf32>
        %unpack3A_215 = tpu.unpack_subelements %bitcast3A, 1 {pack_format = #tpu.pack_format<interleaved>} : vector<32xbf16> -> vector<16xf32>
        %mul3A_216 = arith.mulf %gather3A, %unpack3A : vector<16xf32>
        %mul3A_217 = arith.mulf %gather3A, %unpack3A_215 : vector<16xf32>
        %get3A_218 = arith.index_cast %scan3A_171 : i32 to index
        %get3A_219 = arith.constant 64 : index
        %get3A_220 = tpu.vector_load %arg20[%get3A_218, %get3A_219] {strides = array<i32>} : memref<32x512xi32, #tpu.memory_space<vmem>>, vector<16xi32>,
        %bitcast3A_221 = vector.bitcast %get3A_220 : vector<16xi32> to vector<32xbf16>
        %unpack3A_222 = tpu.unpack_subelements %bitcast3A_221, 0 {pack_format = #tpu.pack_format<interleaved>} : vector<32xbf16> -> vector<16xf32>
        %unpack3A_223 = tpu.unpack_subelements %bitcast3A_221, 1 {pack_format = #tpu.pack_format<interleaved>} : vector<32xbf16> -> vector<16xf32>
        %mul3A_224 = arith.mulf %gather3A_181, %unpack3A_222 : vector<16xf32>
        %add3A_225 = arith.addf %mul3A_216, %mul3A_224 : vector<16xf32>
        %mul3A_226 = arith.mulf %gather3A_181, %unpack3A_223 : vector<16xf32>
        %add3A_227 = arith.addf %mul3A_217, %mul3A_226 : vector<16xf32>
        %get3A_228 = arith.index_cast %scan3A_171 : i32 to index
        %get3A_229 = arith.constant 128 : index
        %get3A_230 = tpu.vector_load %arg20[%get3A_228, %get3A_229] {strides = array<i32>} : memref<32x512xi32, #tpu.memory_space<vmem>>, vector<16xi32>,
        %bitcast3A_231 = vector.bitcast %get3A_230 : vector<16xi32> to vector<32xbf16>
        %unpack3A_232 = tpu.unpack_subelements %bitcast3A_231, 0 {pack_format = #tpu.pack_format<interleaved>} : vector<32xbf16> -> vector<16xf32>
        %unpack3A_233 = tpu.unpack_subelements %bitcast3A_231, 1 {pack_format = #tpu.pack_format<interleaved>} : vector<32xbf16> -> vector<16xf32>
        %mul3A_234 = arith.mulf %gather3A_186, %unpack3A_232 : vector<16xf32>
        %add3A_235 = arith.addf %add3A_225, %mul3A_234 : vector<16xf32>
        %mul3A_236 = arith.mulf %gather3A_186, %unpack3A_233 : vector<16xf32>
        %add3A_237 = arith.addf %add3A_227, %mul3A_236 : vector<16xf32>
        %get3A_238 = arith.index_cast %scan3A_171 : i32 to index
        %get3A_239 = arith.constant 192 : index
        %get3A_240 = tpu.vector_load %arg20[%get3A_238, %get3A_239] {strides = array<i32>} : memref<32x512xi32, #tpu.memory_space<vmem>>, vector<16xi32>,
        %bitcast3A_241 = vector.bitcast %get3A_240 : vector<16xi32> to vector<32xbf16>
        %unpack3A_242 = tpu.unpack_subelements %bitcast3A_241, 0 {pack_format = #tpu.pack_format<interleaved>} : vector<32xbf16> -> vector<16xf32>
        %unpack3A_243 = tpu.unpack_subelements %bitcast3A_241, 1 {pack_format = #tpu.pack_format<interleaved>} : vector<32xbf16> -> vector<16xf32>
        %mul3A_244 = arith.mulf %gather3A_191, %unpack3A_242 : vector<16xf32>
        %add3A_245 = arith.addf %add3A_235, %mul3A_244 : vector<16xf32>
        %mul3A_246 = arith.mulf %gather3A_191, %unpack3A_243 : vector<16xf32>
        %add3A_247 = arith.addf %add3A_237, %mul3A_246 : vector<16xf32>
        %get3A_248 = arith.index_cast %scan3A_171 : i32 to index
        %get3A_249 = arith.constant 256 : index
        %get3A_250 = tpu.vector_load %arg20[%get3A_248, %get3A_249] {strides = array<i32>} : memref<32x512xi32, #tpu.memory_space<vmem>>, vector<16xi32>,
        %bitcast3A_251 = vector.bitcast %get3A_250 : vector<16xi32> to vector<32xbf16>
        %unpack3A_252 = tpu.unpack_subelements %bitcast3A_251, 0 {pack_format = #tpu.pack_format<interleaved>} : vector<32xbf16> -> vector<16xf32>
        %unpack3A_253 = tpu.unpack_subelements %bitcast3A_251, 1 {pack_format = #tpu.pack_format<interleaved>} : vector<32xbf16> -> vector<16xf32>
        %mul3A_254 = arith.mulf %gather3A_196, %unpack3A_252 : vector<16xf32>
        %add3A_255 = arith.addf %add3A_245, %mul3A_254 : vector<16xf32>
        %mul3A_256 = arith.mulf %gather3A_196, %unpack3A_253 : vector<16xf32>
        %add3A_257 = arith.addf %add3A_247, %mul3A_256 : vector<16xf32>
        %get3A_258 = arith.index_cast %scan3A_171 : i32 to index
        %get3A_259 = arith.constant 320 : index
        %get3A_260 = tpu.vector_load %arg20[%get3A_258, %get3A_259] {strides = array<i32>} : memref<32x512xi32, #tpu.memory_space<vmem>>, vector<16xi32>,
        %bitcast3A_261 = vector.bitcast %get3A_260 : vector<16xi32> to vector<32xbf16>
        %unpack3A_262 = tpu.unpack_subelements %bitcast3A_261, 0 {pack_format = #tpu.pack_format<interleaved>} : vector<32xbf16> -> vector<16xf32>
        %unpack3A_263 = tpu.unpack_subelements %bitcast3A_261, 1 {pack_format = #tpu.pack_format<interleaved>} : vector<32xbf16> -> vector<16xf32>
        %mul3A_264 = arith.mulf %gather3A_201, %unpack3A_262 : vector<16xf32>
        %add3A_265 = arith.addf %add3A_255, %mul3A_264 : vector<16xf32>
        %mul3A_266 = arith.mulf %gather3A_201, %unpack3A_263 : vector<16xf32>
        %add3A_267 = arith.addf %add3A_257, %mul3A_266 : vector<16xf32>
        %get3A_268 = arith.index_cast %scan3A_171 : i32 to index
        %get3A_269 = arith.constant 384 : index
        %get3A_270 = tpu.vector_load %arg20[%get3A_268, %get3A_269] {strides = array<i32>} : memref<32x512xi32, #tpu.memory_space<vmem>>, vector<16xi32>,
        %bitcast3A_271 = vector.bitcast %get3A_270 : vector<16xi32> to vector<32xbf16>
        %unpack3A_272 = tpu.unpack_subelements %bitcast3A_271, 0 {pack_format = #tpu.pack_format<interleaved>} : vector<32xbf16> -> vector<16xf32>
        %unpack3A_273 = tpu.unpack_subelements %bitcast3A_271, 1 {pack_format = #tpu.pack_format<interleaved>} : vector<32xbf16> -> vector<16xf32>
        %mul3A_274 = arith.mulf %gather3A_206, %unpack3A_272 : vector<16xf32>
        %add3A_275 = arith.addf %add3A_265, %mul3A_274 : vector<16xf32>
        %mul3A_276 = arith.mulf %gather3A_206, %unpack3A_273 : vector<16xf32>
        %add3A_277 = arith.addf %add3A_267, %mul3A_276 : vector<16xf32>
        %get3A_278 = arith.index_cast %scan3A_171 : i32 to index
        %get3A_279 = arith.constant 448 : index
        %get3A_280 = tpu.vector_load %arg20[%get3A_278, %get3A_279] {strides = array<i32>} : memref<32x512xi32, #tpu.memory_space<vmem>>, vector<16xi32>,
        %bitcast3A_281 = vector.bitcast %get3A_280 : vector<16xi32> to vector<32xbf16>
        %unpack3A_282 = tpu.unpack_subelements %bitcast3A_281, 0 {pack_format = #tpu.pack_format<interleaved>} : vector<32xbf16> -> vector<16xf32>
        %unpack3A_283 = tpu.unpack_subelements %bitcast3A_281, 1 {pack_format = #tpu.pack_format<interleaved>} : vector<32xbf16> -> vector<16xf32>
        %mul3A_284 = arith.mulf %gather3A_211, %unpack3A_282 : vector<16xf32>
        %add3A_285 = arith.addf %add3A_275, %mul3A_284 : vector<16xf32>
        %mul3A_286 = arith.mulf %gather3A_211, %unpack3A_283 : vector<16xf32>
        %add3A_287 = arith.addf %add3A_277, %mul3A_286 : vector<16xf32>
        %swap3A_288 = arith.index_cast %scan3A_171 : i32 to index
        %swap3A_289 = arith.constant 0 : index
        %swap3A_290 = tpu.vector_load %arg22[%swap3A_288, %swap3A_289] {strides = array<i32>} : memref<32x128xf32, #tpu.memory_space<vmem>>, vector<16xf32>,
        tpu.vector_store %arg22[%swap3A_288, %swap3A_289], %add3A_285 {strides = array<i32>} : memref<32x128xf32, #tpu.memory_space<vmem>>, vector<16xf32>,
        %swap3A_291 = arith.index_cast %scan3A_171 : i32 to index
        %swap3A_292 = arith.constant 16 : index
        %swap3A_293 = tpu.vector_load %arg22[%swap3A_291, %swap3A_292] {strides = array<i32>} : memref<32x128xf32, #tpu.memory_space<vmem>>, vector<16xf32>,
        tpu.vector_store %arg22[%swap3A_291, %swap3A_292], %add3A_287 {strides = array<i32>} : memref<32x128xf32, #tpu.memory_space<vmem>>, vector<16xf32>,
        %get3A_294 = arith.index_cast %scan3A_171 : i32 to index
        %get3A_295 = arith.constant 16 : index
        %get3A_296 = tpu.vector_load %arg20[%get3A_294, %get3A_295] {strides = array<i32>} : memref<32x512xi32, #tpu.memory_space<vmem>>, vector<16xi32>,
        %bitcast3A_297 = vector.bitcast %get3A_296 : vector<16xi32> to vector<32xbf16>
        %unpack3A_298 = tpu.unpack_subelements %bitcast3A_297, 0 {pack_format = #tpu.pack_format<interleaved>} : vector<32xbf16> -> vector<16xf32>
        %unpack3A_299 = tpu.unpack_subelements %bitcast3A_297, 1 {pack_format = #tpu.pack_format<interleaved>} : vector<32xbf16> -> vector<16xf32>
        %mul3A_300 = arith.mulf %gather3A, %unpack3A_298 : vector<16xf32>
        %mul3A_301 = arith.mulf %gather3A, %unpack3A_299 : vector<16xf32>
        %get3A_302 = arith.index_cast %scan3A_171 : i32 to index
        %get3A_303 = arith.constant 80 : index
        %get3A_304 = tpu.vector_load %arg20[%get3A_302, %get3A_303] {strides = array<i32>} : memref<32x512xi32, #tpu.memory_space<vmem>>, vector<16xi32>,
        %bitcast3A_305 = vector.bitcast %get3A_304 : vector<16xi32> to vector<32xbf16>
        %unpack3A_306 = tpu.unpack_subelements %bitcast3A_305, 0 {pack_format = #tpu.pack_format<interleaved>} : vector<32xbf16> -> vector<16xf32>
        %unpack3A_307 = tpu.unpack_subelements %bitcast3A_305, 1 {pack_format = #tpu.pack_format<interleaved>} : vector<32xbf16> -> vector<16xf32>
        %mul3A_308 = arith.mulf %gather3A_181, %unpack3A_306 : vector<16xf32>
        %add3A_309 = arith.addf %mul3A_300, %mul3A_308 : vector<16xf32>
        %mul3A_310 = arith.mulf %gather3A_181, %unpack3A_307 : vector<16xf32>
        %add3A_311 = arith.addf %mul3A_301, %mul3A_310 : vector<16xf32>
        %get3A_312 = arith.index_cast %scan3A_171 : i32 to index
        %get3A_313 = arith.constant 144 : index
        %get3A_314 = tpu.vector_load %arg20[%get3A_312, %get3A_313] {strides = array<i32>} : memref<32x512xi32, #tpu.memory_space<vmem>>, vector<16xi32>,
        %bitcast3A_315 = vector.bitcast %get3A_314 : vector<16xi32> to vector<32xbf16>
        %unpack3A_316 = tpu.unpack_subelements %bitcast3A_315, 0 {pack_format = #tpu.pack_format<interleaved>} : vector<32xbf16> -> vector<16xf32>
        %unpack3A_317 = tpu.unpack_subelements %bitcast3A_315, 1 {pack_format = #tpu.pack_format<interleaved>} : vector<32xbf16> -> vector<16xf32>
        %mul3A_318 = arith.mulf %gather3A_186, %unpack3A_316 : vector<16xf32>
        %add3A_319 = arith.addf %add3A_309, %mul3A_318 : vector<16xf32>
        %mul3A_320 = arith.mulf %gather3A_186, %unpack3A_317 : vector<16xf32>
        %add3A_321 = arith.addf %add3A_311, %mul3A_320 : vector<16xf32>
        %get3A_322 = arith.index_cast %scan3A_171 : i32 to index
        %get3A_323 = arith.constant 208 : index
        %get3A_324 = tpu.vector_load %arg20[%get3A_322, %get3A_323] {strides = array<i32>} : memref<32x512xi32, #tpu.memory_space<vmem>>, vector<16xi32>,
        %bitcast3A_325 = vector.bitcast %get3A_324 : vector<16xi32> to vector<32xbf16>
        %unpack3A_326 = tpu.unpack_subelements %bitcast3A_325, 0 {pack_format = #tpu.pack_format<interleaved>} : vector<32xbf16> -> vector<16xf32>
        %unpack3A_327 = tpu.unpack_subelements %bitcast3A_325, 1 {pack_format = #tpu.pack_format<interleaved>} : vector<32xbf16> -> vector<16xf32>
        %mul3A_328 = arith.mulf %gather3A_191, %unpack3A_326 : vector<16xf32>
        %add3A_329 = arith.addf %add3A_319, %mul3A_328 : vector<16xf32>
        %mul3A_330 = arith.mulf %gather3A_191, %unpack3A_327 : vector<16xf32>
        %add3A_331 = arith.addf %add3A_321, %mul3A_330 : vector<16xf32>
        %get3A_332 = arith.index_cast %scan3A_171 : i32 to index
        %get3A_333 = arith.constant 272 : index
        %get3A_334 = tpu.vector_load %arg20[%get3A_332, %get3A_333] {strides = array<i32>} : memref<32x512xi32, #tpu.memory_space<vmem>>, vector<16xi32>,
        %bitcast3A_335 = vector.bitcast %get3A_334 : vector<16xi32> to vector<32xbf16>
        %unpack3A_336 = tpu.unpack_subelements %bitcast3A_335, 0 {pack_format = #tpu.pack_format<interleaved>} : vector<32xbf16> -> vector<16xf32>
        %unpack3A_337 = tpu.unpack_subelements %bitcast3A_335, 1 {pack_format = #tpu.pack_format<interleaved>} : vector<32xbf16> -> vector<16xf32>
        %mul3A_338 = arith.mulf %gather3A_196, %unpack3A_336 : vector<16xf32>
        %add3A_339 = arith.addf %add3A_329, %mul3A_338 : vector<16xf32>
        %mul3A_340 = arith.mulf %gather3A_196, %unpack3A_337 : vector<16xf32>
        %add3A_341 = arith.addf %add3A_331, %mul3A_340 : vector<16xf32>
        %get3A_342 = arith.index_cast %scan3A_171 : i32 to index
        %get3A_343 = arith.constant 336 : index
        %get3A_344 = tpu.vector_load %arg20[%get3A_342, %get3A_343] {strides = array<i32>} : memref<32x512xi32, #tpu.memory_space<vmem>>, vector<16xi32>,
        %bitcast3A_345 = vector.bitcast %get3A_344 : vector<16xi32> to vector<32xbf16>
        %unpack3A_346 = tpu.unpack_subelements %bitcast3A_345, 0 {pack_format = #tpu.pack_format<interleaved>} : vector<32xbf16> -> vector<16xf32>
        %unpack3A_347 = tpu.unpack_subelements %bitcast3A_345, 1 {pack_format = #tpu.pack_format<interleaved>} : vector<32xbf16> -> vector<16xf32>
        %mul3A_348 = arith.mulf %gather3A_201, %unpack3A_346 : vector<16xf32>
        %add3A_349 = arith.addf %add3A_339, %mul3A_348 : vector<16xf32>
        %mul3A_350 = arith.mulf %gather3A_201, %unpack3A_347 : vector<16xf32>
        %add3A_351 = arith.addf %add3A_341, %mul3A_350 : vector<16xf32>
        %get3A_352 = arith.index_cast %scan3A_171 : i32 to index
        %get3A_353 = arith.constant 400 : index
        %get3A_354 = tpu.vector_load %arg20[%get3A_352, %get3A_353] {strides = array<i32>} : memref<32x512xi32, #tpu.memory_space<vmem>>, vector<16xi32>,
        %bitcast3A_355 = vector.bitcast %get3A_354 : vector<16xi32> to vector<32xbf16>
        %unpack3A_356 = tpu.unpack_subelements %bitcast3A_355, 0 {pack_format = #tpu.pack_format<interleaved>} : vector<32xbf16> -> vector<16xf32>
        %unpack3A_357 = tpu.unpack_subelements %bitcast3A_355, 1 {pack_format = #tpu.pack_format<interleaved>} : vector<32xbf16> -> vector<16xf32>
        %mul3A_358 = arith.mulf %gather3A_206, %unpack3A_356 : vector<16xf32>
        %add3A_359 = arith.addf %add3A_349, %mul3A_358 : vector<16xf32>
        %mul3A_360 = arith.mulf %gather3A_206, %unpack3A_357 : vector<16xf32>
        %add3A_361 = arith.addf %add3A_351, %mul3A_360 : vector<16xf32>
        %get3A_362 = arith.index_cast %scan3A_171 : i32 to index
        %get3A_363 = arith.constant 464 : index
        %get3A_364 = tpu.vector_load %arg20[%get3A_362, %get3A_363] {strides = array<i32>} : memref<32x512xi32, #tpu.memory_space<vmem>>, vector<16xi32>,
        %bitcast3A_365 = vector.bitcast %get3A_364 : vector<16xi32> to vector<32xbf16>
        %unpack3A_366 = tpu.unpack_subelements %bitcast3A_365, 0 {pack_format = #tpu.pack_format<interleaved>} : vector<32xbf16> -> vector<16xf32>
        %unpack3A_367 = tpu.unpack_subelements %bitcast3A_365, 1 {pack_format = #tpu.pack_format<interleaved>} : vector<32xbf16> -> vector<16xf32>
        %mul3A_368 = arith.mulf %gather3A_211, %unpack3A_366 : vector<16xf32>
        %add3A_369 = arith.addf %add3A_359, %mul3A_368 : vector<16xf32>
        %mul3A_370 = arith.mulf %gather3A_211, %unpack3A_367 : vector<16xf32>
        %add3A_371 = arith.addf %add3A_361, %mul3A_370 : vector<16xf32>
        %swap3A_372 = arith.index_cast %scan3A_171 : i32 to index
        %swap3A_373 = arith.constant 32 : index
        %swap3A_374 = tpu.vector_load %arg22[%swap3A_372, %swap3A_373] {strides = array<i32>} : memref<32x128xf32, #tpu.memory_space<vmem>>, vector<16xf32>,
        tpu.vector_store %arg22[%swap3A_372, %swap3A_373], %add3A_369 {strides = array<i32>} : memref<32x128xf32, #tpu.memory_space<vmem>>, vector<16xf32>,
        %swap3A_375 = arith.index_cast %scan3A_171 : i32 to index
        %swap3A_376 = arith.constant 48 : index
        %swap3A_377 = tpu.vector_load %arg22[%swap3A_375, %swap3A_376] {strides = array<i32>} : memref<32x128xf32, #tpu.memory_space<vmem>>, vector<16xf32>,
        tpu.vector_store %arg22[%swap3A_375, %swap3A_376], %add3A_371 {strides = array<i32>} : memref<32x128xf32, #tpu.memory_space<vmem>>, vector<16xf32>,
        %get3A_378 = arith.index_cast %scan3A_171 : i32 to index
        %get3A_379 = arith.constant 32 : index
        %get3A_380 = tpu.vector_load %arg20[%get3A_378, %get3A_379] {strides = array<i32>} : memref<32x512xi32, #tpu.memory_space<vmem>>, vector<16xi32>,
        %bitcast3A_381 = vector.bitcast %get3A_380 : vector<16xi32> to vector<32xbf16>
        %unpack3A_382 = tpu.unpack_subelements %bitcast3A_381, 0 {pack_format = #tpu.pack_format<interleaved>} : vector<32xbf16> -> vector<16xf32>
        %unpack3A_383 = tpu.unpack_subelements %bitcast3A_381, 1 {pack_format = #tpu.pack_format<interleaved>} : vector<32xbf16> -> vector<16xf32>
        %mul3A_384 = arith.mulf %gather3A, %unpack3A_382 : vector<16xf32>
        %mul3A_385 = arith.mulf %gather3A, %unpack3A_383 : vector<16xf32>
        %get3A_386 = arith.index_cast %scan3A_171 : i32 to index
        %get3A_387 = arith.constant 96 : index
        %get3A_388 = tpu.vector_load %arg20[%get3A_386, %get3A_387] {strides = array<i32>} : memref<32x512xi32, #tpu.memory_space<vmem>>, vector<16xi32>,
        %bitcast3A_389 = vector.bitcast %get3A_388 : vector<16xi32> to vector<32xbf16>
        %unpack3A_390 = tpu.unpack_subelements %bitcast3A_389, 0 {pack_format = #tpu.pack_format<interleaved>} : vector<32xbf16> -> vector<16xf32>
        %unpack3A_391 = tpu.unpack_subelements %bitcast3A_389, 1 {pack_format = #tpu.pack_format<interleaved>} : vector<32xbf16> -> vector<16xf32>
        %mul3A_392 = arith.mulf %gather3A_181, %unpack3A_390 : vector<16xf32>
        %add3A_393 = arith.addf %mul3A_384, %mul3A_392 : vector<16xf32>
        %mul3A_394 = arith.mulf %gather3A_181, %unpack3A_391 : vector<16xf32>
        %add3A_395 = arith.addf %mul3A_385, %mul3A_394 : vector<16xf32>
        %get3A_396 = arith.index_cast %scan3A_171 : i32 to index
        %get3A_397 = arith.constant 160 : index
        %get3A_398 = tpu.vector_load %arg20[%get3A_396, %get3A_397] {strides = array<i32>} : memref<32x512xi32, #tpu.memory_space<vmem>>, vector<16xi32>,
        %bitcast3A_399 = vector.bitcast %get3A_398 : vector<16xi32> to vector<32xbf16>
        %unpack3A_400 = tpu.unpack_subelements %bitcast3A_399, 0 {pack_format = #tpu.pack_format<interleaved>} : vector<32xbf16> -> vector<16xf32>
        %unpack3A_401 = tpu.unpack_subelements %bitcast3A_399, 1 {pack_format = #tpu.pack_format<interleaved>} : vector<32xbf16> -> vector<16xf32>
        %mul3A_402 = arith.mulf %gather3A_186, %unpack3A_400 : vector<16xf32>
        %add3A_403 = arith.addf %add3A_393, %mul3A_402 : vector<16xf32>
        %mul3A_404 = arith.mulf %gather3A_186, %unpack3A_401 : vector<16xf32>
        %add3A_405 = arith.addf %add3A_395, %mul3A_404 : vector<16xf32>
        %get3A_406 = arith.index_cast %scan3A_171 : i32 to index
        %get3A_407 = arith.constant 224 : index
        %get3A_408 = tpu.vector_load %arg20[%get3A_406, %get3A_407] {strides = array<i32>} : memref<32x512xi32, #tpu.memory_space<vmem>>, vector<16xi32>,
        %bitcast3A_409 = vector.bitcast %get3A_408 : vector<16xi32> to vector<32xbf16>
        %unpack3A_410 = tpu.unpack_subelements %bitcast3A_409, 0 {pack_format = #tpu.pack_format<interleaved>} : vector<32xbf16> -> vector<16xf32>
        %unpack3A_411 = tpu.unpack_subelements %bitcast3A_409, 1 {pack_format = #tpu.pack_format<interleaved>} : vector<32xbf16> -> vector<16xf32>
        %mul3A_412 = arith.mulf %gather3A_191, %unpack3A_410 : vector<16xf32>
        %add3A_413 = arith.addf %add3A_403, %mul3A_412 : vector<16xf32>
        %mul3A_414 = arith.mulf %gather3A_191, %unpack3A_411 : vector<16xf32>
        %add3A_415 = arith.addf %add3A_405, %mul3A_414 : vector<16xf32>
        %get3A_416 = arith.index_cast %scan3A_171 : i32 to index
        %get3A_417 = arith.constant 288 : index
        %get3A_418 = tpu.vector_load %arg20[%get3A_416, %get3A_417] {strides = array<i32>} : memref<32x512xi32, #tpu.memory_space<vmem>>, vector<16xi32>,
        %bitcast3A_419 = vector.bitcast %get3A_418 : vector<16xi32> to vector<32xbf16>
        %unpack3A_420 = tpu.unpack_subelements %bitcast3A_419, 0 {pack_format = #tpu.pack_format<interleaved>} : vector<32xbf16> -> vector<16xf32>
        %unpack3A_421 = tpu.unpack_subelements %bitcast3A_419, 1 {pack_format = #tpu.pack_format<interleaved>} : vector<32xbf16> -> vector<16xf32>
        %mul3A_422 = arith.mulf %gather3A_196, %unpack3A_420 : vector<16xf32>
        %add3A_423 = arith.addf %add3A_413, %mul3A_422 : vector<16xf32>
        %mul3A_424 = arith.mulf %gather3A_196, %unpack3A_421 : vector<16xf32>
        %add3A_425 = arith.addf %add3A_415, %mul3A_424 : vector<16xf32>
        %get3A_426 = arith.index_cast %scan3A_171 : i32 to index
        %get3A_427 = arith.constant 352 : index
        %get3A_428 = tpu.vector_load %arg20[%get3A_426, %get3A_427] {strides = array<i32>} : memref<32x512xi32, #tpu.memory_space<vmem>>, vector<16xi32>,
        %bitcast3A_429 = vector.bitcast %get3A_428 : vector<16xi32> to vector<32xbf16>
        %unpack3A_430 = tpu.unpack_subelements %bitcast3A_429, 0 {pack_format = #tpu.pack_format<interleaved>} : vector<32xbf16> -> vector<16xf32>
        %unpack3A_431 = tpu.unpack_subelements %bitcast3A_429, 1 {pack_format = #tpu.pack_format<interleaved>} : vector<32xbf16> -> vector<16xf32>
        %mul3A_432 = arith.mulf %gather3A_201, %unpack3A_430 : vector<16xf32>
        %add3A_433 = arith.addf %add3A_423, %mul3A_432 : vector<16xf32>
        %mul3A_434 = arith.mulf %gather3A_201, %unpack3A_431 : vector<16xf32>
        %add3A_435 = arith.addf %add3A_425, %mul3A_434 : vector<16xf32>
        %get3A_436 = arith.index_cast %scan3A_171 : i32 to index
        %get3A_437 = arith.constant 416 : index
        %get3A_438 = tpu.vector_load %arg20[%get3A_436, %get3A_437] {strides = array<i32>} : memref<32x512xi32, #tpu.memory_space<vmem>>, vector<16xi32>,
        %bitcast3A_439 = vector.bitcast %get3A_438 : vector<16xi32> to vector<32xbf16>
        %unpack3A_440 = tpu.unpack_subelements %bitcast3A_439, 0 {pack_format = #tpu.pack_format<interleaved>} : vector<32xbf16> -> vector<16xf32>
        %unpack3A_441 = tpu.unpack_subelements %bitcast3A_439, 1 {pack_format = #tpu.pack_format<interleaved>} : vector<32xbf16> -> vector<16xf32>
        %mul3A_442 = arith.mulf %gather3A_206, %unpack3A_440 : vector<16xf32>
        %add3A_443 = arith.addf %add3A_433, %mul3A_442 : vector<16xf32>
        %mul3A_444 = arith.mulf %gather3A_206, %unpack3A_441 : vector<16xf32>
        %add3A_445 = arith.addf %add3A_435, %mul3A_444 : vector<16xf32>
        %get3A_446 = arith.index_cast %scan3A_171 : i32 to index
        %get3A_447 = arith.constant 480 : index
        %get3A_448 = tpu.vector_load %arg20[%get3A_446, %get3A_447] {strides = array<i32>} : memref<32x512xi32, #tpu.memory_space<vmem>>, vector<16xi32>,
        %bitcast3A_449 = vector.bitcast %get3A_448 : vector<16xi32> to vector<32xbf16>
        %unpack3A_450 = tpu.unpack_subelements %bitcast3A_449, 0 {pack_format = #tpu.pack_format<interleaved>} : vector<32xbf16> -> vector<16xf32>
        %unpack3A_451 = tpu.unpack_subelements %bitcast3A_449, 1 {pack_format = #tpu.pack_format<interleaved>} : vector<32xbf16> -> vector<16xf32>
        %mul3A_452 = arith.mulf %gather3A_211, %unpack3A_450 : vector<16xf32>
        %add3A_453 = arith.addf %add3A_443, %mul3A_452 : vector<16xf32>
        %mul3A_454 = arith.mulf %gather3A_211, %unpack3A_451 : vector<16xf32>
        %add3A_455 = arith.addf %add3A_445, %mul3A_454 : vector<16xf32>
        %swap3A_456 = arith.index_cast %scan3A_171 : i32 to index
        %swap3A_457 = arith.constant 64 : index
        %swap3A_458 = tpu.vector_load %arg22[%swap3A_456, %swap3A_457] {strides = array<i32>} : memref<32x128xf32, #tpu.memory_space<vmem>>, vector<16xf32>,
        tpu.vector_store %arg22[%swap3A_456, %swap3A_457], %add3A_453 {strides = array<i32>} : memref<32x128xf32, #tpu.memory_space<vmem>>, vector<16xf32>,
        %swap3A_459 = arith.index_cast %scan3A_171 : i32 to index
        %swap3A_460 = arith.constant 80 : index
        %swap3A_461 = tpu.vector_load %arg22[%swap3A_459, %swap3A_460] {strides = array<i32>} : memref<32x128xf32, #tpu.memory_space<vmem>>, vector<16xf32>,
        tpu.vector_store %arg22[%swap3A_459, %swap3A_460], %add3A_455 {strides = array<i32>} : memref<32x128xf32, #tpu.memory_space<vmem>>, vector<16xf32>,
        %get3A_462 = arith.index_cast %scan3A_171 : i32 to index
        %get3A_463 = arith.constant 48 : index
        %get3A_464 = tpu.vector_load %arg20[%get3A_462, %get3A_463] {strides = array<i32>} : memref<32x512xi32, #tpu.memory_space<vmem>>, vector<16xi32>,
        %bitcast3A_465 = vector.bitcast %get3A_464 : vector<16xi32> to vector<32xbf16>
        %unpack3A_466 = tpu.unpack_subelements %bitcast3A_465, 0 {pack_format = #tpu.pack_format<interleaved>} : vector<32xbf16> -> vector<16xf32>
        %unpack3A_467 = tpu.unpack_subelements %bitcast3A_465, 1 {pack_format = #tpu.pack_format<interleaved>} : vector<32xbf16> -> vector<16xf32>
        %mul3A_468 = arith.mulf %gather3A, %unpack3A_466 : vector<16xf32>
        %mul3A_469 = arith.mulf %gather3A, %unpack3A_467 : vector<16xf32>
        %get3A_470 = arith.index_cast %scan3A_171 : i32 to index
        %get3A_471 = arith.constant 112 : index
        %get3A_472 = tpu.vector_load %arg20[%get3A_470, %get3A_471] {strides = array<i32>} : memref<32x512xi32, #tpu.memory_space<vmem>>, vector<16xi32>,
        %bitcast3A_473 = vector.bitcast %get3A_472 : vector<16xi32> to vector<32xbf16>
        %unpack3A_474 = tpu.unpack_subelements %bitcast3A_473, 0 {pack_format = #tpu.pack_format<interleaved>} : vector<32xbf16> -> vector<16xf32>
        %unpack3A_475 = tpu.unpack_subelements %bitcast3A_473, 1 {pack_format = #tpu.pack_format<interleaved>} : vector<32xbf16> -> vector<16xf32>
        %mul3A_476 = arith.mulf %gather3A_181, %unpack3A_474 : vector<16xf32>
        %add3A_477 = arith.addf %mul3A_468, %mul3A_476 : vector<16xf32>
        %mul3A_478 = arith.mulf %gather3A_181, %unpack3A_475 : vector<16xf32>
        %add3A_479 = arith.addf %mul3A_469, %mul3A_478 : vector<16xf32>
        %get3A_480 = arith.index_cast %scan3A_171 : i32 to index
        %get3A_481 = arith.constant 176 : index
        %get3A_482 = tpu.vector_load %arg20[%get3A_480, %get3A_481] {strides = array<i32>} : memref<32x512xi32, #tpu.memory_space<vmem>>, vector<16xi32>,
        %bitcast3A_483 = vector.bitcast %get3A_482 : vector<16xi32> to vector<32xbf16>
        %unpack3A_484 = tpu.unpack_subelements %bitcast3A_483, 0 {pack_format = #tpu.pack_format<interleaved>} : vector<32xbf16> -> vector<16xf32>
        %unpack3A_485 = tpu.unpack_subelements %bitcast3A_483, 1 {pack_format = #tpu.pack_format<interleaved>} : vector<32xbf16> -> vector<16xf32>
        %mul3A_486 = arith.mulf %gather3A_186, %unpack3A_484 : vector<16xf32>
        %add3A_487 = arith.addf %add3A_477, %mul3A_486 : vector<16xf32>
        %mul3A_488 = arith.mulf %gather3A_186, %unpack3A_485 : vector<16xf32>
        %add3A_489 = arith.addf %add3A_479, %mul3A_488 : vector<16xf32>
        %get3A_490 = arith.index_cast %scan3A_171 : i32 to index
        %get3A_491 = arith.constant 240 : index
        %get3A_492 = tpu.vector_load %arg20[%get3A_490, %get3A_491] {strides = array<i32>} : memref<32x512xi32, #tpu.memory_space<vmem>>, vector<16xi32>,
        %bitcast3A_493 = vector.bitcast %get3A_492 : vector<16xi32> to vector<32xbf16>
        %unpack3A_494 = tpu.unpack_subelements %bitcast3A_493, 0 {pack_format = #tpu.pack_format<interleaved>} : vector<32xbf16> -> vector<16xf32>
        %unpack3A_495 = tpu.unpack_subelements %bitcast3A_493, 1 {pack_format = #tpu.pack_format<interleaved>} : vector<32xbf16> -> vector<16xf32>
        %mul3A_496 = arith.mulf %gather3A_191, %unpack3A_494 : vector<16xf32>
        %add3A_497 = arith.addf %add3A_487, %mul3A_496 : vector<16xf32>
        %mul3A_498 = arith.mulf %gather3A_191, %unpack3A_495 : vector<16xf32>
        %add3A_499 = arith.addf %add3A_489, %mul3A_498 : vector<16xf32>
        %get3A_500 = arith.index_cast %scan3A_171 : i32 to index
        %get3A_501 = arith.constant 304 : index
        %get3A_502 = tpu.vector_load %arg20[%get3A_500, %get3A_501] {strides = array<i32>} : memref<32x512xi32, #tpu.memory_space<vmem>>, vector<16xi32>,
        %bitcast3A_503 = vector.bitcast %get3A_502 : vector<16xi32> to vector<32xbf16>
        %unpack3A_504 = tpu.unpack_subelements %bitcast3A_503, 0 {pack_format = #tpu.pack_format<interleaved>} : vector<32xbf16> -> vector<16xf32>
        %unpack3A_505 = tpu.unpack_subelements %bitcast3A_503, 1 {pack_format = #tpu.pack_format<interleaved>} : vector<32xbf16> -> vector<16xf32>
        %mul3A_506 = arith.mulf %gather3A_196, %unpack3A_504 : vector<16xf32>
        %add3A_507 = arith.addf %add3A_497, %mul3A_506 : vector<16xf32>
        %mul3A_508 = arith.mulf %gather3A_196, %unpack3A_505 : vector<16xf32>
        %add3A_509 = arith.addf %add3A_499, %mul3A_508 : vector<16xf32>
        %get3A_510 = arith.index_cast %scan3A_171 : i32 to index
        %get3A_511 = arith.constant 368 : index
        %get3A_512 = tpu.vector_load %arg20[%get3A_510, %get3A_511] {strides = array<i32>} : memref<32x512xi32, #tpu.memory_space<vmem>>, vector<16xi32>,
        %bitcast3A_513 = vector.bitcast %get3A_512 : vector<16xi32> to vector<32xbf16>
        %unpack3A_514 = tpu.unpack_subelements %bitcast3A_513, 0 {pack_format = #tpu.pack_format<interleaved>} : vector<32xbf16> -> vector<16xf32>
        %unpack3A_515 = tpu.unpack_subelements %bitcast3A_513, 1 {pack_format = #tpu.pack_format<interleaved>} : vector<32xbf16> -> vector<16xf32>
        %mul3A_516 = arith.mulf %gather3A_201, %unpack3A_514 : vector<16xf32>
        %add3A_517 = arith.addf %add3A_507, %mul3A_516 : vector<16xf32>
        %mul3A_518 = arith.mulf %gather3A_201, %unpack3A_515 : vector<16xf32>
        %add3A_519 = arith.addf %add3A_509, %mul3A_518 : vector<16xf32>
        %get3A_520 = arith.index_cast %scan3A_171 : i32 to index
        %get3A_521 = arith.constant 432 : index
        %get3A_522 = tpu.vector_load %arg20[%get3A_520, %get3A_521] {strides = array<i32>} : memref<32x512xi32, #tpu.memory_space<vmem>>, vector<16xi32>,
        %bitcast3A_523 = vector.bitcast %get3A_522 : vector<16xi32> to vector<32xbf16>
        %unpack3A_524 = tpu.unpack_subelements %bitcast3A_523, 0 {pack_format = #tpu.pack_format<interleaved>} : vector<32xbf16> -> vector<16xf32>
        %unpack3A_525 = tpu.unpack_subelements %bitcast3A_523, 1 {pack_format = #tpu.pack_format<interleaved>} : vector<32xbf16> -> vector<16xf32>
        %mul3A_526 = arith.mulf %gather3A_206, %unpack3A_524 : vector<16xf32>
        %add3A_527 = arith.addf %add3A_517, %mul3A_526 : vector<16xf32>
        %mul3A_528 = arith.mulf %gather3A_206, %unpack3A_525 : vector<16xf32>
        %add3A_529 = arith.addf %add3A_519, %mul3A_528 : vector<16xf32>
        %get3A_530 = arith.index_cast %scan3A_171 : i32 to index
        %get3A_531 = arith.constant 496 : index
        %get3A_532 = tpu.vector_load %arg20[%get3A_530, %get3A_531] {strides = array<i32>} : memref<32x512xi32, #tpu.memory_space<vmem>>, vector<16xi32>,
        %bitcast3A_533 = vector.bitcast %get3A_532 : vector<16xi32> to vector<32xbf16>
        %unpack3A_534 = tpu.unpack_subelements %bitcast3A_533, 0 {pack_format = #tpu.pack_format<interleaved>} : vector<32xbf16> -> vector<16xf32>
        %unpack3A_535 = tpu.unpack_subelements %bitcast3A_533, 1 {pack_format = #tpu.pack_format<interleaved>} : vector<32xbf16> -> vector<16xf32>
        %mul3A_536 = arith.mulf %gather3A_211, %unpack3A_534 : vector<16xf32>
        %add3A_537 = arith.addf %add3A_527, %mul3A_536 : vector<16xf32>
        %mul3A_538 = arith.mulf %gather3A_211, %unpack3A_535 : vector<16xf32>
        %add3A_539 = arith.addf %add3A_529, %mul3A_538 : vector<16xf32>
        %swap3A_540 = arith.index_cast %scan3A_171 : i32 to index
        %swap3A_541 = arith.constant 96 : index
        %swap3A_542 = tpu.vector_load %arg22[%swap3A_540, %swap3A_541] {strides = array<i32>} : memref<32x128xf32, #tpu.memory_space<vmem>>, vector<16xf32>,
        tpu.vector_store %arg22[%swap3A_540, %swap3A_541], %add3A_537 {strides = array<i32>} : memref<32x128xf32, #tpu.memory_space<vmem>>, vector<16xf32>,
        %swap3A_543 = arith.index_cast %scan3A_171 : i32 to index
        %swap3A_544 = arith.constant 112 : index
        %swap3A_545 = tpu.vector_load %arg22[%swap3A_543, %swap3A_544] {strides = array<i32>} : memref<32x128xf32, #tpu.memory_space<vmem>>, vector<16xf32>,
        tpu.vector_store %arg22[%swap3A_543, %swap3A_544], %add3A_539 {strides = array<i32>} : memref<32x128xf32, #tpu.memory_space<vmem>>, vector<16xf32>,
      }
      %scan3A_162 = arith.constant 32 : i32
      %dma_start3A_163 = arith.constant 0 : i32
      %dma_start3A_164 = arith.constant 0 : i32
      %dma_start3A_165 = tpu.memref_slice %arg25[%dma_start3A_163, %dma_start3A_164] : memref<10016x128xf32, #tpu.memory_space<vmem_shared>> -> memref<10016x128xf32, #tpu.memory_space<vmem_shared>>
      tpu.enqueue_indirect_dma source(%arg22 : memref<32x128xf32, #tpu.memory_space<vmem>>) target(%dma_start3A_165 : memref<10016x128xf32, #tpu.memory_space<vmem_shared>>) offsets(%arg24 : memref<32xi32, #tpu.memory_space<vmem>>) semaphore(%arg31 : memref<!tpu.dma_semaphore, #tpu.memory_space<semaphore_mem>>) {add = true}
      %lt3A_166 = arith.constant 161 : i32
      %lt3A_167 = arith.cmpi slt, %scan3A_64, %lt3A_166 : i32
      %convert_element_type3A_168 = arith.extui %lt3A_167 : i1 to i32
      %cond3A_169 = arith.constant 0 : i32
      %cond3A_170 = arith.cmpi ne, %convert_element_type3A_168, %cond3A_169 : i32
      scf.if %cond3A_170 {
        %add3A_171 = arith.constant 2 : i32
        %add3A_172 = arith.addi %add3A_126, %add3A_171 : i32
        %mul3A_173 = arith.constant 32 : i32
        %mul3A_174 = arith.muli %add3A_172, %mul3A_173 : i32
        %add3A_175 = arith.addi %mul3A_4, %mul3A_174 : i32
        %dma_start3A_176 = tpu.memref_slice %arg2[%add3A_175] : memref<331776xi32, #tpu.memory_space<hbm>> -> memref<32xi32, #tpu.memory_space<hbm>>
        %dma_start3A_177 = tpu.memref_slice %arg2[%add3A_175] : memref<331776xi32, #tpu.memory_space<hbm>> -> memref<32xi32, #tpu.memory_space<hbm>>
        tpu.enqueue_dma source(%dma_start3A_177 : memref<32xi32, #tpu.memory_space<hbm>>) target(%arg11 : memref<32xi32, #tpu.memory_space<vmem>>) target_semaphore(%arg27 : memref<!tpu.dma_semaphore, #tpu.memory_space<semaphore_mem>>)
        %dma_start3A_178 = tpu.memref_slice %arg3[%add3A_175] : memref<331776xi32, #tpu.memory_space<hbm>> -> memref<32xi32, #tpu.memory_space<hbm>>
        %dma_start3A_179 = tpu.memref_slice %arg3[%add3A_175] : memref<331776xi32, #tpu.memory_space<hbm>> -> memref<32xi32, #tpu.memory_space<hbm>>
        tpu.enqueue_dma source(%dma_start3A_179 : memref<32xi32, #tpu.memory_space<hbm>>) target(%arg13 : memref<32xi32, #tpu.memory_space<vmem>>) target_semaphore(%arg27 : memref<!tpu.dma_semaphore, #tpu.memory_space<semaphore_mem>>)
        %mul3A_180 = arith.constant 8 : i32
        %mul3A_181 = arith.muli %add3A_175, %mul3A_180 : i32
        %dma_start3A_182 = tpu.memref_slice %arg4[%mul3A_181] : memref<2654208xf32, #tpu.memory_space<hbm>> -> memref<256xf32, #tpu.memory_space<hbm>>
        %dma_start3A_183 = tpu.memref_slice %arg4[%mul3A_181] : memref<2654208xf32, #tpu.memory_space<hbm>> -> memref<256xf32, #tpu.memory_space<hbm>>
        tpu.enqueue_dma source(%dma_start3A_183 : memref<256xf32, #tpu.memory_space<hbm>>) target(%arg15 : memref<256xf32, #tpu.memory_space<vmem>>) target_semaphore(%arg27 : memref<!tpu.dma_semaphore, #tpu.memory_space<semaphore_mem>>)
      } else {
      }
    }
    %scan3A_43 = arith.constant 162 : i32
    %dma_wait3A_44 = arith.constant 0 : i32
    %dma_wait3A_45 = arith.constant 0 : i32
    %dma_wait3A_46 = tpu.memref_slice %arg7[%dma_wait3A_44, %dma_wait3A_45] : memref<10016x128xf32, #tpu.memory_space<hbm>> -> memref<32x128xf32, #tpu.memory_space<hbm>>
    %dma_wait3A_47 = arith.constant 0 : i32
    %dma_wait3A_48 = arith.constant 0 : i32
    %dma_wait3A_49 = tpu.memref_slice %arg7[%dma_wait3A_47, %dma_wait3A_48] : memref<10016x128xf32, #tpu.memory_space<hbm>> -> memref<32x128xf32, #tpu.memory_space<hbm>>
    tpu.wait_dma2 semaphore(%arg30 : memref<!tpu.dma_semaphore, #tpu.memory_space<semaphore_mem>>) src(%dma_wait3A_49 : memref<32x128xf32, #tpu.memory_space<hbm>>) dst(%arg21 : memref<32x128xf32, #tpu.memory_space<vmem>>)
    %dma_wait3A_50 = arith.constant 0 : i32
    %dma_wait3A_51 = arith.constant 0 : i32
    %dma_wait3A_52 = tpu.memref_slice %arg7[%dma_wait3A_50, %dma_wait3A_51] : memref<10016x128xf32, #tpu.memory_space<hbm>> -> memref<32x128xf32, #tpu.memory_space<hbm>>
    %dma_wait3A_53 = arith.constant 0 : i32
    %dma_wait3A_54 = arith.constant 0 : i32
    %dma_wait3A_55 = tpu.memref_slice %arg7[%dma_wait3A_53, %dma_wait3A_54] : memref<10016x128xf32, #tpu.memory_space<hbm>> -> memref<32x128xf32, #tpu.memory_space<hbm>>
    tpu.wait_dma2 semaphore(%arg31 : memref<!tpu.dma_semaphore, #tpu.memory_space<semaphore_mem>>) src(%dma_wait3A_55 : memref<32x128xf32, #tpu.memory_space<hbm>>) dst(%arg22 : memref<32x128xf32, #tpu.memory_space<vmem>>)
    %barrier3A_56 = arith.constant 0 : index
    tpu.barrier barrier_id(%barrier3A_56)
    %eq3A = arith.constant 0 : i32
    %eq3A_57 = arith.cmpi eq, %arg0, %eq3A : i32
    %convert_element_type3A = arith.extui %eq3A_57 : i1 to i32
    %cond3A = arith.constant 0 : i32
    %cond3A_58 = arith.cmpi ne, %convert_element_type3A, %cond3A : i32
    scf.if %cond3A_58 {
      "tpu.region"() ({
        %run_scoped3A = tpu.sem_alloc : memref<!tpu.dma_semaphore, #tpu.memory_space<semaphore_mem>>
        %dma_start3A_64 = arith.constant 0 : i32
        %dma_start3A_65 = tpu.memref_slice %arg8[%mul3A_2, %dma_start3A_64] : memref<10016x128xf32, #tpu.memory_space<hbm>> -> memref<626x128xf32, #tpu.memory_space<hbm>>
        %dma_start3A_66 = arith.constant 0 : i32
        %dma_start3A_67 = tpu.memref_slice %arg25[%mul3A_2, %dma_start3A_66] : memref<10016x128xf32, #tpu.memory_space<vmem_shared>> -> memref<626x128xf32, #tpu.memory_space<vmem_shared>>
        tpu.enqueue_dma source(%dma_start3A_67 : memref<626x128xf32, #tpu.memory_space<vmem_shared>>) target(%dma_start3A_65 : memref<626x128xf32, #tpu.memory_space<hbm>>) target_semaphore(%run_scoped3A : memref<!tpu.dma_semaphore, #tpu.memory_space<semaphore_mem>>)
        %dma_wait3A_68 = arith.constant 0 : i32
        %dma_wait3A_69 = tpu.memref_slice %arg8[%mul3A_2, %dma_wait3A_68] : memref<10016x128xf32, #tpu.memory_space<hbm>> -> memref<626x128xf32, #tpu.memory_space<hbm>>
        %dma_wait3A_70 = arith.constant 0 : i32
        %dma_wait3A_71 = tpu.memref_slice %arg25[%mul3A_2, %dma_wait3A_70] : memref<10016x128xf32, #tpu.memory_space<vmem_shared>> -> memref<626x128xf32, #tpu.memory_space<vmem_shared>>
        tpu.wait_dma2 semaphore(%run_scoped3A : memref<!tpu.dma_semaphore, #tpu.memory_space<semaphore_mem>>) src(%dma_wait3A_71 : memref<626x128xf32, #tpu.memory_space<vmem_shared>>) dst(%dma_wait3A_69 : memref<626x128xf32, #tpu.memory_space<hbm>>)
        tpu.yield
      }) : () -> ()
    } else {
    }
    %eq3A_59 = arith.constant 1 : i32
    %eq3A_60 = arith.cmpi eq, %arg0, %eq3A_59 : i32
    %convert_element_type3A_61 = arith.extui %eq3A_60 : i1 to i32
    %cond3A_62 = arith.constant 0 : i32
    %cond3A_63 = arith.cmpi ne, %convert_element_type3A_61, %cond3A_62 : i32
    scf.if %cond3A_63 {
      "tpu.region"() ({
        %run_scoped3A = tpu.sem_alloc : memref<!tpu.dma_semaphore, #tpu.memory_space<semaphore_mem>>
        %dma_start3A_64 = arith.constant 0 : i32
        %dma_start3A_65 = tpu.memref_slice %arg9[%mul3A_2, %dma_start3A_64] : memref<10016x128xf32, #tpu.memory_space<hbm>> -> memref<626x128xf32, #tpu.memory_space<hbm>>
        %dma_start3A_66 = arith.constant 0 : i32
        %dma_start3A_67 = tpu.memref_slice %arg25[%mul3A_2, %dma_start3A_66] : memref<10016x128xf32, #tpu.memory_space<vmem_shared>> -> memref<626x128xf32, #tpu.memory_space<vmem_shared>>
        tpu.enqueue_dma source(%dma_start3A_67 : memref<626x128xf32, #tpu.memory_space<vmem_shared>>) target(%dma_start3A_65 : memref<626x128xf32, #tpu.memory_space<hbm>>) target_semaphore(%run_scoped3A : memref<!tpu.dma_semaphore, #tpu.memory_space<semaphore_mem>>)
        %dma_wait3A_68 = arith.constant 0 : i32
        %dma_wait3A_69 = tpu.memref_slice %arg9[%mul3A_2, %dma_wait3A_68] : memref<10016x128xf32, #tpu.memory_space<hbm>> -> memref<626x128xf32, #tpu.memory_space<hbm>>
        %dma_wait3A_70 = arith.constant 0 : i32
        %dma_wait3A_71 = tpu.memref_slice %arg25[%mul3A_2, %dma_wait3A_70] : memref<10016x128xf32, #tpu.memory_space<vmem_shared>> -> memref<626x128xf32, #tpu.memory_space<vmem_shared>>
        tpu.wait_dma2 semaphore(%run_scoped3A : memref<!tpu.dma_semaphore, #tpu.memory_space<semaphore_mem>>) src(%dma_wait3A_71 : memref<626x128xf32, #tpu.memory_space<vmem_shared>>) dst(%dma_wait3A_69 : memref<626x128xf32, #tpu.memory_space<hbm>>)
        tpu.yield
      }) : () -> ()
    } else {
    }
    return
  }
}

module attributes {stable_mosaic.version = 14 : i64} {
  func.func @_proj_body(%arg0: i32, %arg1: memref<512x128xf32, #tpu.memory_space<vmem>>, %arg2: memref<128x1024xf32, #tpu.memory_space<vmem>>, %arg3: memref<1024x16xf32, #tpu.memory_space<vmem>>, %arg4: memref<512x1024xbf16, #tpu.memory_space<vmem>>, %arg5: memref<512x8xf32, #tpu.memory_space<vmem>>, %arg6: memref<512x8xf32, #tpu.memory_space<vmem>>) attributes {dimension_semantics = [#tpu.dimension_semantics<arbitrary>], iteration_bounds = array<i64: 20>, scalar_prefetch = 0 : i64, scratch_operands = 0 : i64, tpu.core_type = #tpu.core_type<tc>, window_params = [{transform_indices = @transform_0, window_bounds = array<i64: 512, 128>}, {pipeline_mode = #tpu.pipeline_mode<synchronous>, transform_indices = @transform_1, window_bounds = array<i64: 128, 1024>}, {pipeline_mode = #tpu.pipeline_mode<synchronous>, transform_indices = @transform_2, window_bounds = array<i64: 1024, 16>}, {transform_indices = @transform_3, window_bounds = array<i64: 512, 1024>}, {transform_indices = @transform_4, window_bounds = array<i64: 512, 8>}, {transform_indices = @transform_5, window_bounds = array<i64: 512, 8>}]} {
    %get3A = arith.constant 0 : index
    %get3A_0 = arith.constant 0 : index
    %get3A_1 = vector.load %arg1[%get3A, %get3A_0] : memref<512x128xf32, #tpu.memory_space<vmem>>, vector<512x128xf32>
    %get3A_2 = arith.constant 0 : index
    %get3A_3 = arith.constant 0 : index
    %get3A_4 = vector.load %arg2[%get3A_2, %get3A_3] : memref<128x1024xf32, #tpu.memory_space<vmem>>, vector<128x1024xf32>
    %dot_general3A = arith.constant dense<0.000000e+00> : vector<512x1024xf32>
    %dot_general3A_5 = tpu.matmul %get3A_1, %get3A_4, %dot_general3A {dimension_numbers = #tpu.dot_dimension_numbers<[1], [0], [0], [1], [0, 0, 1, 1], [], []>, transpose_lhs_hint = false} : vector<512x128xf32>, vector<128x1024xf32>, vector<512x1024xf32> -> vector<512x1024xf32>
    %convert_element_type3A = arith.truncf %dot_general3A_5 : vector<512x1024xf32> to vector<512x1024xbf16>
    %swap3A = arith.constant 0 : index
    %swap3A_6 = arith.constant 0 : index
    %swap3A_7 = vector.load %arg4[%swap3A, %swap3A_6] : memref<512x1024xbf16, #tpu.memory_space<vmem>>, vector<512x1024xbf16>
    tpu.vector_store %arg4[%swap3A, %swap3A_6], %convert_element_type3A {strides = array<i32>} : memref<512x1024xbf16, #tpu.memory_space<vmem>>, vector<512x1024xbf16>,
    %get3A_8 = arith.constant 0 : index
    %get3A_9 = arith.constant 0 : index
    %get3A_10 = vector.load %arg3[%get3A_8, %get3A_9] : memref<1024x16xf32, #tpu.memory_space<vmem>>, vector<1024x16xf32>
    %dot_general3A_11 = arith.constant dense<0.000000e+00> : vector<512x16xf32>
    %dot_general3A_12 = tpu.matmul %dot_general3A_5, %get3A_10, %dot_general3A_11 {dimension_numbers = #tpu.dot_dimension_numbers<[1], [0], [0], [1], [0, 0, 1, 1], [], []>, transpose_lhs_hint = false} : vector<512x1024xf32>, vector<1024x16xf32>, vector<512x16xf32> -> vector<512x16xf32>
    %slice3A = vector.extract_strided_slice %dot_general3A_12 {offsets = [0, 0], sizes = [512, 8], strides = [1, 1]} : vector<512x16xf32> to vector<512x8xf32>
    %swap3A_13 = arith.constant 0 : index
    %swap3A_14 = arith.constant 0 : index
    %swap3A_15 = vector.load %arg5[%swap3A_13, %swap3A_14] : memref<512x8xf32, #tpu.memory_space<vmem>>, vector<512x8xf32>
    tpu.vector_store %arg5[%swap3A_13, %swap3A_14], %slice3A {strides = array<i32>} : memref<512x8xf32, #tpu.memory_space<vmem>>, vector<512x8xf32>,
    %slice3A_16 = vector.extract_strided_slice %dot_general3A_12 {offsets = [0, 8], sizes = [512, 8], strides = [1, 1]} : vector<512x16xf32> to vector<512x8xf32>
    %swap3A_17 = arith.constant 0 : index
    %swap3A_18 = arith.constant 0 : index
    %swap3A_19 = vector.load %arg6[%swap3A_17, %swap3A_18] : memref<512x8xf32, #tpu.memory_space<vmem>>, vector<512x8xf32>
    tpu.vector_store %arg6[%swap3A_17, %swap3A_18], %slice3A_16 {strides = array<i32>} : memref<512x8xf32, #tpu.memory_space<vmem>>, vector<512x8xf32>,
    return
  }
  func.func @transform_0(%arg0: i32) -> (i32, i32) {
    %c0_i32 = arith.constant 0 : i32
    %c0_i32_0 = arith.constant 0 : i32
    return %arg0, %c0_i32 : i32, i32
  }
  func.func @transform_1(%arg0: i32) -> (i32, i32) {
    %c0_i32 = arith.constant 0 : i32
    %c0_i32_0 = arith.constant 0 : i32
    %c0_i32_1 = arith.constant 0 : i32
    return %c0_i32, %c0_i32_0 : i32, i32
  }
  func.func @transform_2(%arg0: i32) -> (i32, i32) {
    %c0_i32 = arith.constant 0 : i32
    %c0_i32_0 = arith.constant 0 : i32
    %c0_i32_1 = arith.constant 0 : i32
    return %c0_i32, %c0_i32_0 : i32, i32
  }
  func.func @transform_3(%arg0: i32) -> (i32, i32) {
    %c0_i32 = arith.constant 0 : i32
    %c0_i32_0 = arith.constant 0 : i32
    return %arg0, %c0_i32 : i32, i32
  }
  func.func @transform_4(%arg0: i32) -> (i32, i32) {
    %c0_i32 = arith.constant 0 : i32
    %c0_i32_0 = arith.constant 0 : i32
    return %arg0, %c0_i32 : i32, i32
  }
  func.func @transform_5(%arg0: i32) -> (i32, i32) {
    %c0_i32 = arith.constant 0 : i32
    %c0_i32_0 = arith.constant 0 : i32
    return %arg0, %c0_i32 : i32, i32
  }
}

module attributes {stable_mosaic.version = 14 : i64} {
  func.func @_recip_body(%arg0: i32, %arg1: memref<10016x8xf32, #tpu.memory_space<vmem>>, %arg2: memref<10016x8xf32, #tpu.memory_space<vmem>>, %arg3: memref<10016x8xf32, #tpu.memory_space<vmem>>) attributes {dimension_semantics = [#tpu.dimension_semantics<arbitrary>], iteration_bounds = array<i64: 1>, scalar_prefetch = 0 : i64, scratch_operands = 0 : i64, tpu.core_type = #tpu.core_type<tc>, window_params = [{pipeline_mode = #tpu.pipeline_mode<synchronous>, transform_indices = @transform_0, window_bounds = array<i64: 10016, 8>}, {pipeline_mode = #tpu.pipeline_mode<synchronous>, transform_indices = @transform_1, window_bounds = array<i64: 10016, 8>}, {pipeline_mode = #tpu.pipeline_mode<synchronous>, transform_indices = @transform_2, window_bounds = array<i64: 10016, 8>}]} {
    %get3A = arith.constant 0 : index
    %get3A_0 = arith.constant 0 : index
    %get3A_1 = vector.load %arg1[%get3A, %get3A_0] : memref<10016x8xf32, #tpu.memory_space<vmem>>, vector<10016x8xf32>
    %get3A_2 = arith.constant 0 : index
    %get3A_3 = arith.constant 0 : index
    %get3A_4 = vector.load %arg2[%get3A_2, %get3A_3] : memref<10016x8xf32, #tpu.memory_space<vmem>>, vector<10016x8xf32>
    %add3A = arith.addf %get3A_1, %get3A_4 : vector<10016x8xf32>
    %add3A_5 = arith.constant 1.000000e-16 : f32
    %add3A_6 = vector.broadcast %add3A_5 : f32 to vector<10016x8xf32>
    %add3A_7 = arith.addf %add3A, %add3A_6 : vector<10016x8xf32>
    %div3A = arith.constant 1.000000e+00 : f32
    %div3A_8 = vector.broadcast %div3A : f32 to vector<10016x8xf32>
    %div3A_9 = arith.divf %div3A_8, %add3A_7 : vector<10016x8xf32>
    %swap3A = arith.constant 0 : index
    %swap3A_10 = arith.constant 0 : index
    %swap3A_11 = vector.load %arg3[%swap3A, %swap3A_10] : memref<10016x8xf32, #tpu.memory_space<vmem>>, vector<10016x8xf32>
    tpu.vector_store %arg3[%swap3A, %swap3A_10], %div3A_9 {strides = array<i32>} : memref<10016x8xf32, #tpu.memory_space<vmem>>, vector<10016x8xf32>,
    return
  }
  func.func @transform_0(%arg0: i32) -> (i32, i32) {
    %c0_i32 = arith.constant 0 : i32
    %c0_i32_0 = arith.constant 0 : i32
    %c0_i32_1 = arith.constant 0 : i32
    return %c0_i32, %c0_i32_0 : i32, i32
  }
  func.func @transform_1(%arg0: i32) -> (i32, i32) {
    %c0_i32 = arith.constant 0 : i32
    %c0_i32_0 = arith.constant 0 : i32
    %c0_i32_1 = arith.constant 0 : i32
    return %c0_i32, %c0_i32_0 : i32, i32
  }
  func.func @transform_2(%arg0: i32) -> (i32, i32) {
    %c0_i32 = arith.constant 0 : i32
    %c0_i32_0 = arith.constant 0 : i32
    %c0_i32_1 = arith.constant 0 : i32
    return %c0_i32, %c0_i32_0 : i32, i32
  }
}

module attributes {stable_mosaic.version = 14 : i64} {
  func.func @_final_body(%arg0: i32, %arg1: memref<10016x128xf32, #tpu.memory_space<vmem>>, %arg2: memref<10016x128xf32, #tpu.memory_space<vmem>>, %arg3: memref<1x128xf32, #tpu.memory_space<vmem>>, %arg4: memref<10016x128xf32, #tpu.memory_space<vmem>>) attributes {dimension_semantics = [#tpu.dimension_semantics<arbitrary>], iteration_bounds = array<i64: 1>, scalar_prefetch = 0 : i64, scratch_operands = 0 : i64, tpu.core_type = #tpu.core_type<tc>, window_params = [{pipeline_mode = #tpu.pipeline_mode<synchronous>, transform_indices = @transform_0, window_bounds = array<i64: 10016, 128>}, {pipeline_mode = #tpu.pipeline_mode<synchronous>, transform_indices = @transform_1, window_bounds = array<i64: 10016, 128>}, {pipeline_mode = #tpu.pipeline_mode<synchronous>, transform_indices = @transform_2, window_bounds = array<i64: 1, 128>}, {pipeline_mode = #tpu.pipeline_mode<synchronous>, transform_indices = @transform_3, window_bounds = array<i64: 10016, 128>}]} {
    %get3A = arith.constant 0 : index
    %get3A_0 = arith.constant 0 : index
    %get3A_1 = vector.load %arg1[%get3A, %get3A_0] : memref<10016x128xf32, #tpu.memory_space<vmem>>, vector<10016x128xf32>
    %get3A_2 = arith.constant 0 : index
    %get3A_3 = arith.constant 0 : index
    %get3A_4 = vector.load %arg2[%get3A_2, %get3A_3] : memref<10016x128xf32, #tpu.memory_space<vmem>>, vector<10016x128xf32>
    %add3A = arith.addf %get3A_1, %get3A_4 : vector<10016x128xf32>
    %mul3A = arith.constant 1.250000e-01 : f32
    %mul3A_5 = vector.broadcast %mul3A : f32 to vector<10016x128xf32>
    %mul3A_6 = arith.mulf %add3A, %mul3A_5 : vector<10016x128xf32>
    %get3A_7 = arith.constant 0 : index
    %get3A_8 = arith.constant 0 : index
    %get3A_9 = vector.load %arg3[%get3A_7, %get3A_8] : memref<1x128xf32, #tpu.memory_space<vmem>>, vector<1x128xf32>
    %add3A_10 = vector.broadcast %get3A_9 : vector<1x128xf32> to vector<10016x128xf32>
    %add3A_11 = arith.addf %mul3A_6, %add3A_10 : vector<10016x128xf32>
    %swap3A = arith.constant 0 : index
    %swap3A_12 = arith.constant 0 : index
    %swap3A_13 = vector.load %arg4[%swap3A, %swap3A_12] : memref<10016x128xf32, #tpu.memory_space<vmem>>, vector<10016x128xf32>
    tpu.vector_store %arg4[%swap3A, %swap3A_12], %add3A_11 {strides = array<i32>} : memref<10016x128xf32, #tpu.memory_space<vmem>>, vector<10016x128xf32>,
    return
  }
  func.func @transform_0(%arg0: i32) -> (i32, i32) {
    %c0_i32 = arith.constant 0 : i32
    %c0_i32_0 = arith.constant 0 : i32
    %c0_i32_1 = arith.constant 0 : i32
    return %c0_i32, %c0_i32_0 : i32, i32
  }
  func.func @transform_1(%arg0: i32) -> (i32, i32) {
    %c0_i32 = arith.constant 0 : i32
    %c0_i32_0 = arith.constant 0 : i32
    %c0_i32_1 = arith.constant 0 : i32
    return %c0_i32, %c0_i32_0 : i32, i32
  }
  func.func @transform_2(%arg0: i32) -> (i32, i32) {
    %c0_i32 = arith.constant 0 : i32
    %c0_i32_0 = arith.constant 0 : i32
    %c0_i32_1 = arith.constant 0 : i32
    return %c0_i32, %c0_i32_0 : i32, i32
  }
  func.func @transform_3(%arg0: i32) -> (i32, i32) {
    %c0_i32 = arith.constant 0 : i32
    %c0_i32_0 = arith.constant 0 : i32
    %c0_i32_1 = arith.constant 0 : i32
    return %c0_i32, %c0_i32_0 : i32, i32
  }
}

</mosaic_0001>

<sc_bundles>
// kernel: kernel.10.cloned.1.call-start
scs
__scs_entry_jumppad:
0x0: {  	(pc) =	sbr.rel $0x88, $3  }
0x1: {  	(tag) =	ssettag $0x0;
	lr =	simm.s32 $0x1  }
0x2: {  	[smem:$0x3F9B] =	sst lr;
	_ =	strace $0xD0000000  }
0x3: {  	_ = 	snop  }
0x4: {  	_ = 	snop  }
0x5: {  	_ = 	snop  }
0x6: {  	_ = 	snop  }
0x7: {  	_ = 	snop  }
__scs_overlays_trampoline_lowered:
0x8: {  	[smem:$0x3FAA] =	sst s0  }
0x9: {  	[smem:$0x3FAB] =	sst s1  }
0xa: {  	[smem:$0x3FAC] =	sst s2  }
0xb: {  	[smem:$0x3FAD] =	sst s3  }
0xc: {  	[smem:$0x3FAE] =	sst s4  }
0xd: {  	[smem:$0x3FAF] =	sst s5  }
0xe: {  	[smem:$0x3FB0] =	sst s6  }
0xf: {  	[smem:$0x3FB1] =	sst s7  }
0x10: {  	[smem:$0x3FB2] =	sst s8  }
0x11: {  	[smem:$0x3FB3] =	sst s9;
	s0 =	simm.s32 @!p0 $0x0  }
0x12: {  	s1 =	sld [smem:$0x3F99];
	s0 =	simm.s32 @p0 $0x1  }
0x13: {  	[smem:$0x3FB4] =	sst s0;
	s0 =	simm.s32 @!p1 $0x0  }
0x14: {  	s2 =	sld [smem:$0x3F98];
	s0 =	simm.s32 @p1 $0x1  }
0x15: {  	[smem:$0x3FB5] =	sst s0;
	s0 =	simm.s32 @!p2 $0x0  }
0x16: {  	s3 =	sld [smem:$0x3FDB];
	s0 =	simm.s32 @p2 $0x1  }
0x17: {  	s4 =	simm.s32 $0x1BF5;
	[smem:$0x3FB7] =	sst s0  }
0x18: {  	s0 =	sld [smem:$0x3F9A];
	_ =	swait.ge [sflag:s4], $0x0  }
0x19: {  	s7 =	sld [smem:$0x3F9B]  }
0x1a: {  	s8 =	sadd.s32 $0xFFFFE003, lr  }
0x1b: {  	s9 =	sadd.s32 $0xFFFFFEF7, lr;
	s5 =	simm.s32 $0xFFFFFFFF;
	p2 =	slt.u32 s8, $0xFFFFF086  }
0x1c: {  	p1 =	slt.u32 s9, $0xF7A;
	s5 =	simm.s32 @!p2 $0x0  }
0x1d: {  	s5 =	simm.s32 @p1 $0x1;
	p0 =	seq.s32 s7, s2  }
0x1e: {  	s7 =	smul.u32 @!p0 $0xF7A, s2;
	p2 =	seq.s32 @!p0 s5, $0x0  }
0x1f: {  	s9 =	smul.u32 $0xF7A, s1;
	s8 =	simm.s32 @!p0 $0x1BF5;
	p2 =	por !p2, p0  }
0x20: {  	[sflag:s8] =	ssyncset.s32 @!p0 $0xFFFFF086;
	s6 =	sadd.s32 @!p0 s3, s7;
	s7 =	simm.s32 @!p0 $0x108  }
0x21: {  	s3 =	sadd.s32 s3, s9;
	s6 =	sadd.s32 @!p0 $0x88, s6;
	s7 =	simm.s32 @p2 $0x1082  }
0x22: {  	[simem:s7], [sflag:s8] =	dma.local @!p0 [hbm:s6], $0xF7A  }
0x23: {  	s9 =	sor.u32 $0xD0000000, s2;
	s6 =	simm.s32 $0x108;
	_ =	swait.ge @!p0 [sflag:s8], $0x0  }
0x24: {  	s3 =	sadd.s32 $0x88, s3;
	s6 =	simm.s32 @!p1 $0x1082;
	[sflag:s4] =	ssyncset.s32 $0xFFFFF086  }
0x25: {  	[simem:s6], [sflag:s4] =	dma.local [hbm:s3], $0xF7A  }
0x26: {  	[smem:$0x3F9B] =	sst s1;
	(tag) =	ssettag s2;
	_ =	strace s9  }
0x27: {  	s1 =	sld [smem:$0x3FAB]  }
0x28: {  	s2 =	sld [smem:$0x3FAC]  }
0x29: {  	s4 =	sld [smem:$0x3FAE]  }
0x2a: {  	p0 =	seq.s32 s5, $0x0;
	s5 =	sld [smem:$0x3FAF]  }
0x2b: {  	s6 =	sld [smem:$0x3FB0]  }
0x2c: {  	s7 =	sld [smem:$0x3FB1]  }
0x2d: {  	s3 =	simm.s32 $0x108;
	s8 =	sld [smem:$0x3FB2]  }
0x2e: {  	s3 =	simm.s32 @!p0 $0x1082;
	s9 =	sld [smem:$0x3FB3]  }
0x2f: {  	lr =	sadd.s32 s0, s3;
	s0 =	sld [smem:$0x3FAA]  }
0x30: {  	s3 =	sld [smem:$0x3FAD]  }
0x31: {  	[smem:$0x3FB6] =	sst s10  }
0x32: {  	s10 =	sld [smem:$0x3FB4];
	_ =	sdelay $0x3  }
0x33: {  	p0 =	seq.s32 s10, $0x1;
	s10 =	sld [smem:$0x3FB6];
	_ =	sdelay $0x3  }
0x34: {  	[smem:$0x3FB6] =	sst s10  }
0x35: {  	s10 =	sld [smem:$0x3FB5];
	_ =	sdelay $0x3  }
0x36: {  	p1 =	seq.s32 s10, $0x1;
	s10 =	sld [smem:$0x3FB6];
	_ =	sdelay $0x3  }
0x37: {  	[smem:$0x3FB6] =	sst s10  }
0x38: {  	s10 =	sld [smem:$0x3FB7]  }
0x39: {  	_ = 	snop;
	(pc) =	sbr.ind lr, $3  }
0x3a: {  	_ = 	snop  }
0x3b: {  	_ = 	snop  }
0x3c: {  	p2 =	seq.s32 s10, $0x1;
	s10 =	sld [smem:$0x3FB6]  }
0x3d: {  	_ =	shalt  }
0x3e: {  	_ =	shalt  }
0x3f: {  	_ =	shalt  }
0x40: {  	_ =	shalt  }
0x41: {  	_ =	shalt  }
0x42: {  	_ =	shalt  }
0x43: {  	_ =	shalt  }
0x44: {  	_ =	shalt  }
0x45: {  	_ =	shalt  }
0x46: {  	_ =	shalt  }
0x47: {  	_ =	shalt  }
0x48: {  	_ =	shalt  }
0x49: {  	_ =	shalt  }
0x4a: {  	_ =	shalt  }
0x4b: {  	_ =	shalt  }
0x4c: {  	_ =	shalt  }
0x4d: {  	_ =	shalt  }
0x4e: {  	_ =	shalt  }
0x4f: {  	_ =	shalt  }
0x50: {  	_ =	shalt  }
0x51: {  	_ =	shalt  }
0x52: {  	_ =	shalt  }
0x53: {  	_ =	shalt  }
0x54: {  	_ =	shalt  }
0x55: {  	_ =	shalt  }
0x56: {  	_ =	shalt  }
0x57: {  	_ =	shalt  }
0x58: {  	_ =	shalt  }
0x59: {  	_ =	shalt  }
0x5a: {  	_ =	shalt  }
0x5b: {  	_ =	shalt  }
0x5c: {  	_ =	shalt  }
0x5d: {  	_ =	shalt  }
0x5e: {  	_ =	shalt  }
0x5f: {  	_ =	shalt  }
0x60: {  	_ =	shalt  }
0x61: {  	_ =	shalt  }
0x62: {  	_ =	shalt  }
0x63: {  	_ =	shalt  }
0x64: {  	_ =	shalt  }
0x65: {  	_ =	shalt  }
0x66: {  	_ =	shalt  }
0x67: {  	_ =	shalt  }
0x68: {  	_ =	shalt  }
0x69: {  	_ =	shalt  }
0x6a: {  	_ =	shalt  }
0x6b: {  	_ =	shalt  }
0x6c: {  	_ =	shalt  }
0x6d: {  	_ =	shalt  }
0x6e: {  	_ =	shalt  }
0x6f: {  	_ =	shalt  }
0x70: {  	_ =	shalt  }
0x71: {  	_ =	shalt  }
0x72: {  	_ =	shalt  }
0x73: {  	_ =	shalt  }
0x74: {  	_ =	shalt  }
0x75: {  	_ =	shalt  }
0x76: {  	_ =	shalt  }
0x77: {  	_ =	shalt  }
0x78: {  	_ =	shalt  }
0x79: {  	_ =	shalt  }
0x7a: {  	_ =	shalt  }
0x7b: {  	_ =	shalt  }
0x7c: {  	_ =	shalt  }
0x7d: {  	_ =	shalt  }
0x7e: {  	_ =	shalt  }
0x7f: {  	_ =	shalt  }
0x80: {  	_ =	shalt  }
0x81: {  	_ =	shalt  }
0x82: {  	_ =	shalt  }
0x83: {  	_ =	shalt  }
0x84: {  	_ =	shalt  }
0x85: {  	_ =	shalt  }
0x86: {  	_ =	shalt  }
0x87: {  	_ =	shalt  }
.Lfunc_end0:
.L_simem_size_0:
called_computation.2_lowered:
.L_overlay_start_0:
0x88: {  	s2 =	sld [smem:$0x3FD9]  }
0x89: {  	s3 =	sld [smem:$0x3FFE];
	_ =	sdelay $0x1  }
0x8a: {  	s1 =	srdreg.scid  }
0x8b: {  	s0 =	sand.u32 $0x1, s1  }
0x8c: {  	s17 =	sshll.u32 s0, $0xA;
	s2 =	sadd.s32 s3, s2  }
0x8d: {  	s2 =	sadd.s32 s2, s17  }
0x8e: {  	[smem:$0x3FC2] =	sst s2  }
0x8f: {  	_ = 	snop  }
0x90: {  	s2 =	sld [smem:$0x3FD0];
	(tm) =	ssettm $0x1  }
0x91: {  	s18 =	sld [smem:$0x3FFB];
	_ =	sdelay $0x3  }
0x92: {  	_ =	strace s18  }
0x93: {  	s3 =	sld [smem:$0x3FFC];
	_ =	sdelay $0x3  }
0x94: {  	_ =	strace s3  }
0x95: {  	s3 =	sld [smem:$0x3FFD];
	_ =	sdelay $0x3  }
0x96: {  	_ =	strace s3  }
0x97: {  	_ =	strace $0x8FFFFFFF  }
0x98: {  	s19 =	sld [smem:$0x3FDB];
	_ =	sdelay $0x1  }
0x99: {  	s4 =	simm.s32 $_scs_section_size  }
0x9a: {  	s5 =	simm.s32 $_size__tile_overlayer_lowered;
	s6 =	simm.s32 $_tile_overlayer_lowered  }
0x9b: {  	s22 =	simm.s32 $0x1BFF;
	s21 =	sshll.u32 s6, $0x1;
	s3 =	sadd.s32 s4, s19  }
0x9c: {  	s7 =	simm.s32 $0x0;
	s20 =	sshll.u32 s5, $0x1;
	s5 =	sadd.s32 s21, s3  }
0x9d: {  	[timem:s7], [sflag:s22] =	dma.local [hbm:s5], s20  }
0x9e: {  	_ =	swait.ge [sflag:s22], s20  }
0x9f: {  	s4 =	ssub.s32 $0x0, s20;
	[sflag:s22] =	ssyncset.done $0x0  }
0xa0: {  	[sflag:s22] =	ssyncadd.s32 s4;
	_ =	sdelay $0x1  }
0xa1: {  	s23 =	simm.s32 $0x1B8B  }
0xa2: {  	_ =	swait.ge [sflag:s23], $0x1  }
0xa3: {  	[sflag:s23] =	ssyncset.done $0x0  }
0xa4: {  	s25 =	simm.s32 $0x1B8E;
	s24 =	sld [smem:$0x3FFE];
	[sflag:s23] =	ssyncadd.s32 $0xFFFFFFFF  }
0xa5: {  	s26 =	simm.s32 $execute0_lowered;
	[smem:$0x3FD2] =	sst s25  }
0xa6: {  	s5 =	sshll.u32 s26, $0x1;
	_ =	strace $0x8000004C;
	[dreg:$0x1] =	wrdreg $0xFFFFFFFF  }
0xa7: {  	s28 =	simm.s32 $_size_execute0_lowered;
	s3 =	sadd.s32 s3, s5;
	[dreg:$0x0] =	wrdreg $0x0  }
0xa8: {  	s5 =	sshll.u32 s28, $0x1;
	[dreg:$0x2] =	wrdreg s3  }
0xa9: {  	[dreg:$0x3] =	wrdreg s5  }
0xaa: {  	[dreg:$0x4] =	wrdreg $0xC0  }
0xab: {  	_ =	task [dreg:s7], $0x5FFFF  }
0xac: {  	[dreg:$0x1] =	wrdreg $0xFFFFFFFF  }
0xad: {  	[dreg:$0x0] =	wrdreg $0x60  }
0xae: {  	[dreg:$0x2] =	wrdreg s2  }
0xaf: {  	[dreg:$0x3] =	wrdreg s24  }
0xb0: {  	[dreg:$0x4] =	wrdreg $0xA5C00  }
0xb1: {  	[dreg:$0x5] =	wrdreg $0x9  }
0xb2: {  	_ =	task.clear_ibuf [dreg:s7], $0x6FFFF;
	_ =	strace $0x9000004C  }
0xb3: {  	s29 =	simm.s32 $0x9;
	_ =	strace $0x8000004E  }
0xb4: {  	_ =	swait.ge [sflag:s29], $0x1  }
0xb5: {  	[sflag:s29] =	ssyncadd.s32 $0xFFFFFFFF  }
0xb6: {  	_ =	strace $0x9000004E  }
0xb7: {  	_ =	sfence  }
0xb8: {  	s30 =	sld [smem:$0x0];
	_ =	sdelay $0x2  }
0xb9: {  	s31 =	sshll.u32 s1, $0xD;
	s1 =	sshrl.u32 s1, $0x2  }
0xba: {  	s3 =	sand.u32 $0x4000, s31;
	s1 =	sadd.s32 s1, s30  }
0xbb: {  	s0 =	sor.u32 s3, s0;
	s1 =	sshll.u32 s1, $0x11  }
0xbc: {  	s0 =	sor.u32 s1, s0  }
0xbd: {  	s0 =	sadd.s32 $0x8F2B, s0  }
0xbe: {  	[sflag:s0] =	ssyncadd.remote.s32 $0x1  }
0xbf: {  	_ =	sfence.sel $0xFFFF  }
0xc0: {  	[dreg:$0x0] =	wrdreg $0xFFFFFFFF;
	(pc) =	sbr.abs _section_cstart, $3  }
0xc1: {  	[dreg:$0x1] =	wrdreg $0xFFFFFFFF  }
0xc2: {  	_ =	task.clear_ibuf [dreg:s7], $0x2FFFF;
	_ =	strace $0x9FFFFFFF  }
0xc3: {  	(tm) =	ssettm $0x7FFFFFFF  }
tec
execute0_lowered:
.L_overlay_start_1:
0x0: {  	(tag) =	ssettag $0x1  }
0x1: {  	s1 =	rddreg [dreg:$0x0]  }
0x2: {  	s0 =	rddreg [dreg:$0x1]  }
0x3: {  	s2 =	rddreg [dreg:$0x2];
	s3 =	simm.s32 $0x0;
	s14 =	stileid.u32  }
0x4: {  	s4 =	srdreg.scid;
	s28 =	simm.s32 $0x280;
	s30 =	simm.s32 $0x60  }
0x5: {  	s31 =	simm.s32 $0x180;
	s29 =	simm.s32 $0x3;
	s16 =	simm.s32 $0x6  }
0x6: {  	[smem:$0x7FF] =	sst s3;
	s5 =	sadd.s32 $0x6A00, s0;
	s6 =	sadd.s32 $0x18400, s0  }
0x7: {  	s7 =	sadd.s32 $0x1A00, s0;
	s9 =	smul.u32 $0x13900, s14;
	s4 =	sand.u32 $0x1, s4  }
0x8: {  	s8 =	sadd.s32 $0x109400, s0;
	s11 =	sshll.u32 s14, $0x1;
	s18 =	sshll.u32 s14, $0x6  }
0x9: {  	s14 =	simm.s32 $0x9580;
	_ =	strace $0x8000004D;
	s10 =	ssub.s32 $0x2, s4  }
0xa: {  	s11 =	sor.u32 s4, s11;
	s15 =	sor.u32 $0x1C07, s18;
	p0 =	seq.s32 s4, $0x1  }
0xb: {  	s4 =	simm.s32 $0xB7800;
	s12 =	sshrl.u32 s9, $0x3;
	s13 =	sshrl.u32 s10, $0x1  }
0xc: {  	s11 =	smul.u32 $0x2880, s11;
	s9 =	sadd.s32 s9, s2;
	s4 =	simm.s32 @!p0 $0x90600  }
0xd: {  	[dreg:$0x6] =	wrdreg s15;
	s0 =	sadd.s32 s12, s0;
	s10 =	ssub.s32 s10, s13  }
0xe: {  	[dreg:$0x4] =	wrdreg s9;
	s12 =	simm.s32 $0x4;
	s13 =	simm.s32 $0xA5A0  }
0xf: {  	s17 =	sadd.s32 $0x69400, s0;
	s19 =	sshrl.u32 s11, $0x3;
	s20 =	sor.u32 $0x20, s11  }
0x10: {  	s23 =	sadd.s32 s6, s11;
	s18 =	sor.u32 $0x40, s11;
	s26 =	smax.u32 s10, $0x1  }
0x11: {  	s0 =	sadd.s32 s4, s0;
	s4 =	simm.s32 $0x380;
	[dreg:$0x5] =	wrdreg s17  }
0x12: {  	s10 =	simm.s32 $0x8580;
	s21 =	sadd.s32 s1, s19;
	[dreg:$0x9] =	wrdreg s23  }
0x13: {  	s9 =	sadd.s32 s5, s19;
	s22 =	sshrl.u32 s20, $0x3;
	[dreg:$0xd] =	wrdreg s26  }
0x14: {  	s25 =	sadd.s32 s6, s20;
	s19 =	sor.u32 $0x60, s11;
	[dreg:$0xe] =	wrdreg s0  }
.Ltmp0:
0x15: {  	s17 =	simm.s32 $0x7;
	[dreg:$0x7] =	wrdreg s21;
	(pc) =	sbr.rel .LBB2_1-.Ltmp0, $4  }
0x16: {  	s26 =	simm.s32 $0x20;
	s0 =	simm.s32 $0x2;
	[dreg:$0x8] =	wrdreg s9  }
0x17: {  	s23 =	simm.s32 $0x480;
	s24 =	sadd.s32 s1, s22;
	[dreg:$0xc] =	wrdreg s25  }
0x18: {  	s20 =	simm.s32 $0x0;
	s9 =	sadd.s32 s5, s22;
	[dreg:$0xa] =	wrdreg s24  }
0x19: {  	v0 =	vlaneseq.u32;
	[dreg:$0xb] =	wrdreg s9;
	s24 =	simm.s32 $0x4580;
	s9 =	simm.s32 $0xA580  }
.LBB2_12:
0x1a: {  	s11 =	simm.s32 $0x5  }
0x1b: {  	_ =	swait.ge [sflag:s11], $0x1000  }
0x1c: {  	[sflag:s11] =	ssyncset.done $0x0  }
0x1d: {  	[sflag:s11] =	ssyncadd.s32 $0xFFFFF000  }
0x1e: {  	_ =	swait.ge [sflag:s16], $0x1000  }
0x1f: {  	[sflag:s16] =	ssyncset.done $0x0  }
0x20: {  	[sflag:s16] =	ssyncadd.s32 $0xFFFFF000  }
0x21: {  	[bflag:$0x0] =	sbarrier.arrive $0xFFFF  }
0x22: {  	s15 =	rddreg [dreg:$0x6]  }
0x23: {  	s22 =	rddreg [dreg:$0xe]  }
0x24: {  	s17 =	rddreg [dreg:$0x10]  }
0x25: {  	[hbm:s22], [sflag:s15] =	dma.local [spmem:s17], $0x2720  }
0x26: {  	s17 =	simm.s32 $0x7  }
0x27: {  	_ =	swait.ge [sflag:s17], $0x2720  }
0x28: {  	s20 =	rddreg [dreg:$0xf]  }
0x29: {  	s25 =	rddreg [dreg:$0xd];
	s20 =	sadd.s32 $0x1, s20  }
0x2a: {  	p0 =	sne.s32 s20, s25  }
.Ltmp1:
0x2b: {  	_ = 	snop;
	(pc) =	sbr.rel @!p0 .LBB2_13-.Ltmp1, $3  }
0x2c: {  	_ =	sdelay $0x1  }
0x2d: {  	[sflag:s17] =	ssyncset.done $0x0  }
0x2e: {  	[sflag:s17] =	ssyncadd.s32 $0xFFFFD8E0  }
.LBB2_1:
0x2f: {  	[dreg:$0xf] =	wrdreg s20  }
0x30: {  	s11 =	rddreg [dreg:$0x4]  }
0x31: {  	s25 =	rddreg [dreg:$0x5];
	s22 =	sshrl.u32 s11, $0x3  }
0x32: {  	[dreg:$0x10] =	wrdreg s22  }
0x33: {  	[spmem:s22], [sflag:s15] =	dma.local [hbm:s25], $0x2720  }
0x34: {  	_ =	swait.ge [sflag:s17], $0x2720  }
0x35: {  	[sflag:s17] =	ssyncset.done $0x0  }
0x36: {  	[sflag:s17] =	ssyncadd.s32 $0xFFFFD8E0  }
0x37: {  	[bflag:$0x0] =	sbarrier.arrive $0xFFFF  }
0x38: {  	s17 =	rddreg [dreg:$0x7]  }
0x39: {  	[tilespmem:s3], [sflag:$0x1] =	stream.linear.gather [hbm4b:s17+s3], $0x20, $0x38;
	[tilespmem:$0x1DEC0] =	vst v63  }
0x3a: {  	s21 =	simm.s32 $0x40;
	s20 =	rddreg [dreg:$0x8]  }
0x3b: {  	[tilespmem:s21], [sflag:$0x1] =	stream.linear.gather [hbm4b:s20+s3], $0x20, $0x38;
	[tilespmem:$0x1DEC0] =	vst v63  }
0x3c: {  	s25 =	simm.s32 $0x80;
	s22 =	rddreg [dreg:$0x9];
	s17 =	simm.s32 $0x1  }
0x3d: {  	[tilespmem:s25], [sflag:$0x1] =	stream.linear.gather [hbm4b:s22+s3], $0x100, $0x38;
	[tilespmem:$0x1DEC0] =	vst v63  }
0x3e: {  	_ =	swait.ge [sflag:s17], $0x20  }
0x3f: {  	[sflag:s17] =	ssyncset.done $0x0  }
0x40: {  	[sflag:s17] =	ssyncadd.s32 $0xFFFFFFE0  }
0x41: {  	_ =	swait.ge [sflag:s17], $0x20  }
0x42: {  	[sflag:s17] =	ssyncset.done $0x0  }
0x43: {  	[sflag:s17] =	ssyncadd.s32 $0xFFFFFFE0  }
0x44: {  	_ =	swait.ge [sflag:s17], $0x100  }
0x45: {  	[sflag:s17] =	ssyncset.done $0x0  }
0x46: {  	[sflag:s17] =	ssyncadd.s32 $0xFFFFFF00  }
0x47: {  	[tilespmem:s28], [sflag:$0x3] =	stream.indirect.gather [hbm4b:s7+s26], $0x8, s21, s26, $0xb8;
	[tilespmem:$0x1DEC0] =	vst v63  }
0x48: {  	s20 =	simm.s32 $0x580  }
0x49: {  	[tilespmem:s20], [sflag:$0x3] =	stream.indirect.gather [hbm4b:s8+s26], $0x200, s3, s26, $0xb8;
	[tilespmem:$0x1DEC0] =	vst v63  }
0x4a: {  	s21 =	rddreg [dreg:$0xa]  }
0x4b: {  	[tilespmem:s26], [sflag:$0x2] =	stream.linear.gather [hbm4b:s21+s3], $0x20, $0x38;
	[tilespmem:$0x1DEC0] =	vst v63  }
0x4c: {  	s22 =	rddreg [dreg:$0xb]  }
0x4d: {  	[tilespmem:s30], [sflag:$0x2] =	stream.linear.gather [hbm4b:s22+s3], $0x20, $0x38;
	[tilespmem:$0x1DEC0] =	vst v63  }
0x4e: {  	s25 =	rddreg [dreg:$0xc];
	s21 =	simm.s32 $0x0  }
0x4f: {  	[tilespmem:s31], [sflag:$0x2] =	stream.linear.gather [hbm4b:s25+s3], $0x100, $0x38;
	[tilespmem:$0x1DEC0] =	vst v63  }
.LBB2_2:
0x50: {  	_ =	swait.ge [sflag:s0], $0x20  }
0x51: {  	[sflag:s0] =	ssyncset.done $0x0  }
0x52: {  	[sflag:s0] =	ssyncadd.s32 $0xFFFFFFE0  }
0x53: {  	_ =	swait.ge [sflag:s0], $0x20  }
0x54: {  	[sflag:s0] =	ssyncset.done $0x0  }
0x55: {  	[sflag:s0] =	ssyncadd.s32 $0xFFFFFFE0  }
0x56: {  	_ =	swait.ge [sflag:s0], $0x100  }
0x57: {  	[sflag:s0] =	ssyncset.done $0x0  }
0x58: {  	p0 =	seq.s32 s21, $0x0;
	[sflag:s0] =	ssyncadd.s32 $0xFFFFFF00  }
0x59: {  	[tilespmem:s4], [sflag:$0x4] =	stream.indirect.gather [hbm4b:s7+s26], $0x8, s30, s26, $0xb8;
	[tilespmem:$0x1DEC0] =	vst v63  }
0x5a: {  	s11 =	simm.s32 @!p0 $0x5  }
0x5b: {  	[tilespmem:s24], [sflag:$0x4] =	stream.indirect.gather [hbm4b:s8+s26], $0x200, s26, s26, $0xb8;
	[tilespmem:$0x1DEC0] =	vst v63  }
0x5c: {  	_ =	swait.ge @!p0 [sflag:s11], $0x1000  }
0x5d: {  	[sflag:s11] =	ssyncset.done @!p0 $0x0  }
0x5e: {  	[sflag:s11] =	ssyncadd.s32 @!p0 $0xFFFFF000  }
0x5f: {  	s20 =	simm.s32 $0x0;
	_ =	swait.ge [sflag:s29], $0x100  }
0x60: {  	v1 =	vor.u32 s20, v0;
	[sflag:s29] =	ssyncset.done $0x0  }
0x61: {  	[sflag:s29] =	ssyncadd.s32 $0xFFFFFF00  }
0x62: {  	_ =	swait.ge [sflag:s29], $0x4000  }
0x63: {  	[sflag:s29] =	ssyncset.done $0x0  }
0x64: {  	[sflag:s29] =	ssyncadd.s32 $0xFFFFC000  }
0x65: {  	s22 =	simm.s32 $0x80;
	v1 =	vld.idx.msk [tilespmem:v1+s28+$0x0], $0xffff  }
0x66: {  	v2 =	vld [tilespmem:s22+$0x0];
	_ =	sdelay $0x1  }
0x67: {  	s25 =	simm.s32 $0x10  }
0x68: {  	v3 =	vor.u32 s25, v0;
	_ =	sdelay $0x1  }
0x69: {  	v1 =	vmul.f32 v1, v2  }
0x6a: {  	s11 =	simm.s32 $0x480  }
0x6b: {  	[tilespmem:s11+$0x0] =	vst v1  }
0x6c: {  	s20 =	simm.s32 $0x90;
	v1 =	vld.idx.msk [tilespmem:v3+s28+$0x0], $0xffff  }
0x6d: {  	v3 =	vld [tilespmem:s20+$0x0];
	_ =	sdelay $0x1  }
0x6e: {  	s22 =	simm.s32 $0x20  }
0x6f: {  	s15 =	sshll.u32 s21, $0x6;
	v2 =	vor.u32 s22, v0;
	s22 =	simm.s32 $0x30  }
.LBB2_3:
0x70: {  	p0 =	sne.s32 s22, $0xF0  }
0x71: {  	v1 =	vmul.f32 v1, v3  }
0x72: {  	s11 =	sadd.s32 $0x10, s11  }
0x73: {  	[tilespmem:s11+$0x0] =	vst v1  }
.Ltmp2:
0x74: {  	s20 =	sadd.s32 $0x10, s20;
	v1 =	vld.idx.msk [tilespmem:v2+s28+$0x0], $0xffff;
	(pc) =	sbr.rel @p0 .LBB2_3-.Ltmp2, $2  }
0x75: {  	v3 =	vld [tilespmem:s20+$0x0];
	_ =	sdelay $0x2  }
0x76: {  	v2 =	vor.u32 s22, v0;
	s22 =	sadd.s32 $0x10, s22  }
0x77: {  	_ = 	snop  }
0x78: {  	v1 =	vmul.f32 v1, v3  }
0x79: {  	s11 =	sadd.s32 $0x10, s11  }
0x7a: {  	[tilespmem:s11+$0x0] =	vst v1  }
0x7b: {  	s20 =	sadd.s32 $0x10, s20;
	v1 =	vld.idx.msk [tilespmem:v2+s28+$0x0], $0xffff  }
0x7c: {  	v2 =	vld [tilespmem:s20+$0x0];
	_ =	sdelay $0x4  }
0x7d: {  	v1 =	vmul.f32 v1, v2  }
0x7e: {  	s11 =	sadd.s32 $0x10, s11  }
0x7f: {  	[tilespmem:s11+$0x0] =	vst v1  }
0x80: {  	v1 =	vld [tilespmem:$0x40]  }
0x81: {  	v2 =	vld [tilespmem:$0x50];
	_ =	sdelay $0x1  }
0x82: {  	s25 =	simm.s32 $0x0  }
0x83: {  	v6 =	vmov s25  }
0x84: {  	[tilespmem:$0xA580] =	vst v1;
	v1 =	vor.u32 $0x1, v6  }
0x85: {  	s11 =	simm.s32 $0x680;
	[tilespmem:$0xA590] =	vst v2  }
0x86: {  	v2 =	vor.u32 $0x2, v6;
	v7 =	vld [tilespmem:s11+$0xFFFFFF00]  }
0x87: {  	v8 =	vld [tilespmem:s11+$0xFFFFFF40]  }
0x88: {  	v9 =	vor.u32 $0x3, v6;
	v4 =	vld.idx.msk [tilespmem:v6+s23+$0x0], $0xffff  }
0x89: {  	v5 =	vld.idx.msk [tilespmem:v1+s23+$0x0], $0xffff  }
0x8a: {  	v10 =	vld [tilespmem:s11+$0xFFFFFF80];
	v1 =	vor.u32 $0x4, v6  }
0x8b: {  	v3 =	vld.idx.msk [tilespmem:v2+s23+$0x0], $0xffff  }
0x8c: {  	v11 =	vor.u32 $0x5, v6;
	v12 =	vor.u32 $0x6, v6;
	v13 =	vor.u32 $0x7, v6;
	v14 =	vld [tilespmem:s11+$0xFFFFFFC0]  }
0x8d: {  	v2 =	vld.idx.msk [tilespmem:v9+s23+$0x0], $0xffff;
	v6 =	vunpack.i.u.bf16.f32 v7;
	v7 =	vunpack.i.l.bf16.f32 v7;
	v9 =	vunpack.i.l.bf16.f32 v8  }
0x8e: {  	v15 =	vld [tilespmem:s11+$0x0];
	v8 =	vunpack.i.u.bf16.f32 v8;
	v7 =	vmul.f32 v7, v4;
	v9 =	vmul.f32 v9, v5  }
0x8f: {  	v16 =	vmul.f32 v6, v4;
	v6 =	vld.idx.msk [tilespmem:v1+s23+$0x0], $0xffff;
	v1 =	vmul.f32 v8, v5;
	v8 =	vunpack.i.l.bf16.f32 v10  }
0x90: {  	v17 =	vld [tilespmem:s11+$0x40];
	v10 =	vunpack.i.u.bf16.f32 v10;
	v8 =	vmul.f32 v8, v3;
	v9 =	vadd.f32 v9, v7  }
0x91: {  	v10 =	vmul.f32 v10, v3;
	v7 =	vld.idx.msk [tilespmem:v11+s23+$0x0], $0xffff;
	v1 =	vadd.f32 v1, v16;
	v11 =	vunpack.i.l.bf16.f32 v14  }
0x92: {  	v62 =	vld [tilespmem:s11+$0x80];
	v14 =	vunpack.i.u.bf16.f32 v14;
	v11 =	vmul.f32 v11, v2;
	v9 =	vadd.f32 v8, v9  }
0x93: {  	v63 =	vmul.f32 v14, v2;
	v8 =	vld.idx.msk [tilespmem:v12+s23+$0x0], $0xffff;
	v10 =	vadd.f32 v10, v1;
	v1 =	vunpack.i.l.bf16.f32 v15  }
0x94: {  	v18 =	vld [tilespmem:s11+$0xC0];
	v19 =	vmul.f32 v1, v6;
	v9 =	vadd.f32 v11, v9;
	v11 =	vunpack.i.u.bf16.f32 v15  }
0x95: {  	v20 =	vunpack.i.l.bf16.f32 v17;
	v1 =	vld.idx.msk [tilespmem:v13+s23+$0x0], $0xffff;
	v10 =	vadd.f32 v63, v10;
	v11 =	vmul.f32 v11, v6  }
0x96: {  	v21 =	vunpack.i.u.bf16.f32 v17;
	v12 =	vmul.f32 v20, v7;
	v9 =	vadd.f32 v19, v9  }
0x97: {  	v22 =	vunpack.i.l.bf16.f32 v62;
	v10 =	vadd.f32 v11, v10;
	v11 =	vmul.f32 v21, v7  }
0x98: {  	v23 =	vunpack.i.u.bf16.f32 v62;
	v13 =	vmul.f32 v22, v8;
	v9 =	vadd.f32 v12, v9  }
0x99: {  	v24 =	vunpack.i.l.bf16.f32 v18;
	v10 =	vadd.f32 v11, v10;
	v11 =	vmul.f32 v23, v8  }
0x9a: {  	v25 =	vunpack.i.u.bf16.f32 v18;
	v12 =	vmul.f32 v24, v1;
	v9 =	vadd.f32 v13, v9  }
0x9b: {  	v10 =	vadd.f32 v11, v10;
	v11 =	vmul.f32 v25, v1  }
0x9c: {  	v9 =	vadd.f32 v12, v9  }
0x9d: {  	s22 =	simm.s32 $0x85C0;
	v10 =	vadd.f32 v11, v10  }
0x9e: {  	[tilespmem:s22+$0xFFFFFFC0] =	vst v9  }
0x9f: {  	[tilespmem:s22+$0xFFFFFFD0] =	vst v10  }
0xa0: {  	v9 =	vld [tilespmem:s11+$0xFFFFFF10]  }
0xa1: {  	v10 =	vld [tilespmem:s11+$0xFFFFFF50];
	_ =	sdelay $0x1  }
0xa2: {  	v11 =	vld [tilespmem:s11+$0xFFFFFF90];
	_ =	sdelay $0x1  }
0xa3: {  	v26 =	vld [tilespmem:s11+$0xFFFFFFD0]  }
0xa4: {  	v27 =	vunpack.i.u.bf16.f32 v9;
	v9 =	vunpack.i.l.bf16.f32 v9;
	v28 =	vunpack.i.l.bf16.f32 v10  }
0xa5: {  	v29 =	vld [tilespmem:s11+$0x10];
	v10 =	vunpack.i.u.bf16.f32 v10;
	v9 =	vmul.f32 v9, v4;
	v14 =	vmul.f32 v28, v5  }
0xa6: {  	v30 =	vunpack.i.l.bf16.f32 v11;
	v10 =	vmul.f32 v10, v5;
	v13 =	vmul.f32 v27, v4  }
0xa7: {  	v31 =	vld [tilespmem:s11+$0x50];
	v11 =	vunpack.i.u.bf16.f32 v11;
	v16 =	vmul.f32 v30, v3;
	v9 =	vadd.f32 v14, v9  }
0xa8: {  	v32 =	vunpack.i.l.bf16.f32 v26;
	v11 =	vmul.f32 v11, v3;
	v10 =	vadd.f32 v10, v13  }
0xa9: {  	v33 =	vld [tilespmem:s11+$0x90];
	v12 =	vunpack.i.u.bf16.f32 v26;
	v13 =	vmul.f32 v32, v2;
	v9 =	vadd.f32 v16, v9  }
0xaa: {  	v12 =	vmul.f32 v12, v2;
	v10 =	vadd.f32 v11, v10;
	v11 =	vunpack.i.l.bf16.f32 v29  }
0xab: {  	v34 =	vld [tilespmem:s11+$0xD0];
	v15 =	vunpack.i.u.bf16.f32 v29;
	v11 =	vmul.f32 v11, v6;
	v9 =	vadd.f32 v13, v9  }
0xac: {  	v35 =	vunpack.i.l.bf16.f32 v31;
	v15 =	vmul.f32 v15, v6;
	v10 =	vadd.f32 v12, v10  }
0xad: {  	v14 =	vunpack.i.u.bf16.f32 v31;
	v9 =	vadd.f32 v11, v9;
	v11 =	vmul.f32 v35, v7  }
0xae: {  	v37 =	vunpack.i.l.bf16.f32 v33;
	v36 =	vmul.f32 v14, v7;
	v10 =	vadd.f32 v15, v10  }
0xaf: {  	v14 =	vmul.f32 v37, v8;
	v9 =	vadd.f32 v11, v9;
	v11 =	vunpack.i.u.bf16.f32 v33  }
0xb0: {  	v38 =	vunpack.i.l.bf16.f32 v34;
	v10 =	vadd.f32 v36, v10;
	v11 =	vmul.f32 v11, v8  }
0xb1: {  	v13 =	vunpack.i.u.bf16.f32 v34;
	v12 =	vmul.f32 v38, v1;
	v9 =	vadd.f32 v14, v9  }
0xb2: {  	v10 =	vadd.f32 v11, v10;
	v11 =	vmul.f32 v13, v1  }
0xb3: {  	v9 =	vadd.f32 v12, v9  }
0xb4: {  	v10 =	vadd.f32 v11, v10  }
0xb5: {  	[tilespmem:s22+$0xFFFFFFE0] =	vst v9  }
0xb6: {  	[tilespmem:s22+$0xFFFFFFF0] =	vst v10  }
0xb7: {  	v9 =	vld [tilespmem:s11+$0xFFFFFF20]  }
0xb8: {  	v10 =	vld [tilespmem:s11+$0xFFFFFF60];
	_ =	sdelay $0x1  }
0xb9: {  	v11 =	vld [tilespmem:s11+$0xFFFFFFA0];
	_ =	sdelay $0x1  }
0xba: {  	v39 =	vld [tilespmem:s11+$0xFFFFFFE0]  }
0xbb: {  	v40 =	vunpack.i.u.bf16.f32 v9;
	v9 =	vunpack.i.l.bf16.f32 v9;
	v41 =	vunpack.i.l.bf16.f32 v10  }
0xbc: {  	v42 =	vld [tilespmem:s11+$0x20];
	v10 =	vunpack.i.u.bf16.f32 v10;
	v9 =	vmul.f32 v9, v4;
	v14 =	vmul.f32 v41, v5  }
0xbd: {  	v43 =	vunpack.i.l.bf16.f32 v11;
	v10 =	vmul.f32 v10, v5;
	v13 =	vmul.f32 v40, v4  }
0xbe: {  	v45 =	vld [tilespmem:s11+$0x60];
	v11 =	vunpack.i.u.bf16.f32 v11;
	v44 =	vmul.f32 v43, v3;
	v9 =	vadd.f32 v14, v9  }
0xbf: {  	v46 =	vunpack.i.l.bf16.f32 v39;
	v11 =	vmul.f32 v11, v3;
	v10 =	vadd.f32 v10, v13  }
0xc0: {  	v47 =	vld [tilespmem:s11+$0xA0];
	v12 =	vunpack.i.u.bf16.f32 v39;
	v13 =	vmul.f32 v46, v2;
	v9 =	vadd.f32 v44, v9  }
0xc1: {  	v12 =	vmul.f32 v12, v2;
	v10 =	vadd.f32 v11, v10;
	v11 =	vunpack.i.l.bf16.f32 v42  }
0xc2: {  	v48 =	vld [tilespmem:s11+$0xE0];
	v15 =	vunpack.i.u.bf16.f32 v42;
	v11 =	vmul.f32 v11, v6;
	v9 =	vadd.f32 v13, v9  }
0xc3: {  	v49 =	vunpack.i.l.bf16.f32 v45;
	v15 =	vmul.f32 v15, v6;
	v10 =	vadd.f32 v12, v10  }
0xc4: {  	v16 =	vunpack.i.u.bf16.f32 v45;
	v9 =	vadd.f32 v11, v9;
	v11 =	vmul.f32 v49, v7  }
0xc5: {  	v51 =	vunpack.i.l.bf16.f32 v47;
	v50 =	vmul.f32 v16, v7;
	v10 =	vadd.f32 v15, v10  }
0xc6: {  	v52 =	vmul.f32 v51, v8;
	v9 =	vadd.f32 v11, v9;
	v11 =	vunpack.i.u.bf16.f32 v47  }
0xc7: {  	v53 =	vunpack.i.l.bf16.f32 v48;
	v10 =	vadd.f32 v50, v10;
	v11 =	vmul.f32 v11, v8  }
0xc8: {  	v13 =	vunpack.i.u.bf16.f32 v48;
	v12 =	vmul.f32 v53, v1;
	v9 =	vadd.f32 v52, v9  }
0xc9: {  	v10 =	vadd.f32 v11, v10;
	v11 =	vmul.f32 v13, v1  }
0xca: {  	v9 =	vadd.f32 v12, v9  }
0xcb: {  	v10 =	vadd.f32 v11, v10  }
0xcc: {  	[tilespmem:s22+$0x0] =	vst v9  }
0xcd: {  	[tilespmem:s22+$0x10] =	vst v10  }
0xce: {  	v10 =	vld [tilespmem:s11+$0xFFFFFF70]  }
0xcf: {  	v11 =	vld [tilespmem:s11+$0xFFFFFF30];
	_ =	sdelay $0x1  }
0xd0: {  	v54 =	vld [tilespmem:s11+$0xFFFFFFB0]  }
0xd1: {  	v9 =	vld [tilespmem:s11+$0x30]  }
0xd2: {  	v55 =	vld [tilespmem:s11+$0xFFFFFFF0];
	v57 =	vunpack.i.u.bf16.f32 v10;
	v10 =	vunpack.i.l.bf16.f32 v10  }
0xd3: {  	v58 =	vunpack.i.u.bf16.f32 v11;
	v11 =	vunpack.i.l.bf16.f32 v11;
	v10 =	vmul.f32 v10, v5  }
0xd4: {  	v16 =	vmul.f32 v58, v4;
	v4 =	vmul.f32 v11, v4  }
0xd5: {  	v60 =	vunpack.i.u.bf16.f32 v54;
	v5 =	vmul.f32 v57, v5;
	v11 =	vunpack.i.l.bf16.f32 v54  }
0xd6: {  	v59 =	vld [tilespmem:s11+$0x70];
	v61 =	vmul.f32 v60, v3;
	v3 =	vmul.f32 v11, v3;
	v4 =	vadd.f32 v10, v4  }
0xd7: {  	v56 =	vunpack.i.u.bf16.f32 v9;
	v9 =	vunpack.i.l.bf16.f32 v9;
	v10 =	vunpack.i.l.bf16.f32 v55  }
0xd8: {  	v62 =	vld [tilespmem:s11+$0xB0];
	v5 =	vadd.f32 v5, v16;
	v10 =	vmul.f32 v10, v2;
	v3 =	vadd.f32 v3, v4  }
0xd9: {  	v9 =	vmul.f32 v9, v6;
	v63 =	vmul.f32 v56, v6;
	v11 =	vunpack.i.u.bf16.f32 v55  }
0xda: {  	v11 =	vmul.f32 v11, v2;
	v5 =	vadd.f32 v61, v5;
	v6 =	vadd.f32 v10, v3;
	v10 =	vld [tilespmem:s11+$0xF0]  }
0xdb: {  	v2 =	vunpack.i.l.bf16.f32 v59  }
0xdc: {  	v4 =	vunpack.i.u.bf16.f32 v59;
	v2 =	vmul.f32 v2, v7;
	v5 =	vadd.f32 v11, v5  }
0xdd: {  	v4 =	vmul.f32 v4, v7;
	v7 =	vunpack.i.u.bf16.f32 v62;
	v3 =	vunpack.i.l.bf16.f32 v62  }
0xde: {  	s25 =	simm.s32 $0x8;
	s20 =	simm.s32 $0x85C0;
	v3 =	vmul.f32 v3, v8;
	v11 =	vadd.f32 v63, v5;
	v5 =	vmul.f32 v7, v8  }
.LBB2_5:
0xdf: {  	p0 =	sne.s32 s25, $0xF8;
	v6 =	vadd.f32 v9, v6;
	v7 =	vunpack.i.u.bf16.f32 v10;
	v8 =	vunpack.i.l.bf16.f32 v10;
	s22 =	sadd.s32 $0x80, s22;
	s11 =	sadd.s32 $0x200, s11  }
0xe0: {  	s17 =	smov.u32 s25;
	s25 =	sadd.s32 $0x8, s25;
	v4 =	vadd.f32 v4, v11;
	v8 =	vmul.f32 v8, v1;
	v1 =	vmul.f32 v7, v1  }
0xe1: {  	v2 =	vadd.f32 v2, v6  }
0xe2: {  	v4 =	vadd.f32 v5, v4  }
0xe3: {  	v2 =	vadd.f32 v3, v2  }
0xe4: {  	v1 =	vadd.f32 v1, v4  }
0xe5: {  	v3 =	vmov s17;
	v2 =	vadd.f32 v8, v2  }
0xe6: {  	v4 =	vor.u32 $0x1, v3;
	v5 =	vor.u32 $0x2, v3;
	v6 =	vor.u32 $0x3, v3;
	[tilespmem:s20+$0x30] =	vst v1  }
0xe7: {  	v7 =	vor.u32 $0x5, v3;
	v9 =	vor.u32 $0x6, v3;
	v1 =	vor.u32 $0x4, v3;
	[tilespmem:s20+$0x20] =	vst v2;
	s20 =	smov.u32 s22  }
0xe8: {  	v10 =	vor.u32 $0x7, v3;
	v11 =	vld [tilespmem:s11+$0xFFFFFF00]  }
0xe9: {  	v12 =	vld [tilespmem:s11+$0xFFFFFF40]  }
0xea: {  	v3 =	vld.idx.msk [tilespmem:v3+s23+$0x0], $0xffff  }
0xeb: {  	v8 =	vld.idx.msk [tilespmem:v4+s23+$0x0], $0xffff  }
0xec: {  	v13 =	vld [tilespmem:s11+$0xFFFFFF80]  }
0xed: {  	v4 =	vld.idx.msk [tilespmem:v5+s23+$0x0], $0xffff  }
0xee: {  	v14 =	vld [tilespmem:s11+$0xFFFFFFC0]  }
0xef: {  	v5 =	vunpack.i.u.bf16.f32 v11;
	v2 =	vld.idx.msk [tilespmem:v6+s23+$0x0], $0xffff;
	v6 =	vunpack.i.l.bf16.f32 v11;
	v11 =	vunpack.i.l.bf16.f32 v12  }
0xf0: {  	v16 =	vmul.f32 v5, v3;
	v15 =	vmul.f32 v6, v3;
	v6 =	vunpack.i.u.bf16.f32 v12;
	v12 =	vld [tilespmem:s11+$0x0]  }
0xf1: {  	v5 =	vld.idx.msk [tilespmem:v1+s23+$0x0], $0xffff;
	v1 =	vmul.f32 v11, v8;
	v11 =	vmul.f32 v6, v8  }
0xf2: {  	v17 =	vunpack.i.u.bf16.f32 v13;
	v13 =	vunpack.i.l.bf16.f32 v13;
	v18 =	vld [tilespmem:s11+$0x40]  }
0xf3: {  	v13 =	vmul.f32 v13, v4;
	v6 =	vld.idx.msk [tilespmem:v7+s23+$0x0], $0xffff;
	v1 =	vadd.f32 v1, v15;
	v11 =	vadd.f32 v11, v16  }
0xf4: {  	v15 =	vmul.f32 v17, v4;
	v16 =	vunpack.i.l.bf16.f32 v14;
	v17 =	vld [tilespmem:s11+$0x80]  }
0xf5: {  	v7 =	vld.idx.msk [tilespmem:v9+s23+$0x0], $0xffff;
	v9 =	vadd.f32 v13, v1;
	v1 =	vunpack.i.u.bf16.f32 v14;
	v13 =	vmul.f32 v16, v2  }
0xf6: {  	v11 =	vadd.f32 v15, v11;
	v15 =	vunpack.i.l.bf16.f32 v12;
	v14 =	vmul.f32 v1, v2;
	v16 =	vld [tilespmem:s11+$0xC0]  }
0xf7: {  	v1 =	vld.idx.msk [tilespmem:v10+s23+$0x0], $0xffff;
	v9 =	vadd.f32 v13, v9;
	v10 =	vunpack.i.u.bf16.f32 v12;
	v12 =	vmul.f32 v15, v5  }
0xf8: {  	v13 =	vunpack.i.l.bf16.f32 v18;
	v11 =	vadd.f32 v14, v11;
	v10 =	vmul.f32 v10, v5  }
0xf9: {  	v13 =	vmul.f32 v13, v6;
	v9 =	vadd.f32 v12, v9;
	v12 =	vunpack.i.u.bf16.f32 v18  }
0xfa: {  	v10 =	vadd.f32 v10, v11;
	v11 =	vmul.f32 v12, v6;
	v12 =	vunpack.i.l.bf16.f32 v17  }
0xfb: {  	v9 =	vadd.f32 v13, v9;
	v13 =	vunpack.i.u.bf16.f32 v17;
	v12 =	vmul.f32 v12, v7  }
0xfc: {  	v10 =	vadd.f32 v11, v10;
	v11 =	vmul.f32 v13, v7;
	v13 =	vunpack.i.l.bf16.f32 v16  }
0xfd: {  	v9 =	vadd.f32 v12, v9;
	v12 =	vunpack.i.u.bf16.f32 v16;
	v13 =	vmul.f32 v13, v1  }
0xfe: {  	v10 =	vadd.f32 v11, v10;
	v11 =	vmul.f32 v12, v1  }
0xff: {  	v9 =	vadd.f32 v13, v9  }
0x100: {  	v10 =	vadd.f32 v11, v10  }
0x101: {  	[tilespmem:s22+$0xFFFFFFC0] =	vst v9  }
0x102: {  	[tilespmem:s22+$0xFFFFFFD0] =	vst v10  }
0x103: {  	v9 =	vld [tilespmem:s11+$0xFFFFFF10]  }
0x104: {  	v10 =	vld [tilespmem:s11+$0xFFFFFF50]  }
0x105: {  	v11 =	vld [tilespmem:s11+$0xFFFFFF90];
	_ =	sdelay $0x2  }
0x106: {  	v12 =	vunpack.i.u.bf16.f32 v9;
	v9 =	vunpack.i.l.bf16.f32 v9;
	v13 =	vld [tilespmem:s11+$0xFFFFFFD0]  }
0x107: {  	v9 =	vmul.f32 v9, v3;
	v14 =	vunpack.i.u.bf16.f32 v10;
	v10 =	vunpack.i.l.bf16.f32 v10  }
0x108: {  	v10 =	vmul.f32 v10, v8;
	v14 =	vmul.f32 v14, v8;
	v15 =	vunpack.i.l.bf16.f32 v11;
	v16 =	vld [tilespmem:s11+$0x10]  }
0x109: {  	v12 =	vmul.f32 v12, v3;
	v11 =	vunpack.i.u.bf16.f32 v11;
	v15 =	vmul.f32 v15, v4  }
0x10a: {  	v9 =	vadd.f32 v10, v9;
	v10 =	vmul.f32 v11, v4;
	v11 =	vld [tilespmem:s11+$0x50]  }
0x10b: {  	v12 =	vadd.f32 v14, v12;
	v14 =	vunpack.i.u.bf16.f32 v13;
	v13 =	vunpack.i.l.bf16.f32 v13  }
0x10c: {  	v9 =	vadd.f32 v15, v9;
	v13 =	vmul.f32 v13, v2;
	v14 =	vmul.f32 v14, v2;
	v15 =	vld [tilespmem:s11+$0x90]  }
0x10d: {  	v10 =	vadd.f32 v10, v12;
	v12 =	vunpack.i.u.bf16.f32 v16;
	v16 =	vunpack.i.l.bf16.f32 v16  }
0x10e: {  	v9 =	vadd.f32 v13, v9;
	v13 =	vmul.f32 v16, v5;
	v12 =	vmul.f32 v12, v5;
	v16 =	vld [tilespmem:s11+$0xD0]  }
0x10f: {  	v10 =	vadd.f32 v14, v10;
	v14 =	vunpack.i.u.bf16.f32 v11;
	v11 =	vunpack.i.l.bf16.f32 v11  }
0x110: {  	v9 =	vadd.f32 v13, v9;
	v11 =	vmul.f32 v11, v6;
	v13 =	vmul.f32 v14, v6  }
0x111: {  	v10 =	vadd.f32 v12, v10;
	v12 =	vunpack.i.l.bf16.f32 v15  }
0x112: {  	v9 =	vadd.f32 v11, v9;
	v11 =	vunpack.i.u.bf16.f32 v15;
	v12 =	vmul.f32 v12, v7  }
0x113: {  	v10 =	vadd.f32 v13, v10;
	v11 =	vmul.f32 v11, v7;
	v13 =	vunpack.i.l.bf16.f32 v16  }
0x114: {  	v9 =	vadd.f32 v12, v9;
	v12 =	vunpack.i.u.bf16.f32 v16;
	v13 =	vmul.f32 v13, v1  }
0x115: {  	v10 =	vadd.f32 v11, v10;
	v11 =	vmul.f32 v12, v1  }
0x116: {  	v9 =	vadd.f32 v13, v9  }
0x117: {  	v10 =	vadd.f32 v11, v10  }
0x118: {  	[tilespmem:s22+$0xFFFFFFE0] =	vst v9  }
0x119: {  	[tilespmem:s22+$0xFFFFFFF0] =	vst v10  }
0x11a: {  	v9 =	vld [tilespmem:s11+$0xFFFFFF20]  }
0x11b: {  	v10 =	vld [tilespmem:s11+$0xFFFFFF60];
	_ =	sdelay $0x1  }
0x11c: {  	v11 =	vld [tilespmem:s11+$0xFFFFFFA0];
	_ =	sdelay $0x1  }
0x11d: {  	v12 =	vunpack.i.u.bf16.f32 v9;
	v9 =	vunpack.i.l.bf16.f32 v9;
	v13 =	vld [tilespmem:s11+$0xFFFFFFE0]  }
0x11e: {  	v9 =	vmul.f32 v9, v3;
	v14 =	vunpack.i.u.bf16.f32 v10;
	v10 =	vunpack.i.l.bf16.f32 v10  }
0x11f: {  	v10 =	vmul.f32 v10, v8;
	v14 =	vmul.f32 v14, v8;
	v15 =	vld [tilespmem:s11+$0x20]  }
0x120: {  	v12 =	vmul.f32 v12, v3;
	v16 =	vunpack.i.u.bf16.f32 v11;
	v11 =	vunpack.i.l.bf16.f32 v11  }
0x121: {  	v9 =	vadd.f32 v10, v9;
	v10 =	vmul.f32 v11, v4;
	v11 =	vmul.f32 v16, v4;
	v16 =	vld [tilespmem:s11+$0x60]  }
0x122: {  	v12 =	vadd.f32 v14, v12;
	v14 =	vunpack.i.u.bf16.f32 v13;
	v13 =	vunpack.i.l.bf16.f32 v13  }
0x123: {  	v9 =	vadd.f32 v10, v9;
	v10 =	vmul.f32 v13, v2;
	v13 =	vmul.f32 v14, v2;
	v14 =	vld [tilespmem:s11+$0xA0]  }
0x124: {  	v11 =	vadd.f32 v11, v12;
	v12 =	vunpack.i.u.bf16.f32 v15;
	v15 =	vunpack.i.l.bf16.f32 v15  }
0x125: {  	v9 =	vadd.f32 v10, v9;
	v10 =	vmul.f32 v15, v5;
	v12 =	vmul.f32 v12, v5;
	v15 =	vld [tilespmem:s11+$0xE0]  }
0x126: {  	v11 =	vadd.f32 v13, v11;
	v13 =	vunpack.i.u.bf16.f32 v16;
	v16 =	vunpack.i.l.bf16.f32 v16  }
0x127: {  	v9 =	vadd.f32 v10, v9;
	v10 =	vmul.f32 v16, v6;
	v13 =	vmul.f32 v13, v6  }
0x128: {  	v11 =	vadd.f32 v12, v11;
	v12 =	vunpack.i.l.bf16.f32 v14  }
0x129: {  	v9 =	vadd.f32 v10, v9;
	v10 =	vunpack.i.u.bf16.f32 v14;
	v12 =	vmul.f32 v12, v7  }
0x12a: {  	v11 =	vadd.f32 v13, v11;
	v10 =	vmul.f32 v10, v7;
	v13 =	vunpack.i.l.bf16.f32 v15  }
0x12b: {  	v9 =	vadd.f32 v12, v9;
	v12 =	vunpack.i.u.bf16.f32 v15;
	v13 =	vmul.f32 v13, v1  }
0x12c: {  	v10 =	vadd.f32 v10, v11;
	v11 =	vmul.f32 v12, v1  }
0x12d: {  	v9 =	vadd.f32 v13, v9  }
0x12e: {  	v10 =	vadd.f32 v11, v10  }
0x12f: {  	[tilespmem:s22+$0x0] =	vst v9  }
0x130: {  	[tilespmem:s22+$0x10] =	vst v10  }
0x131: {  	v9 =	vld [tilespmem:s11+$0x30]  }
0x132: {  	v10 =	vld [tilespmem:s11+$0xFFFFFF70]  }
0x133: {  	v11 =	vld [tilespmem:s11+$0xFFFFFF30]  }
0x134: {  	v12 =	vld [tilespmem:s11+$0xFFFFFFB0]  }
0x135: {  	v13 =	vld [tilespmem:s11+$0xFFFFFFF0]  }
0x136: {  	v14 =	vunpack.i.u.bf16.f32 v9;
	v9 =	vunpack.i.l.bf16.f32 v9;
	v15 =	vld [tilespmem:s11+$0x70]  }
0x137: {  	v16 =	vunpack.i.u.bf16.f32 v10;
	v10 =	vunpack.i.l.bf16.f32 v10;
	v9 =	vmul.f32 v9, v5;
	v17 =	vld [tilespmem:s11+$0xB0]  }
0x138: {  	v18 =	vunpack.i.u.bf16.f32 v11;
	v19 =	vmul.f32 v10, v8;
	v8 =	vmul.f32 v16, v8;
	v10 =	vld [tilespmem:s11+$0xF0]  }
0x139: {  	v11 =	vunpack.i.l.bf16.f32 v11;
	v16 =	vmul.f32 v18, v3;
	v18 =	vunpack.i.u.bf16.f32 v12  }
0x13a: {  	v3 =	vmul.f32 v11, v3;
	v11 =	vunpack.i.l.bf16.f32 v12;
	v12 =	vmul.f32 v18, v4  }
0x13b: {  	v4 =	vmul.f32 v11, v4;
	v11 =	vunpack.i.u.bf16.f32 v13;
	v8 =	vadd.f32 v8, v16  }
0x13c: {  	v13 =	vunpack.i.l.bf16.f32 v13;
	v3 =	vadd.f32 v19, v3;
	v11 =	vmul.f32 v11, v2  }
.Ltmp3:
0x13d: {  	v5 =	vmul.f32 v14, v5;
	v8 =	vadd.f32 v12, v8;
	v12 =	vmul.f32 v13, v2;
	(pc) =	sbr.rel @p0 .LBB2_5-.Ltmp3, $4  }
0x13e: {  	v3 =	vadd.f32 v4, v3;
	v4 =	vunpack.i.u.bf16.f32 v15;
	v2 =	vunpack.i.l.bf16.f32 v15  }
0x13f: {  	v2 =	vmul.f32 v2, v6;
	v4 =	vmul.f32 v4, v6;
	v8 =	vadd.f32 v11, v8  }
0x140: {  	v6 =	vadd.f32 v12, v3;
	v12 =	vunpack.i.u.bf16.f32 v17;
	v3 =	vunpack.i.l.bf16.f32 v17  }
0x141: {  	v3 =	vmul.f32 v3, v7;
	v11 =	vadd.f32 v5, v8;
	v5 =	vmul.f32 v12, v7  }
0x142: {  	v6 =	vadd.f32 v9, v6  }
0x143: {  	v4 =	vadd.f32 v4, v11  }
0x144: {  	v7 =	vunpack.i.u.bf16.f32 v10;
	v2 =	vadd.f32 v2, v6  }
0x145: {  	v63 =	vunpack.i.l.bf16.f32 v10;
	v7 =	vmul.f32 v7, v1;
	v4 =	vadd.f32 v5, v4  }
0x146: {  	v1 =	vmul.f32 v63, v1;
	v2 =	vadd.f32 v3, v2  }
0x147: {  	v3 =	vadd.f32 v7, v4  }
0x148: {  	p0 =	seq.s32 s21, $0xA1;
	v1 =	vadd.f32 v1, v2  }
0x149: {  	s11 =	sadd.s32 @!p0 s15, s18;
	[tilespmem:s20+$0x30] =	vst v3  }
0x14a: {  	s17 =	sshrl.u32 @!p0 s11, $0x3;
	[tilespmem:s20+$0x20] =	vst v1  }
0x14b: {  	[spmem:s2] =	stream.indirect.scatter.add.f32 [tilespmem:s10], [sflag:$0x5], $0x80, s9, s26, $0xb8;
	[tilespmem:$0x1DEC0] =	vst v63  }
0x14c: {  	s22 =	simm.s32 @!p0 $0x0;
	s20 =	sadd.s32 @!p0 s1, s17  }
0x14d: {  	[tilespmem:s22], [sflag:$0x1] =	stream.linear.gather @!p0 [hbm4b:s20+s22], $0x20, $0x38;
	[tilespmem:$0x1DEC0] =	vst v63  }
0x14e: {  	s17 =	sadd.s32 @!p0 s5, s17;
	s20 =	simm.s32 @!p0 $0x40  }
0x14f: {  	[tilespmem:s20], [sflag:$0x1] =	stream.linear.gather @!p0 [hbm4b:s17+s22], $0x20, $0x38;
	[tilespmem:$0x1DEC0] =	vst v63  }
0x150: {  	s11 =	sadd.s32 @!p0 s6, s11;
	s17 =	simm.s32 @!p0 $0x80  }
0x151: {  	[tilespmem:s17], [sflag:$0x1] =	stream.linear.gather @!p0 [hbm4b:s11+s22], $0x100, $0x38;
	[tilespmem:$0x1DEC0] =	vst v63  }
0x152: {  	s11 =	simm.s32 @!p0 $0x1  }
0x153: {  	_ =	swait.ge @!p0 [sflag:s11], $0x20  }
0x154: {  	[sflag:s11] =	ssyncset.done @!p0 $0x0  }
0x155: {  	[sflag:s11] =	ssyncadd.s32 @!p0 $0xFFFFFFE0  }
0x156: {  	_ =	swait.ge @!p0 [sflag:s11], $0x20  }
0x157: {  	[sflag:s11] =	ssyncset.done @!p0 $0x0  }
0x158: {  	[sflag:s11] =	ssyncadd.s32 @!p0 $0xFFFFFFE0  }
0x159: {  	_ =	swait.ge @!p0 [sflag:s11], $0x100  }
0x15a: {  	p1 =	seq.s32 @!p0 s21, $0x0;
	[sflag:s11] =	ssyncset.done @!p0 $0x0  }
0x15b: {  	s17 =	simm.s32 @!p0 $0x280;
	[sflag:s11] =	ssyncadd.s32 @!p0 $0xFFFFFF00;
	s11 =	simm.s32 @!p0 $0x20  }
0x15c: {  	[tilespmem:s17], [sflag:$0x3] =	stream.indirect.gather @!p0 [hbm4b:s7+s11], $0x8, s20, s11, $0xb8;
	[tilespmem:$0x1DEC0] =	vst v63  }
0x15d: {  	p1 =	por p0, !p1;
	s17 =	simm.s32 @!p0 $0x580  }
0x15e: {  	[tilespmem:s17], [sflag:$0x3] =	stream.indirect.gather @!p0 [hbm4b:s8+s11], $0x200, s22, s11, $0xb8;
	[tilespmem:$0x1DEC0] =	vst v63  }
0x15f: {  	_ =	swait.ge @p1 [sflag:s16], $0x1000  }
0x160: {  	[sflag:s16] =	ssyncset.done @p1 $0x0  }
0x161: {  	[sflag:s16] =	ssyncadd.s32 @p1 $0xFFFFF000  }
0x162: {  	s17 =	simm.s32 $0x0;
	_ =	swait.ge [sflag:s12], $0x100  }
0x163: {  	v1 =	vor.u32 s17, v0;
	[sflag:s12] =	ssyncset.done $0x0  }
0x164: {  	[sflag:s12] =	ssyncadd.s32 $0xFFFFFF00  }
0x165: {  	_ =	swait.ge [sflag:s12], $0x4000  }
0x166: {  	[sflag:s12] =	ssyncset.done $0x0  }
0x167: {  	[sflag:s12] =	ssyncadd.s32 $0xFFFFC000  }
0x168: {  	s20 =	simm.s32 $0x180;
	v1 =	vld.idx.msk [tilespmem:v1+s4+$0x0], $0xffff  }
0x169: {  	v2 =	vld [tilespmem:s20+$0x0];
	_ =	sdelay $0x1  }
0x16a: {  	s22 =	simm.s32 $0x10  }
0x16b: {  	v3 =	vor.u32 s22, v0;
	_ =	sdelay $0x1  }
0x16c: {  	v1 =	vmul.f32 v1, v2  }
0x16d: {  	s11 =	simm.s32 $0x480  }
0x16e: {  	[tilespmem:s11+$0x0] =	vst v1  }
0x16f: {  	s20 =	simm.s32 $0x190;
	v1 =	vld.idx.msk [tilespmem:v3+s4+$0x0], $0xffff  }
0x170: {  	v3 =	vld [tilespmem:s20+$0x0];
	_ =	sdelay $0x1  }
0x171: {  	s25 =	simm.s32 $0x20  }
0x172: {  	s22 =	simm.s32 $0x30;
	v2 =	vor.u32 s25, v0  }
.LBB2_7:
0x173: {  	p1 =	sne.s32 s22, $0xF0  }
0x174: {  	v1 =	vmul.f32 v1, v3  }
0x175: {  	s11 =	sadd.s32 $0x10, s11  }
0x176: {  	[tilespmem:s11+$0x0] =	vst v1  }
.Ltmp4:
0x177: {  	s20 =	sadd.s32 $0x10, s20;
	v1 =	vld.idx.msk [tilespmem:v2+s4+$0x0], $0xffff;
	(pc) =	sbr.rel @p1 .LBB2_7-.Ltmp4, $2  }
0x178: {  	v3 =	vld [tilespmem:s20+$0x0];
	_ =	sdelay $0x2  }
0x179: {  	v2 =	vor.u32 s22, v0;
	s22 =	sadd.s32 $0x10, s22  }
0x17a: {  	_ = 	snop  }
0x17b: {  	v1 =	vmul.f32 v1, v3  }
0x17c: {  	s11 =	sadd.s32 $0x10, s11  }
0x17d: {  	[tilespmem:s11+$0x0] =	vst v1  }
0x17e: {  	s17 =	sadd.s32 $0x10, s20;
	v1 =	vld.idx.msk [tilespmem:v2+s4+$0x0], $0xffff  }
0x17f: {  	v2 =	vld [tilespmem:s17+$0x0];
	_ =	sdelay $0x4  }
0x180: {  	v1 =	vmul.f32 v1, v2  }
0x181: {  	s11 =	sadd.s32 $0x10, s11  }
0x182: {  	[tilespmem:s11+$0x0] =	vst v1  }
0x183: {  	v1 =	vld [tilespmem:$0x60]  }
0x184: {  	v2 =	vld [tilespmem:$0x70];
	_ =	sdelay $0x1  }
0x185: {  	s25 =	simm.s32 $0x0  }
0x186: {  	v6 =	vmov s25  }
0x187: {  	[tilespmem:$0xA5A0] =	vst v1;
	v1 =	vor.u32 $0x1, v6  }
0x188: {  	s11 =	simm.s32 $0x4680;
	[tilespmem:$0xA5B0] =	vst v2  }
0x189: {  	v2 =	vor.u32 $0x2, v6;
	v7 =	vld [tilespmem:s11+$0xFFFFFF00]  }
0x18a: {  	v8 =	vld [tilespmem:s11+$0xFFFFFF40]  }
0x18b: {  	v9 =	vor.u32 $0x3, v6;
	v4 =	vld.idx.msk [tilespmem:v6+s23+$0x0], $0xffff  }
0x18c: {  	v5 =	vld.idx.msk [tilespmem:v1+s23+$0x0], $0xffff  }
0x18d: {  	v10 =	vld [tilespmem:s11+$0xFFFFFF80];
	v1 =	vor.u32 $0x4, v6  }
0x18e: {  	v3 =	vld.idx.msk [tilespmem:v2+s23+$0x0], $0xffff  }
0x18f: {  	v11 =	vor.u32 $0x5, v6;
	v12 =	vor.u32 $0x6, v6;
	v13 =	vor.u32 $0x7, v6;
	v14 =	vld [tilespmem:s11+$0xFFFFFFC0]  }
0x190: {  	v2 =	vld.idx.msk [tilespmem:v9+s23+$0x0], $0xffff;
	v6 =	vunpack.i.u.bf16.f32 v7;
	v7 =	vunpack.i.l.bf16.f32 v7;
	v9 =	vunpack.i.l.bf16.f32 v8  }
0x191: {  	v15 =	vld [tilespmem:s11+$0x0];
	v8 =	vunpack.i.u.bf16.f32 v8;
	v7 =	vmul.f32 v7, v4;
	v9 =	vmul.f32 v9, v5  }
0x192: {  	v16 =	vmul.f32 v6, v4;
	v6 =	vld.idx.msk [tilespmem:v1+s23+$0x0], $0xffff;
	v1 =	vmul.f32 v8, v5;
	v8 =	vunpack.i.l.bf16.f32 v10  }
0x193: {  	v17 =	vld [tilespmem:s11+$0x40];
	v10 =	vunpack.i.u.bf16.f32 v10;
	v8 =	vmul.f32 v8, v3;
	v9 =	vadd.f32 v9, v7  }
0x194: {  	v10 =	vmul.f32 v10, v3;
	v7 =	vld.idx.msk [tilespmem:v11+s23+$0x0], $0xffff;
	v1 =	vadd.f32 v1, v16;
	v11 =	vunpack.i.l.bf16.f32 v14  }
0x195: {  	v62 =	vld [tilespmem:s11+$0x80];
	v14 =	vunpack.i.u.bf16.f32 v14;
	v11 =	vmul.f32 v11, v2;
	v9 =	vadd.f32 v8, v9  }
0x196: {  	v63 =	vmul.f32 v14, v2;
	v8 =	vld.idx.msk [tilespmem:v12+s23+$0x0], $0xffff;
	v10 =	vadd.f32 v10, v1;
	v1 =	vunpack.i.l.bf16.f32 v15  }
0x197: {  	v18 =	vld [tilespmem:s11+$0xC0];
	v19 =	vmul.f32 v1, v6;
	v9 =	vadd.f32 v11, v9;
	v11 =	vunpack.i.u.bf16.f32 v15  }
0x198: {  	v20 =	vunpack.i.l.bf16.f32 v17;
	v1 =	vld.idx.msk [tilespmem:v13+s23+$0x0], $0xffff;
	v10 =	vadd.f32 v63, v10;
	v11 =	vmul.f32 v11, v6  }
0x199: {  	v21 =	vunpack.i.u.bf16.f32 v17;
	v12 =	vmul.f32 v20, v7;
	v9 =	vadd.f32 v19, v9  }
0x19a: {  	v22 =	vunpack.i.l.bf16.f32 v62;
	v10 =	vadd.f32 v11, v10;
	v11 =	vmul.f32 v21, v7  }
0x19b: {  	v23 =	vunpack.i.u.bf16.f32 v62;
	v13 =	vmul.f32 v22, v8;
	v9 =	vadd.f32 v12, v9  }
0x19c: {  	v24 =	vunpack.i.l.bf16.f32 v18;
	v10 =	vadd.f32 v11, v10;
	v11 =	vmul.f32 v23, v8  }
0x19d: {  	v25 =	vunpack.i.u.bf16.f32 v18;
	v12 =	vmul.f32 v24, v1;
	v9 =	vadd.f32 v13, v9  }
0x19e: {  	v10 =	vadd.f32 v11, v10;
	v11 =	vmul.f32 v25, v1  }
0x19f: {  	v9 =	vadd.f32 v12, v9  }
0x1a0: {  	s22 =	simm.s32 $0x95C0;
	v10 =	vadd.f32 v11, v10  }
0x1a1: {  	[tilespmem:s22+$0xFFFFFFC0] =	vst v9  }
0x1a2: {  	[tilespmem:s22+$0xFFFFFFD0] =	vst v10  }
0x1a3: {  	v9 =	vld [tilespmem:s11+$0xFFFFFF10]  }
0x1a4: {  	v10 =	vld [tilespmem:s11+$0xFFFFFF50];
	_ =	sdelay $0x1  }
0x1a5: {  	v11 =	vld [tilespmem:s11+$0xFFFFFF90];
	_ =	sdelay $0x1  }
0x1a6: {  	v26 =	vld [tilespmem:s11+$0xFFFFFFD0]  }
0x1a7: {  	v27 =	vunpack.i.u.bf16.f32 v9;
	v9 =	vunpack.i.l.bf16.f32 v9;
	v28 =	vunpack.i.l.bf16.f32 v10  }
0x1a8: {  	v29 =	vld [tilespmem:s11+$0x10];
	v10 =	vunpack.i.u.bf16.f32 v10;
	v9 =	vmul.f32 v9, v4;
	v14 =	vmul.f32 v28, v5  }
0x1a9: {  	v30 =	vunpack.i.l.bf16.f32 v11;
	v10 =	vmul.f32 v10, v5;
	v13 =	vmul.f32 v27, v4  }
0x1aa: {  	v31 =	vld [tilespmem:s11+$0x50];
	v11 =	vunpack.i.u.bf16.f32 v11;
	v16 =	vmul.f32 v30, v3;
	v9 =	vadd.f32 v14, v9  }
0x1ab: {  	v32 =	vunpack.i.l.bf16.f32 v26;
	v11 =	vmul.f32 v11, v3;
	v10 =	vadd.f32 v10, v13  }
0x1ac: {  	v33 =	vld [tilespmem:s11+$0x90];
	v12 =	vunpack.i.u.bf16.f32 v26;
	v13 =	vmul.f32 v32, v2;
	v9 =	vadd.f32 v16, v9  }
0x1ad: {  	v12 =	vmul.f32 v12, v2;
	v10 =	vadd.f32 v11, v10;
	v11 =	vunpack.i.l.bf16.f32 v29  }
0x1ae: {  	v34 =	vld [tilespmem:s11+$0xD0];
	v15 =	vunpack.i.u.bf16.f32 v29;
	v11 =	vmul.f32 v11, v6;
	v9 =	vadd.f32 v13, v9  }
0x1af: {  	v35 =	vunpack.i.l.bf16.f32 v31;
	v15 =	vmul.f32 v15, v6;
	v10 =	vadd.f32 v12, v10  }
0x1b0: {  	v14 =	vunpack.i.u.bf16.f32 v31;
	v9 =	vadd.f32 v11, v9;
	v11 =	vmul.f32 v35, v7  }
0x1b1: {  	v37 =	vunpack.i.l.bf16.f32 v33;
	v36 =	vmul.f32 v14, v7;
	v10 =	vadd.f32 v15, v10  }
0x1b2: {  	v14 =	vmul.f32 v37, v8;
	v9 =	vadd.f32 v11, v9;
	v11 =	vunpack.i.u.bf16.f32 v33  }
0x1b3: {  	v38 =	vunpack.i.l.bf16.f32 v34;
	v10 =	vadd.f32 v36, v10;
	v11 =	vmul.f32 v11, v8  }
0x1b4: {  	v13 =	vunpack.i.u.bf16.f32 v34;
	v12 =	vmul.f32 v38, v1;
	v9 =	vadd.f32 v14, v9  }
0x1b5: {  	v10 =	vadd.f32 v11, v10;
	v11 =	vmul.f32 v13, v1  }
0x1b6: {  	v9 =	vadd.f32 v12, v9  }
0x1b7: {  	v10 =	vadd.f32 v11, v10  }
0x1b8: {  	[tilespmem:s22+$0xFFFFFFE0] =	vst v9  }
0x1b9: {  	[tilespmem:s22+$0xFFFFFFF0] =	vst v10  }
0x1ba: {  	v9 =	vld [tilespmem:s11+$0xFFFFFF20]  }
0x1bb: {  	v10 =	vld [tilespmem:s11+$0xFFFFFF60];
	_ =	sdelay $0x1  }
0x1bc: {  	v11 =	vld [tilespmem:s11+$0xFFFFFFA0];
	_ =	sdelay $0x1  }
0x1bd: {  	v39 =	vld [tilespmem:s11+$0xFFFFFFE0]  }
0x1be: {  	v40 =	vunpack.i.u.bf16.f32 v9;
	v9 =	vunpack.i.l.bf16.f32 v9;
	v41 =	vunpack.i.l.bf16.f32 v10  }
0x1bf: {  	v42 =	vld [tilespmem:s11+$0x20];
	v10 =	vunpack.i.u.bf16.f32 v10;
	v9 =	vmul.f32 v9, v4;
	v14 =	vmul.f32 v41, v5  }
0x1c0: {  	v43 =	vunpack.i.l.bf16.f32 v11;
	v10 =	vmul.f32 v10, v5;
	v13 =	vmul.f32 v40, v4  }
0x1c1: {  	v45 =	vld [tilespmem:s11+$0x60];
	v11 =	vunpack.i.u.bf16.f32 v11;
	v44 =	vmul.f32 v43, v3;
	v9 =	vadd.f32 v14, v9  }
0x1c2: {  	v46 =	vunpack.i.l.bf16.f32 v39;
	v11 =	vmul.f32 v11, v3;
	v10 =	vadd.f32 v10, v13  }
0x1c3: {  	v47 =	vld [tilespmem:s11+$0xA0];
	v12 =	vunpack.i.u.bf16.f32 v39;
	v13 =	vmul.f32 v46, v2;
	v9 =	vadd.f32 v44, v9  }
0x1c4: {  	v12 =	vmul.f32 v12, v2;
	v10 =	vadd.f32 v11, v10;
	v11 =	vunpack.i.l.bf16.f32 v42  }
0x1c5: {  	v48 =	vld [tilespmem:s11+$0xE0];
	v15 =	vunpack.i.u.bf16.f32 v42;
	v11 =	vmul.f32 v11, v6;
	v9 =	vadd.f32 v13, v9  }
0x1c6: {  	v49 =	vunpack.i.l.bf16.f32 v45;
	v15 =	vmul.f32 v15, v6;
	v10 =	vadd.f32 v12, v10  }
0x1c7: {  	v16 =	vunpack.i.u.bf16.f32 v45;
	v9 =	vadd.f32 v11, v9;
	v11 =	vmul.f32 v49, v7  }
0x1c8: {  	v51 =	vunpack.i.l.bf16.f32 v47;
	v50 =	vmul.f32 v16, v7;
	v10 =	vadd.f32 v15, v10  }
0x1c9: {  	v52 =	vmul.f32 v51, v8;
	v9 =	vadd.f32 v11, v9;
	v11 =	vunpack.i.u.bf16.f32 v47  }
0x1ca: {  	v53 =	vunpack.i.l.bf16.f32 v48;
	v10 =	vadd.f32 v50, v10;
	v11 =	vmul.f32 v11, v8  }
0x1cb: {  	v13 =	vunpack.i.u.bf16.f32 v48;
	v12 =	vmul.f32 v53, v1;
	v9 =	vadd.f32 v52, v9  }
0x1cc: {  	v10 =	vadd.f32 v11, v10;
	v11 =	vmul.f32 v13, v1  }
0x1cd: {  	v9 =	vadd.f32 v12, v9  }
0x1ce: {  	v10 =	vadd.f32 v11, v10  }
0x1cf: {  	[tilespmem:s22+$0x0] =	vst v9  }
0x1d0: {  	[tilespmem:s22+$0x10] =	vst v10  }
0x1d1: {  	v10 =	vld [tilespmem:s11+$0xFFFFFF70]  }
0x1d2: {  	v11 =	vld [tilespmem:s11+$0xFFFFFF30];
	_ =	sdelay $0x1  }
0x1d3: {  	v54 =	vld [tilespmem:s11+$0xFFFFFFB0]  }
0x1d4: {  	v9 =	vld [tilespmem:s11+$0x30]  }
0x1d5: {  	v55 =	vld [tilespmem:s11+$0xFFFFFFF0];
	v57 =	vunpack.i.u.bf16.f32 v10;
	v10 =	vunpack.i.l.bf16.f32 v10  }
0x1d6: {  	v58 =	vunpack.i.u.bf16.f32 v11;
	v11 =	vunpack.i.l.bf16.f32 v11;
	v10 =	vmul.f32 v10, v5  }
0x1d7: {  	v16 =	vmul.f32 v58, v4;
	v4 =	vmul.f32 v11, v4  }
0x1d8: {  	v60 =	vunpack.i.u.bf16.f32 v54;
	v5 =	vmul.f32 v57, v5;
	v11 =	vunpack.i.l.bf16.f32 v54  }
0x1d9: {  	v59 =	vld [tilespmem:s11+$0x70];
	v61 =	vmul.f32 v60, v3;
	v3 =	vmul.f32 v11, v3;
	v4 =	vadd.f32 v10, v4  }
0x1da: {  	v56 =	vunpack.i.u.bf16.f32 v9;
	v9 =	vunpack.i.l.bf16.f32 v9;
	v10 =	vunpack.i.l.bf16.f32 v55  }
0x1db: {  	v62 =	vld [tilespmem:s11+$0xB0];
	v5 =	vadd.f32 v5, v16;
	v10 =	vmul.f32 v10, v2;
	v3 =	vadd.f32 v3, v4  }
0x1dc: {  	v9 =	vmul.f32 v9, v6;
	v63 =	vmul.f32 v56, v6;
	v11 =	vunpack.i.u.bf16.f32 v55  }
0x1dd: {  	v11 =	vmul.f32 v11, v2;
	v5 =	vadd.f32 v61, v5;
	v6 =	vadd.f32 v10, v3;
	v10 =	vld [tilespmem:s11+$0xF0]  }
0x1de: {  	v2 =	vunpack.i.l.bf16.f32 v59  }
0x1df: {  	v4 =	vunpack.i.u.bf16.f32 v59;
	v2 =	vmul.f32 v2, v7;
	v5 =	vadd.f32 v11, v5  }
0x1e0: {  	v4 =	vmul.f32 v4, v7;
	v7 =	vunpack.i.u.bf16.f32 v62;
	v3 =	vunpack.i.l.bf16.f32 v62  }
0x1e1: {  	s20 =	simm.s32 $0x95C0;
	s25 =	simm.s32 $0x8;
	v3 =	vmul.f32 v3, v8;
	v11 =	vadd.f32 v63, v5;
	v5 =	vmul.f32 v7, v8  }
.LBB2_9:
0x1e2: {  	p1 =	sne.s32 s25, $0xF8;
	v6 =	vadd.f32 v9, v6;
	v7 =	vunpack.i.u.bf16.f32 v10;
	v8 =	vunpack.i.l.bf16.f32 v10;
	s22 =	sadd.s32 $0x80, s22;
	s11 =	sadd.s32 $0x200, s11  }
0x1e3: {  	s17 =	smov.u32 s25;
	s25 =	sadd.s32 $0x8, s25;
	v4 =	vadd.f32 v4, v11;
	v8 =	vmul.f32 v8, v1;
	v1 =	vmul.f32 v7, v1  }
0x1e4: {  	v2 =	vadd.f32 v2, v6  }
0x1e5: {  	v4 =	vadd.f32 v5, v4  }
0x1e6: {  	v2 =	vadd.f32 v3, v2  }
0x1e7: {  	v1 =	vadd.f32 v1, v4  }
0x1e8: {  	v3 =	vmov s17;
	v2 =	vadd.f32 v8, v2  }
0x1e9: {  	v4 =	vor.u32 $0x1, v3;
	v5 =	vor.u32 $0x2, v3;
	v6 =	vor.u32 $0x3, v3;
	[tilespmem:s20+$0x30] =	vst v1  }
0x1ea: {  	v7 =	vor.u32 $0x5, v3;
	v9 =	vor.u32 $0x6, v3;
	v1 =	vor.u32 $0x4, v3;
	[tilespmem:s20+$0x20] =	vst v2;
	s20 =	smov.u32 s22  }
0x1eb: {  	v10 =	vor.u32 $0x7, v3;
	v11 =	vld [tilespmem:s11+$0xFFFFFF00]  }
0x1ec: {  	v12 =	vld [tilespmem:s11+$0xFFFFFF40]  }
0x1ed: {  	v3 =	vld.idx.msk [tilespmem:v3+s23+$0x0], $0xffff  }
0x1ee: {  	v8 =	vld.idx.msk [tilespmem:v4+s23+$0x0], $0xffff  }
0x1ef: {  	v13 =	vld [tilespmem:s11+$0xFFFFFF80]  }
0x1f0: {  	v4 =	vld.idx.msk [tilespmem:v5+s23+$0x0], $0xffff  }
0x1f1: {  	v14 =	vld [tilespmem:s11+$0xFFFFFFC0]  }
0x1f2: {  	v5 =	vunpack.i.u.bf16.f32 v11;
	v2 =	vld.idx.msk [tilespmem:v6+s23+$0x0], $0xffff;
	v6 =	vunpack.i.l.bf16.f32 v11;
	v11 =	vunpack.i.l.bf16.f32 v12  }
0x1f3: {  	v16 =	vmul.f32 v5, v3;
	v15 =	vmul.f32 v6, v3;
	v6 =	vunpack.i.u.bf16.f32 v12;
	v12 =	vld [tilespmem:s11+$0x0]  }
0x1f4: {  	v5 =	vld.idx.msk [tilespmem:v1+s23+$0x0], $0xffff;
	v1 =	vmul.f32 v11, v8;
	v11 =	vmul.f32 v6, v8  }
0x1f5: {  	v17 =	vunpack.i.u.bf16.f32 v13;
	v13 =	vunpack.i.l.bf16.f32 v13;
	v18 =	vld [tilespmem:s11+$0x40]  }
0x1f6: {  	v13 =	vmul.f32 v13, v4;
	v6 =	vld.idx.msk [tilespmem:v7+s23+$0x0], $0xffff;
	v1 =	vadd.f32 v1, v15;
	v11 =	vadd.f32 v11, v16  }
0x1f7: {  	v15 =	vmul.f32 v17, v4;
	v16 =	vunpack.i.l.bf16.f32 v14;
	v17 =	vld [tilespmem:s11+$0x80]  }
0x1f8: {  	v7 =	vld.idx.msk [tilespmem:v9+s23+$0x0], $0xffff;
	v9 =	vadd.f32 v13, v1;
	v1 =	vunpack.i.u.bf16.f32 v14;
	v13 =	vmul.f32 v16, v2  }
0x1f9: {  	v11 =	vadd.f32 v15, v11;
	v15 =	vunpack.i.l.bf16.f32 v12;
	v14 =	vmul.f32 v1, v2;
	v16 =	vld [tilespmem:s11+$0xC0]  }
0x1fa: {  	v1 =	vld.idx.msk [tilespmem:v10+s23+$0x0], $0xffff;
	v9 =	vadd.f32 v13, v9;
	v10 =	vunpack.i.u.bf16.f32 v12;
	v12 =	vmul.f32 v15, v5  }
0x1fb: {  	v13 =	vunpack.i.l.bf16.f32 v18;
	v11 =	vadd.f32 v14, v11;
	v10 =	vmul.f32 v10, v5  }
0x1fc: {  	v13 =	vmul.f32 v13, v6;
	v9 =	vadd.f32 v12, v9;
	v12 =	vunpack.i.u.bf16.f32 v18  }
0x1fd: {  	v10 =	vadd.f32 v10, v11;
	v11 =	vmul.f32 v12, v6;
	v12 =	vunpack.i.l.bf16.f32 v17  }
0x1fe: {  	v9 =	vadd.f32 v13, v9;
	v13 =	vunpack.i.u.bf16.f32 v17;
	v12 =	vmul.f32 v12, v7  }
0x1ff: {  	v10 =	vadd.f32 v11, v10;
	v11 =	vmul.f32 v13, v7;
	v13 =	vunpack.i.l.bf16.f32 v16  }
0x200: {  	v9 =	vadd.f32 v12, v9;
	v12 =	vunpack.i.u.bf16.f32 v16;
	v13 =	vmul.f32 v13, v1  }
0x201: {  	v10 =	vadd.f32 v11, v10;
	v11 =	vmul.f32 v12, v1  }
0x202: {  	v9 =	vadd.f32 v13, v9  }
0x203: {  	v10 =	vadd.f32 v11, v10  }
0x204: {  	[tilespmem:s22+$0xFFFFFFC0] =	vst v9  }
0x205: {  	[tilespmem:s22+$0xFFFFFFD0] =	vst v10  }
0x206: {  	v9 =	vld [tilespmem:s11+$0xFFFFFF10]  }
0x207: {  	v10 =	vld [tilespmem:s11+$0xFFFFFF50]  }
0x208: {  	v11 =	vld [tilespmem:s11+$0xFFFFFF90];
	_ =	sdelay $0x2  }
0x209: {  	v12 =	vunpack.i.u.bf16.f32 v9;
	v9 =	vunpack.i.l.bf16.f32 v9;
	v13 =	vld [tilespmem:s11+$0xFFFFFFD0]  }
0x20a: {  	v9 =	vmul.f32 v9, v3;
	v14 =	vunpack.i.u.bf16.f32 v10;
	v10 =	vunpack.i.l.bf16.f32 v10  }
0x20b: {  	v10 =	vmul.f32 v10, v8;
	v14 =	vmul.f32 v14, v8;
	v15 =	vunpack.i.l.bf16.f32 v11;
	v16 =	vld [tilespmem:s11+$0x10]  }
0x20c: {  	v12 =	vmul.f32 v12, v3;
	v11 =	vunpack.i.u.bf16.f32 v11;
	v15 =	vmul.f32 v15, v4  }
0x20d: {  	v9 =	vadd.f32 v10, v9;
	v10 =	vmul.f32 v11, v4;
	v11 =	vld [tilespmem:s11+$0x50]  }
0x20e: {  	v12 =	vadd.f32 v14, v12;
	v14 =	vunpack.i.u.bf16.f32 v13;
	v13 =	vunpack.i.l.bf16.f32 v13  }
0x20f: {  	v9 =	vadd.f32 v15, v9;
	v13 =	vmul.f32 v13, v2;
	v14 =	vmul.f32 v14, v2;
	v15 =	vld [tilespmem:s11+$0x90]  }
0x210: {  	v10 =	vadd.f32 v10, v12;
	v12 =	vunpack.i.u.bf16.f32 v16;
	v16 =	vunpack.i.l.bf16.f32 v16  }
0x211: {  	v9 =	vadd.f32 v13, v9;
	v13 =	vmul.f32 v16, v5;
	v12 =	vmul.f32 v12, v5;
	v16 =	vld [tilespmem:s11+$0xD0]  }
0x212: {  	v10 =	vadd.f32 v14, v10;
	v14 =	vunpack.i.u.bf16.f32 v11;
	v11 =	vunpack.i.l.bf16.f32 v11  }
0x213: {  	v9 =	vadd.f32 v13, v9;
	v11 =	vmul.f32 v11, v6;
	v13 =	vmul.f32 v14, v6  }
0x214: {  	v10 =	vadd.f32 v12, v10;
	v12 =	vunpack.i.l.bf16.f32 v15  }
0x215: {  	v9 =	vadd.f32 v11, v9;
	v11 =	vunpack.i.u.bf16.f32 v15;
	v12 =	vmul.f32 v12, v7  }
0x216: {  	v10 =	vadd.f32 v13, v10;
	v11 =	vmul.f32 v11, v7;
	v13 =	vunpack.i.l.bf16.f32 v16  }
0x217: {  	v9 =	vadd.f32 v12, v9;
	v12 =	vunpack.i.u.bf16.f32 v16;
	v13 =	vmul.f32 v13, v1  }
0x218: {  	v10 =	vadd.f32 v11, v10;
	v11 =	vmul.f32 v12, v1  }
0x219: {  	v9 =	vadd.f32 v13, v9  }
0x21a: {  	v10 =	vadd.f32 v11, v10  }
0x21b: {  	[tilespmem:s22+$0xFFFFFFE0] =	vst v9  }
0x21c: {  	[tilespmem:s22+$0xFFFFFFF0] =	vst v10  }
0x21d: {  	v9 =	vld [tilespmem:s11+$0xFFFFFF20]  }
0x21e: {  	v10 =	vld [tilespmem:s11+$0xFFFFFF60];
	_ =	sdelay $0x1  }
0x21f: {  	v11 =	vld [tilespmem:s11+$0xFFFFFFA0];
	_ =	sdelay $0x1  }
0x220: {  	v12 =	vunpack.i.u.bf16.f32 v9;
	v9 =	vunpack.i.l.bf16.f32 v9;
	v13 =	vld [tilespmem:s11+$0xFFFFFFE0]  }
0x221: {  	v9 =	vmul.f32 v9, v3;
	v14 =	vunpack.i.u.bf16.f32 v10;
	v10 =	vunpack.i.l.bf16.f32 v10  }
0x222: {  	v10 =	vmul.f32 v10, v8;
	v14 =	vmul.f32 v14, v8;
	v15 =	vld [tilespmem:s11+$0x20]  }
0x223: {  	v12 =	vmul.f32 v12, v3;
	v16 =	vunpack.i.u.bf16.f32 v11;
	v11 =	vunpack.i.l.bf16.f32 v11  }
0x224: {  	v9 =	vadd.f32 v10, v9;
	v10 =	vmul.f32 v11, v4;
	v11 =	vmul.f32 v16, v4;
	v16 =	vld [tilespmem:s11+$0x60]  }
0x225: {  	v12 =	vadd.f32 v14, v12;
	v14 =	vunpack.i.u.bf16.f32 v13;
	v13 =	vunpack.i.l.bf16.f32 v13  }
0x226: {  	v9 =	vadd.f32 v10, v9;
	v10 =	vmul.f32 v13, v2;
	v13 =	vmul.f32 v14, v2;
	v14 =	vld [tilespmem:s11+$0xA0]  }
0x227: {  	v11 =	vadd.f32 v11, v12;
	v12 =	vunpack.i.u.bf16.f32 v15;
	v15 =	vunpack.i.l.bf16.f32 v15  }
0x228: {  	v9 =	vadd.f32 v10, v9;
	v10 =	vmul.f32 v15, v5;
	v12 =	vmul.f32 v12, v5;
	v15 =	vld [tilespmem:s11+$0xE0]  }
0x229: {  	v11 =	vadd.f32 v13, v11;
	v13 =	vunpack.i.u.bf16.f32 v16;
	v16 =	vunpack.i.l.bf16.f32 v16  }
0x22a: {  	v9 =	vadd.f32 v10, v9;
	v10 =	vmul.f32 v16, v6;
	v13 =	vmul.f32 v13, v6  }
0x22b: {  	v11 =	vadd.f32 v12, v11;
	v12 =	vunpack.i.l.bf16.f32 v14  }
0x22c: {  	v9 =	vadd.f32 v10, v9;
	v10 =	vunpack.i.u.bf16.f32 v14;
	v12 =	vmul.f32 v12, v7  }
0x22d: {  	v11 =	vadd.f32 v13, v11;
	v10 =	vmul.f32 v10, v7;
	v13 =	vunpack.i.l.bf16.f32 v15  }
0x22e: {  	v9 =	vadd.f32 v12, v9;
	v12 =	vunpack.i.u.bf16.f32 v15;
	v13 =	vmul.f32 v13, v1  }
0x22f: {  	v10 =	vadd.f32 v10, v11;
	v11 =	vmul.f32 v12, v1  }
0x230: {  	v9 =	vadd.f32 v13, v9  }
0x231: {  	v10 =	vadd.f32 v11, v10  }
0x232: {  	[tilespmem:s22+$0x0] =	vst v9  }
0x233: {  	[tilespmem:s22+$0x10] =	vst v10  }
0x234: {  	v9 =	vld [tilespmem:s11+$0x30]  }
0x235: {  	v10 =	vld [tilespmem:s11+$0xFFFFFF70]  }
0x236: {  	v11 =	vld [tilespmem:s11+$0xFFFFFF30]  }
0x237: {  	v12 =	vld [tilespmem:s11+$0xFFFFFFB0]  }
0x238: {  	v13 =	vld [tilespmem:s11+$0xFFFFFFF0]  }
0x239: {  	v14 =	vunpack.i.u.bf16.f32 v9;
	v9 =	vunpack.i.l.bf16.f32 v9;
	v15 =	vld [tilespmem:s11+$0x70]  }
0x23a: {  	v16 =	vunpack.i.u.bf16.f32 v10;
	v10 =	vunpack.i.l.bf16.f32 v10;
	v9 =	vmul.f32 v9, v5;
	v17 =	vld [tilespmem:s11+$0xB0]  }
0x23b: {  	v18 =	vunpack.i.u.bf16.f32 v11;
	v19 =	vmul.f32 v10, v8;
	v8 =	vmul.f32 v16, v8;
	v10 =	vld [tilespmem:s11+$0xF0]  }
0x23c: {  	v11 =	vunpack.i.l.bf16.f32 v11;
	v16 =	vmul.f32 v18, v3;
	v18 =	vunpack.i.u.bf16.f32 v12  }
0x23d: {  	v3 =	vmul.f32 v11, v3;
	v11 =	vunpack.i.l.bf16.f32 v12;
	v12 =	vmul.f32 v18, v4  }
0x23e: {  	v4 =	vmul.f32 v11, v4;
	v11 =	vunpack.i.u.bf16.f32 v13;
	v8 =	vadd.f32 v8, v16  }
0x23f: {  	v13 =	vunpack.i.l.bf16.f32 v13;
	v3 =	vadd.f32 v19, v3;
	v11 =	vmul.f32 v11, v2  }
.Ltmp5:
0x240: {  	v5 =	vmul.f32 v14, v5;
	v8 =	vadd.f32 v12, v8;
	v12 =	vmul.f32 v13, v2;
	(pc) =	sbr.rel @p1 .LBB2_9-.Ltmp5, $4  }
0x241: {  	v3 =	vadd.f32 v4, v3;
	v4 =	vunpack.i.u.bf16.f32 v15;
	v2 =	vunpack.i.l.bf16.f32 v15  }
0x242: {  	v2 =	vmul.f32 v2, v6;
	v4 =	vmul.f32 v4, v6;
	v8 =	vadd.f32 v11, v8  }
0x243: {  	v6 =	vadd.f32 v12, v3;
	v12 =	vunpack.i.u.bf16.f32 v17;
	v3 =	vunpack.i.l.bf16.f32 v17  }
0x244: {  	v3 =	vmul.f32 v3, v7;
	v11 =	vadd.f32 v5, v8;
	v5 =	vmul.f32 v12, v7  }
0x245: {  	v6 =	vadd.f32 v9, v6  }
0x246: {  	v4 =	vadd.f32 v4, v11  }
0x247: {  	v7 =	vunpack.i.u.bf16.f32 v10;
	v2 =	vadd.f32 v2, v6  }
0x248: {  	v63 =	vunpack.i.l.bf16.f32 v10;
	v7 =	vmul.f32 v7, v1;
	v4 =	vadd.f32 v5, v4  }
0x249: {  	v1 =	vmul.f32 v63, v1;
	v2 =	vadd.f32 v3, v2  }
.Ltmp6:
0x24a: {  	v3 =	vadd.f32 v7, v4;
	(pc) =	sbr.rel @p0 .LBB2_12-.Ltmp6, $4  }
0x24b: {  	v1 =	vadd.f32 v1, v2  }
0x24c: {  	[tilespmem:s20+$0x30] =	vst v3  }
0x24d: {  	[tilespmem:s20+$0x20] =	vst v1  }
0x24e: {  	[spmem:s2] =	stream.indirect.scatter.add.f32 [tilespmem:s14], [sflag:$0x6], $0x80, s13, s26, $0xb8;
	[tilespmem:$0x1DEC0] =	vst v63  }
0x24f: {  	s11 =	sadd.s32 s15, s19  }
0x250: {  	s15 =	sshrl.u32 s11, $0x3  }
0x251: {  	s17 =	sadd.s32 s1, s15  }
0x252: {  	[tilespmem:s26], [sflag:$0x2] =	stream.linear.gather [hbm4b:s17+s3], $0x20, $0x38;
	[tilespmem:$0x1DEC0] =	vst v63  }
.Ltmp7:
0x253: {  	_ = 	snop;
	(pc) =	sbr.rel .LBB2_2-.Ltmp7, $4  }
0x254: {  	s15 =	sadd.s32 s5, s15  }
0x255: {  	[tilespmem:s30], [sflag:$0x2] =	stream.linear.gather [hbm4b:s15+s3], $0x20, $0x38;
	[tilespmem:$0x1DEC0] =	vst v63  }
0x256: {  	s21 =	sadd.s32 $0x1, s21;
	s11 =	sadd.s32 s6, s11  }
0x257: {  	[tilespmem:s31], [sflag:$0x2] =	stream.linear.gather [hbm4b:s11+s3], $0x100, $0x38;
	[tilespmem:$0x1DEC0] =	vst v63  }
.LBB2_13:
0x258: {  	_ =	sfence.sel $0x180000  }
0x259: {  	[bflag:$0x0] =	sbarrier.arrive $0xFFFF  }
0x25a: {  	_ =	strace $0x9000004D  }
0x25b: {  	s0 =	stileid.u32;
	[bflag:$0x2] =	sbarrier.arrive $0xFFFF  }
0x25c: {  	p0 =	sne.s32 s0, $0x0;
	s0 =	rddreg [dreg:$0x3]  }
0x25d: {  	s0 =	sadd.s32 @!p0 $0x100000, s0  }
0x25e: {  	[sflag:s0] =	ssyncadd.tile.s32 @!p0 $0x1;
	_ =	shalt  }
.Lfunc_end2:
_tile_overlayer_lowered:
.L_overlay_start_2:
0x25f: {  	(tag) =	ssettag $0x2  }
0x260: {  	s0 =	rddreg [dreg:$0x0];
	s2 =	stileid.u32  }
0x261: {  	s1 =	rddreg [dreg:$0x1];
	p0 =	sne.s32 s2, $0x0  }
0x262: {  	s3 =	rddreg [dreg:$0x2];
	[bflag:$0x3] =	sbarrier.arrive $0xFFFF;
	s2 =	simm.s32 @!p0 $0x1C07  }
0x263: {  	[timem:s3], [sflag:s2] =	dma.local @!p0 [hbm:s0], s1  }
0x264: {  	s0 =	simm.s32 @!p0 $0x7  }
0x265: {  	_ =	swait.ge @!p0 [sflag:s0], s1  }
0x266: {  	s1 =	ssub.s32 @!p0 $0x0, s1;
	[sflag:s0] =	ssyncset.done @!p0 $0x0  }
0x267: {  	[sflag:s0] =	ssyncadd.s32 @!p0 s1  }
0x268: {  	[bflag:$0x3] =	sbarrier.arrive $0xFFFF  }
0x269: {  	_ =	shalt  }

// kernel: kernel.7.cloned.1.call-start
scs
__scs_entry_jumppad:
0x0: {  	(pc) =	sbr.rel $0x88, $3  }
0x1: {  	(tag) =	ssettag $0x0;
	lr =	simm.s32 $0x1  }
0x2: {  	[smem:$0x3F9B] =	sst lr;
	_ =	strace $0xD0000000  }
0x3: {  	_ = 	snop  }
0x4: {  	_ = 	snop  }
0x5: {  	_ = 	snop  }
0x6: {  	_ = 	snop  }
0x7: {  	_ = 	snop  }
__scs_overlays_trampoline_lowered:
0x8: {  	[smem:$0x3FAA] =	sst s0  }
0x9: {  	[smem:$0x3FAB] =	sst s1  }
0xa: {  	[smem:$0x3FAC] =	sst s2  }
0xb: {  	[smem:$0x3FAD] =	sst s3  }
0xc: {  	[smem:$0x3FAE] =	sst s4  }
0xd: {  	[smem:$0x3FAF] =	sst s5  }
0xe: {  	[smem:$0x3FB0] =	sst s6  }
0xf: {  	[smem:$0x3FB1] =	sst s7  }
0x10: {  	[smem:$0x3FB2] =	sst s8  }
0x11: {  	[smem:$0x3FB3] =	sst s9;
	s0 =	simm.s32 @!p0 $0x0  }
0x12: {  	s1 =	sld [smem:$0x3F99];
	s0 =	simm.s32 @p0 $0x1  }
0x13: {  	[smem:$0x3FB4] =	sst s0;
	s0 =	simm.s32 @!p1 $0x0  }
0x14: {  	s2 =	sld [smem:$0x3F98];
	s0 =	simm.s32 @p1 $0x1  }
0x15: {  	[smem:$0x3FB5] =	sst s0;
	s0 =	simm.s32 @!p2 $0x0  }
0x16: {  	s3 =	sld [smem:$0x3FDB];
	s0 =	simm.s32 @p2 $0x1  }
0x17: {  	s4 =	simm.s32 $0x1BF5;
	[smem:$0x3FB7] =	sst s0  }
0x18: {  	s0 =	sld [smem:$0x3F9A];
	_ =	swait.ge [sflag:s4], $0x0  }
0x19: {  	s7 =	sld [smem:$0x3F9B]  }
0x1a: {  	s8 =	sadd.s32 $0xFFFFE003, lr  }
0x1b: {  	s9 =	sadd.s32 $0xFFFFFEF7, lr;
	s5 =	simm.s32 $0xFFFFFFFF;
	p2 =	slt.u32 s8, $0xFFFFF086  }
0x1c: {  	p1 =	slt.u32 s9, $0xF7A;
	s5 =	simm.s32 @!p2 $0x0  }
0x1d: {  	s5 =	simm.s32 @p1 $0x1;
	p0 =	seq.s32 s7, s2  }
0x1e: {  	s7 =	smul.u32 @!p0 $0xF7A, s2;
	p2 =	seq.s32 @!p0 s5, $0x0  }
0x1f: {  	s9 =	smul.u32 $0xF7A, s1;
	s8 =	simm.s32 @!p0 $0x1BF5;
	p2 =	por !p2, p0  }
0x20: {  	[sflag:s8] =	ssyncset.s32 @!p0 $0xFFFFF086;
	s6 =	sadd.s32 @!p0 s3, s7;
	s7 =	simm.s32 @!p0 $0x108  }
0x21: {  	s3 =	sadd.s32 s3, s9;
	s6 =	sadd.s32 @!p0 $0x88, s6;
	s7 =	simm.s32 @p2 $0x1082  }
0x22: {  	[simem:s7], [sflag:s8] =	dma.local @!p0 [hbm:s6], $0xF7A  }
0x23: {  	s9 =	sor.u32 $0xD0000000, s2;
	s6 =	simm.s32 $0x108;
	_ =	swait.ge @!p0 [sflag:s8], $0x0  }
0x24: {  	s3 =	sadd.s32 $0x88, s3;
	s6 =	simm.s32 @!p1 $0x1082;
	[sflag:s4] =	ssyncset.s32 $0xFFFFF086  }
0x25: {  	[simem:s6], [sflag:s4] =	dma.local [hbm:s3], $0xF7A  }
0x26: {  	[smem:$0x3F9B] =	sst s1;
	(tag) =	ssettag s2;
	_ =	strace s9  }
0x27: {  	s1 =	sld [smem:$0x3FAB]  }
0x28: {  	s2 =	sld [smem:$0x3FAC]  }
0x29: {  	s4 =	sld [smem:$0x3FAE]  }
0x2a: {  	p0 =	seq.s32 s5, $0x0;
	s5 =	sld [smem:$0x3FAF]  }
0x2b: {  	s6 =	sld [smem:$0x3FB0]  }
0x2c: {  	s7 =	sld [smem:$0x3FB1]  }
0x2d: {  	s3 =	simm.s32 $0x108;
	s8 =	sld [smem:$0x3FB2]  }
0x2e: {  	s3 =	simm.s32 @!p0 $0x1082;
	s9 =	sld [smem:$0x3FB3]  }
0x2f: {  	lr =	sadd.s32 s0, s3;
	s0 =	sld [smem:$0x3FAA]  }
0x30: {  	s3 =	sld [smem:$0x3FAD]  }
0x31: {  	[smem:$0x3FB6] =	sst s10  }
0x32: {  	s10 =	sld [smem:$0x3FB4];
	_ =	sdelay $0x3  }
0x33: {  	p0 =	seq.s32 s10, $0x1;
	s10 =	sld [smem:$0x3FB6];
	_ =	sdelay $0x3  }
0x34: {  	[smem:$0x3FB6] =	sst s10  }
0x35: {  	s10 =	sld [smem:$0x3FB5];
	_ =	sdelay $0x3  }
0x36: {  	p1 =	seq.s32 s10, $0x1;
	s10 =	sld [smem:$0x3FB6];
	_ =	sdelay $0x3  }
0x37: {  	[smem:$0x3FB6] =	sst s10  }
0x38: {  	s10 =	sld [smem:$0x3FB7]  }
0x39: {  	_ = 	snop;
	(pc) =	sbr.ind lr, $3  }
0x3a: {  	_ = 	snop  }
0x3b: {  	_ = 	snop  }
0x3c: {  	p2 =	seq.s32 s10, $0x1;
	s10 =	sld [smem:$0x3FB6]  }
0x3d: {  	_ =	shalt  }
0x3e: {  	_ =	shalt  }
0x3f: {  	_ =	shalt  }
0x40: {  	_ =	shalt  }
0x41: {  	_ =	shalt  }
0x42: {  	_ =	shalt  }
0x43: {  	_ =	shalt  }
0x44: {  	_ =	shalt  }
0x45: {  	_ =	shalt  }
0x46: {  	_ =	shalt  }
0x47: {  	_ =	shalt  }
0x48: {  	_ =	shalt  }
0x49: {  	_ =	shalt  }
0x4a: {  	_ =	shalt  }
0x4b: {  	_ =	shalt  }
0x4c: {  	_ =	shalt  }
0x4d: {  	_ =	shalt  }
0x4e: {  	_ =	shalt  }
0x4f: {  	_ =	shalt  }
0x50: {  	_ =	shalt  }
0x51: {  	_ =	shalt  }
0x52: {  	_ =	shalt  }
0x53: {  	_ =	shalt  }
0x54: {  	_ =	shalt  }
0x55: {  	_ =	shalt  }
0x56: {  	_ =	shalt  }
0x57: {  	_ =	shalt  }
0x58: {  	_ =	shalt  }
0x59: {  	_ =	shalt  }
0x5a: {  	_ =	shalt  }
0x5b: {  	_ =	shalt  }
0x5c: {  	_ =	shalt  }
0x5d: {  	_ =	shalt  }
0x5e: {  	_ =	shalt  }
0x5f: {  	_ =	shalt  }
0x60: {  	_ =	shalt  }
0x61: {  	_ =	shalt  }
0x62: {  	_ =	shalt  }
0x63: {  	_ =	shalt  }
0x64: {  	_ =	shalt  }
0x65: {  	_ =	shalt  }
0x66: {  	_ =	shalt  }
0x67: {  	_ =	shalt  }
0x68: {  	_ =	shalt  }
0x69: {  	_ =	shalt  }
0x6a: {  	_ =	shalt  }
0x6b: {  	_ =	shalt  }
0x6c: {  	_ =	shalt  }
0x6d: {  	_ =	shalt  }
0x6e: {  	_ =	shalt  }
0x6f: {  	_ =	shalt  }
0x70: {  	_ =	shalt  }
0x71: {  	_ =	shalt  }
0x72: {  	_ =	shalt  }
0x73: {  	_ =	shalt  }
0x74: {  	_ =	shalt  }
0x75: {  	_ =	shalt  }
0x76: {  	_ =	shalt  }
0x77: {  	_ =	shalt  }
0x78: {  	_ =	shalt  }
0x79: {  	_ =	shalt  }
0x7a: {  	_ =	shalt  }
0x7b: {  	_ =	shalt  }
0x7c: {  	_ =	shalt  }
0x7d: {  	_ =	shalt  }
0x7e: {  	_ =	shalt  }
0x7f: {  	_ =	shalt  }
0x80: {  	_ =	shalt  }
0x81: {  	_ =	shalt  }
0x82: {  	_ =	shalt  }
0x83: {  	_ =	shalt  }
0x84: {  	_ =	shalt  }
0x85: {  	_ =	shalt  }
0x86: {  	_ =	shalt  }
0x87: {  	_ =	shalt  }
.Lfunc_end0:
.L_simem_size_0:
called_computation.1_lowered:
.L_overlay_start_0:
0x88: {  	s2 =	sld [smem:$0x3FD9]  }
0x89: {  	s3 =	sld [smem:$0x3FFE];
	_ =	sdelay $0x1  }
0x8a: {  	s1 =	srdreg.scid  }
0x8b: {  	s0 =	sand.u32 $0x1, s1  }
0x8c: {  	s17 =	sshll.u32 s0, $0xA;
	s2 =	sadd.s32 s3, s2  }
0x8d: {  	s2 =	sadd.s32 s2, s17  }
0x8e: {  	[smem:$0x3FC2] =	sst s2  }
0x8f: {  	_ = 	snop  }
0x90: {  	s18 =	sld [smem:$0x3FD0];
	(tm) =	ssettm $0x1  }
0x91: {  	s19 =	sld [smem:$0x3FFB];
	_ =	sdelay $0x3  }
0x92: {  	_ =	strace s19  }
0x93: {  	s2 =	sld [smem:$0x3FFC];
	_ =	sdelay $0x3  }
0x94: {  	_ =	strace s2  }
0x95: {  	s2 =	sld [smem:$0x3FFD];
	_ =	sdelay $0x3  }
0x96: {  	_ =	strace s2  }
0x97: {  	_ =	strace $0x8FFFFFFF  }
0x98: {  	s20 =	sld [smem:$0x3FDB];
	_ =	sdelay $0x1  }
0x99: {  	s4 =	simm.s32 $_scs_section_size  }
0x9a: {  	s5 =	simm.s32 $_size__tile_overlayer_lowered;
	s6 =	simm.s32 $_tile_overlayer_lowered  }
0x9b: {  	s7 =	simm.s32 $0x1BFF;
	s21 =	sshll.u32 s6, $0x1;
	s4 =	sadd.s32 s4, s20  }
0x9c: {  	s22 =	simm.s32 $0x0;
	s5 =	sshll.u32 s5, $0x1;
	s6 =	sadd.s32 s21, s4  }
0x9d: {  	[timem:s22], [sflag:s7] =	dma.local [hbm:s6], s5  }
0x9e: {  	_ =	swait.ge [sflag:s7], s5  }
0x9f: {  	s5 =	ssub.s32 $0x0, s5;
	[sflag:s7] =	ssyncset.done $0x0  }
0xa0: {  	[sflag:s7] =	ssyncadd.s32 s5;
	_ =	sdelay $0x1  }
0xa1: {  	s23 =	simm.s32 $0x1B8B  }
0xa2: {  	_ =	swait.ge [sflag:s23], $0x1  }
0xa3: {  	[sflag:s23] =	ssyncset.done $0x0  }
0xa4: {  	[sflag:s23] =	ssyncadd.s32 $0xFFFFFFFF  }
0xa5: {  	s5 =	sld [smem:$0x0]  }
0xa6: {  	s6 =	sand.u32 $0xFFFFFFFE, s1  }
0xa7: {  	p0 =	sne.s32 s1, s6  }
0xa8: {  	s6 =	sshll.u32 @p0 s6, $0xE  }
0xa9: {  	s6 =	sadd.s32 @p0 $0x11B8D, s6;
	s7 =	sshll.u32 @p0 s5, $0x11  }
0xaa: {  	s6 =	sor.u32 @p0 s7, s6  }
0xab: {  	[sflag:s6] =	ssyncadd.remote.s32 @p0 $0x1;
	_ =	sdelay $0x1  }
0xac: {  	s6 =	simm.s32 @p0 $0x1B8D  }
0xad: {  	_ =	swait.eq @p0 [sflag:s6], $0x1  }
0xae: {  	[sflag:s6] =	ssyncadd.s32 @p0 $0xFFFFFFFF  }
0xaf: {  	s7 =	sshll.u32 @!p0 s1, $0xE  }
0xb0: {  	s7 =	sor.u32 @!p0 $0x4000, s7;
	s6 =	simm.s32 @!p0 $0x1B8D  }
0xb1: {  	s5 =	sshll.u32 @!p0 s5, $0x11;
	s7 =	sadd.s32 @!p0 $0x11B8D, s7;
	_ =	swait.eq @!p0 [sflag:s6], $0x1  }
0xb2: {  	s5 =	sor.u32 @!p0 s5, s7;
	[sflag:s6] =	ssyncadd.s32 @!p0 $0xFFFFFFFF  }
0xb3: {  	s25 =	simm.s32 $0x1B8E;
	s24 =	sld [smem:$0x3FFE];
	[sflag:s5] =	ssyncadd.remote.s32 @!p0 $0x1  }
0xb4: {  	s26 =	simm.s32 $execute0_lowered;
	[smem:$0x3FD2] =	sst s25  }
0xb5: {  	s6 =	sshll.u32 s26, $0x1;
	_ =	strace $0x80000049;
	[dreg:$0x1] =	wrdreg $0xFFFFFFFF  }
0xb6: {  	s28 =	simm.s32 $_size_execute0_lowered;
	s4 =	sadd.s32 s4, s6;
	[dreg:$0x0] =	wrdreg $0x0  }
0xb7: {  	s6 =	sshll.u32 s28, $0x1;
	[dreg:$0x2] =	wrdreg s4  }
0xb8: {  	[dreg:$0x3] =	wrdreg s6  }
0xb9: {  	[dreg:$0x4] =	wrdreg $0xC0  }
0xba: {  	_ =	task [dreg:s22], $0x5FFFF  }
0xbb: {  	[dreg:$0x1] =	wrdreg $0xFFFFFFFF  }
0xbc: {  	[dreg:$0x0] =	wrdreg $0x60  }
0xbd: {  	[dreg:$0x2] =	wrdreg s18  }
0xbe: {  	[dreg:$0x3] =	wrdreg s24  }
0xbf: {  	[dreg:$0x4] =	wrdreg $0x33000  }
0xc0: {  	[dreg:$0x5] =	wrdreg $0xA  }
0xc1: {  	_ =	task.clear_ibuf [dreg:s22], $0x6FFFF;
	_ =	strace $0x90000049  }
0xc2: {  	s29 =	simm.s32 $0xA;
	_ =	strace $0x8000004B  }
0xc3: {  	_ =	swait.ge [sflag:s29], $0x1  }
0xc4: {  	[sflag:s29] =	ssyncadd.s32 $0xFFFFFFFF  }
0xc5: {  	_ =	strace $0x9000004B  }
0xc6: {  	_ =	sfence  }
0xc7: {  	s30 =	sld [smem:$0x0];
	_ =	sdelay $0x2  }
0xc8: {  	s31 =	sshll.u32 s1, $0xD;
	s1 =	sshrl.u32 s1, $0x2  }
0xc9: {  	s4 =	sand.u32 $0x4000, s31;
	s1 =	sadd.s32 s1, s30  }
0xca: {  	s0 =	sor.u32 s4, s0;
	s1 =	sshll.u32 s1, $0x11  }
0xcb: {  	s0 =	sor.u32 s1, s0  }
0xcc: {  	s0 =	sadd.s32 $0x8F2B, s0  }
0xcd: {  	[sflag:s0] =	ssyncadd.remote.s32 $0x1  }
0xce: {  	_ =	sfence.sel $0xFFFF  }
0xcf: {  	[dreg:$0x0] =	wrdreg $0xFFFFFFFF;
	(pc) =	sbr.abs _section_cstart, $3  }
0xd0: {  	[dreg:$0x1] =	wrdreg $0xFFFFFFFF  }
0xd1: {  	_ =	task.clear_ibuf [dreg:s22], $0x2FFFF;
	_ =	strace $0x9FFFFFFF  }
0xd2: {  	(tm) =	ssettm $0x7FFFFFFF  }
0xd3: {  	_ =	shalt  }
tec
execute0_lowered:
.L_overlay_start_1:
0x0: {  	(tag) =	ssettag $0x1  }
0x1: {  	s1 =	rddreg [dreg:$0x0]  }
0x2: {  	s0 =	rddreg [dreg:$0x1]  }
0x3: {  	s3 =	rddreg [dreg:$0x2];
	s4 =	simm.s32 $0x0;
	s13 =	stileid.u32  }
0x4: {  	s6 =	srdreg.scid;
	s15 =	simm.s32 $0x2;
	s16 =	simm.s32 $0x180  }
0x5: {  	s17 =	simm.s32 $0x200;
	s18 =	simm.s32 $0x280;
	s19 =	simm.s32 $0x80  }
0x6: {  	s20 =	simm.s32 $0x300;
	s21 =	simm.s32 $0x1;
	s28 =	simm.s32 $0x1700  }
0x7: {  	s29 =	simm.s32 $0x1B00;
	s30 =	simm.s32 $0x2700;
	s31 =	simm.s32 $0x1F00  }
0x8: {  	s14 =	simm.s32 $0x0;
	[smem:$0x7FF] =	sst s4;
	s2 =	smul.u32 $0x1390, s13  }
0x9: {  	s5 =	sadd.s32 $0x6A00, s0;
	s9 =	sand.u32 $0x1, s6;
	s6 =	sadd.s32 $0x1A00, s0  }
0xa: {  	s7 =	sadd.s32 $0x4200, s0;
	s23 =	sshll.u32 s13, $0x1;
	s25 =	sshll.u32 s13, $0x6  }
0xb: {  	_ =	strace $0x8000004A;
	s10 =	ssub.s32 $0x2, s9;
	p0 =	seq.s32 s9, $0x1  }
0xc: {  	s13 =	sor.u32 $0x1C02, s25;
	s25 =	simm.s32 $0x100;
	s8 =	sshrl.u32 s2, $0x3  }
0xd: {  	s11 =	sshrl.u32 s10, $0x1;
	s2 =	sadd.s32 s2, s3;
	[dreg:$0x5] =	wrdreg s13  }
0xe: {  	s12 =	sadd.s32 s8, s0;
	s8 =	sadd.s32 $0x18400, s0;
	s22 =	ssub.s32 s10, s11  }
0xf: {  	s10 =	sor.u32 s9, s23;
	s9 =	simm.s32 $0x13400;
	s23 =	simm.s32 $0x700  }
0x10: {  	s24 =	sadd.s32 $0x10C00, s12;
	s11 =	smul.u32 $0x2880, s10;
	s9 =	simm.s32 @!p0 $0x15C00  }
0x11: {  	s0 =	smax.u32 s22, $0x1;
	s10 =	sshrl.u32 s2, $0x3;
	[dreg:$0x4] =	wrdreg s24  }
0x12: {  	s22 =	simm.s32 $0xF00;
	s2 =	simm.s32 $0x0;
	[dreg:$0x6] =	wrdreg s0  }
0x13: {  	s26 =	sadd.s32 s9, s12;
	s24 =	simm.s32 $0x1300;
	[dreg:$0x8] =	wrdreg s10  }
0x14: {  	v0 =	vlaneseq.u32;
	s0 =	simm.s32 $0x2300;
	[dreg:$0x7] =	wrdreg s26;
	s26 =	simm.s32 $0xB00  }
.LBB2_1:
0x15: {  	s9 =	rddreg [dreg:$0x4]  }
0x16: {  	[spmem:s10], [sflag:s13] =	dma.local [hbm:s9], $0x272  }
0x17: {  	_ =	swait.ge [sflag:s15], $0x272  }
0x18: {  	[sflag:s15] =	ssyncset.done $0x0  }
0x19: {  	[sflag:s15] =	ssyncadd.s32 $0xFFFFFD8E  }
0x1a: {  	s9 =	simm.s32 $0x0;
	[bflag:$0x0] =	sbarrier.arrive $0xFFFF  }
.LBB2_2:
0x1b: {  	s10 =	smul.u32 $0x180, s9;
	_ =	sdelay $0x1  }
0x1c: {  	s12 =	sadd.s32 s11, s10  }
0x1d: {  	s10 =	sshrl.u32 s12, $0x3  }
0x1e: {  	s13 =	sadd.s32 s1, s10  }
0x1f: {  	[tilespmem:s14], [sflag:$0x2] =	stream.linear.gather [hbm4b:s13+s14], $0x180, $0x38;
	[tilespmem:$0x4690] =	vst v63  }
0x20: {  	_ =	swait.ge [sflag:s15], $0x180  }
0x21: {  	[sflag:s15] =	ssyncset.done $0x0  }
0x22: {  	s10 =	sadd.s32 s5, s10;
	[sflag:s15] =	ssyncadd.s32 $0xFFFFFE80  }
0x23: {  	[tilespmem:s16], [sflag:$0x2] =	stream.linear.gather [hbm4b:s10+s14], $0x80, $0x38;
	[tilespmem:$0x4690] =	vst v63  }
0x24: {  	_ =	swait.ge [sflag:s15], $0x80  }
0x25: {  	[sflag:s15] =	ssyncset.done $0x0  }
0x26: {  	s13 =	sadd.s32 $0x10, s10;
	[sflag:s15] =	ssyncadd.s32 $0xFFFFFF80  }
0x27: {  	[tilespmem:s17], [sflag:$0x2] =	stream.linear.gather [hbm4b:s13+s14], $0x80, $0x38;
	[tilespmem:$0x4690] =	vst v63  }
0x28: {  	_ =	swait.ge [sflag:s15], $0x80  }
0x29: {  	[sflag:s15] =	ssyncset.done $0x0  }
0x2a: {  	s10 =	sadd.s32 $0x20, s10;
	[sflag:s15] =	ssyncadd.s32 $0xFFFFFF80  }
0x2b: {  	[tilespmem:s18], [sflag:$0x2] =	stream.linear.gather [hbm4b:s10+s14], $0x80, $0x38;
	[tilespmem:$0x4690] =	vst v63  }
0x2c: {  	_ =	swait.ge [sflag:s15], $0x80  }
0x2d: {  	[sflag:s15] =	ssyncset.done $0x0  }
0x2e: {  	[sflag:s15] =	ssyncadd.s32 $0xFFFFFF80  }
0x2f: {  	[tilespmem:s20], [sflag:$0x1] =	stream.indirect.gather [hbm4b:s6+s19], $0x8, s14, s19, $0xb8;
	[tilespmem:$0x4690] =	vst v63  }
0x30: {  	_ =	swait.ge [sflag:s21], $0x400  }
0x31: {  	[sflag:s21] =	ssyncset.done $0x0  }
0x32: {  	[sflag:s21] =	ssyncadd.s32 $0xFFFFFC00  }
0x33: {  	[tilespmem:s22], [sflag:$0x1] =	stream.indirect.gather [hbm4b:s7+s19], $0x8, s16, s19, $0xb8;
	[tilespmem:$0x4690] =	vst v63  }
0x34: {  	_ =	swait.ge [sflag:s21], $0x400  }
0x35: {  	[sflag:s21] =	ssyncset.done $0x0  }
0x36: {  	[sflag:s21] =	ssyncadd.s32 $0xFFFFFC00  }
0x37: {  	[tilespmem:s23], [sflag:$0x1] =	stream.indirect.gather [hbm4b:s6+s19], $0x8, s19, s19, $0xb8;
	[tilespmem:$0x4690] =	vst v63  }
0x38: {  	_ =	swait.ge [sflag:s21], $0x400  }
0x39: {  	[sflag:s21] =	ssyncset.done $0x0  }
0x3a: {  	[sflag:s21] =	ssyncadd.s32 $0xFFFFFC00  }
0x3b: {  	[tilespmem:s24], [sflag:$0x1] =	stream.indirect.gather [hbm4b:s7+s19], $0x8, s17, s19, $0xb8;
	[tilespmem:$0x4690] =	vst v63  }
0x3c: {  	_ =	swait.ge [sflag:s21], $0x400  }
0x3d: {  	[sflag:s21] =	ssyncset.done $0x0  }
0x3e: {  	[sflag:s21] =	ssyncadd.s32 $0xFFFFFC00  }
0x3f: {  	[tilespmem:s26], [sflag:$0x1] =	stream.indirect.gather [hbm4b:s6+s19], $0x8, s25, s19, $0xb8;
	[tilespmem:$0x4690] =	vst v63  }
0x40: {  	_ =	swait.ge [sflag:s21], $0x400  }
0x41: {  	[sflag:s21] =	ssyncset.done $0x0  }
0x42: {  	v2 =	vor.u32 s14, v0;
	[sflag:s21] =	ssyncadd.s32 $0xFFFFFC00  }
0x43: {  	[tilespmem:s28], [sflag:$0x1] =	stream.indirect.gather [hbm4b:s7+s19], $0x8, s18, s19, $0xb8;
	[tilespmem:$0x4690] =	vst v63  }
0x44: {  	_ =	swait.ge [sflag:s21], $0x400  }
0x45: {  	[sflag:s21] =	ssyncset.done $0x0  }
0x46: {  	[sflag:s21] =	ssyncadd.s32 $0xFFFFFC00  }
0x47: {  	v1 =	vld.idx.msk [tilespmem:v2+s22+$0x0], $0xffff  }
0x48: {  	v3 =	vld.idx.msk [tilespmem:v2+s20+$0x0], $0xffff;
	_ =	sdelay $0x4  }
0x49: {  	v1 =	vadd.f32 v1, v3;
	_ =	sdelay $0x1  }
0x4a: {  	v3 =	vmul.f32 $2.000000030e-01, v1;
	_ =	sdelay $0x1  }
0x4b: {  	v1 =	vmax.f32 v1, v3  }
0x4c: {  	v1 =	vmul.f32 $1.442695020e+00, v1;
	_ =	sdelay $0x1  }
0x4d: {  	(erf) = vpow2.f32 v1;
	_ =	sdelay $0x5  }
0x4e: {  	s13 =	simm.s32 $0x10  }
0x4f: {  	v1 =	vor.u32 s13, v0;
	_ =	sdelay $0x1  }
0x50: {  	v3 =	vpop (erf)  }
0x51: {  	s13 =	simm.s32 $0x2700;
	[tilespmem:v2+s29+$0x0] =	vst.idx.msk $0xffff, v3  }
0x52: {  	[tilespmem:s13+$0x0] =	vst v3  }
0x53: {  	v2 =	vld.idx.msk [tilespmem:v1+s22+$0x0], $0xffff  }
0x54: {  	v3 =	vld.idx.msk [tilespmem:v1+s20+$0x0], $0xffff;
	_ =	sdelay $0x4  }
0x55: {  	v2 =	vadd.f32 v2, v3;
	_ =	sdelay $0x1  }
0x56: {  	v3 =	vmul.f32 $2.000000030e-01, v2;
	_ =	sdelay $0x1  }
0x57: {  	v2 =	vmax.f32 v2, v3  }
0x58: {  	v2 =	vmul.f32 $1.442695020e+00, v2;
	_ =	sdelay $0x1  }
0x59: {  	(erf) = vpow2.f32 v2;
	_ =	sdelay $0x7  }
0x5a: {  	s10 =	simm.s32 $0x20  }
0x5b: {  	v2 =	vor.u32 s10, v0;
	s10 =	simm.s32 $0x30;
	v3 =	vpop (erf)  }
.LBB2_3:
0x5c: {  	p0 =	sne.s32 s10, $0xBF0;
	[tilespmem:v1+s29+$0x0] =	vst.idx.msk $0xffff, v3;
	s13 =	sadd.s32 $0x10, s13;
	v1 =	vmov v2  }
0x5d: {  	[tilespmem:s13+$0x0] =	vst v3  }
0x5e: {  	v3 =	vld.idx.msk [tilespmem:v2+s22+$0x0], $0xffff  }
0x5f: {  	v2 =	vld.idx.msk [tilespmem:v2+s20+$0x0], $0xffff;
	_ =	sdelay $0x5  }
0x60: {  	v2 =	vadd.f32 v3, v2;
	_ =	sdelay $0x1  }
0x61: {  	v3 =	vmul.f32 $2.000000030e-01, v2;
	_ =	sdelay $0x1  }
0x62: {  	v2 =	vmax.f32 v2, v3  }
0x63: {  	v2 =	vmul.f32 $1.442695020e+00, v2;
	_ =	sdelay $0x1  }
0x64: {  	(erf) = vpow2.f32 v2;
	_ =	sdelay $0x4  }
.Ltmp0:
0x65: {  	(pc) =	sbr.rel @p0 .LBB2_3-.Ltmp0, $3  }
0x66: {  	_ = 	snop  }
0x67: {  	v2 =	vor.u32 s10, v0;
	_ =	sdelay $0x1  }
0x68: {  	s10 =	sadd.s32 $0x10, s10;
	v3 =	vpop (erf)  }
0x69: {  	_ =	sdelay $0x3  }
0x6a: {  	[tilespmem:v1+s29+$0x0] =	vst.idx.msk $0xffff, v3;
	s10 =	sadd.s32 $0x10, s13  }
0x6b: {  	[tilespmem:s10+$0x0] =	vst v3  }
0x6c: {  	v1 =	vld.idx.msk [tilespmem:v2+s22+$0x0], $0xffff  }
0x6d: {  	v3 =	vld.idx.msk [tilespmem:v2+s20+$0x0], $0xffff;
	_ =	sdelay $0x4  }
0x6e: {  	v1 =	vadd.f32 v1, v3;
	_ =	sdelay $0x1  }
0x6f: {  	v3 =	vmul.f32 $2.000000030e-01, v1;
	_ =	sdelay $0x1  }
0x70: {  	v1 =	vmax.f32 v1, v3  }
0x71: {  	v1 =	vmul.f32 $1.442695020e+00, v1;
	_ =	sdelay $0x1  }
0x72: {  	(erf) = vpow2.f32 v1;
	_ =	sdelay $0x8  }
0x73: {  	v1 =	vpop (erf)  }
0x74: {  	s10 =	sadd.s32 $0x10, s10;
	[tilespmem:v2+s29+$0x0] =	vst.idx.msk $0xffff, v1  }
0x75: {  	s13 =	sadd.s32 s8, s12;
	[tilespmem:s10+$0x0] =	vst v1  }
0x76: {  	[hbm4b:s13+s4] =	stream.linear.scatter [tilespmem:s30], [sflag:$0x2], $0xC00, $0x38;
	[tilespmem:$0x4690] =	vst v63  }
0x77: {  	_ =	swait.ge [sflag:s15], $0xC00  }
0x78: {  	[sflag:s15] =	ssyncset.done $0x0  }
0x79: {  	[sflag:s15] =	ssyncadd.s32 $0xFFFFF400  }
0x7a: {  	[spmem:s3] =	stream.indirect.scatter.add.f32 [tilespmem:s29], [sflag:$0x2], $0x8, s16, s19, $0xb8;
	[tilespmem:$0x4690] =	vst v63  }
0x7b: {  	_ =	swait.ge [sflag:s15], $0x400  }
0x7c: {  	[sflag:s15] =	ssyncset.done $0x0  }
0x7d: {  	[sflag:s15] =	ssyncadd.s32 $0xFFFFFC00  }
0x7e: {  	[spmem:s3] =	stream.indirect.scatter.add.f32 [tilespmem:s31], [sflag:$0x2], $0x8, s17, s19, $0xb8;
	[tilespmem:$0x4690] =	vst v63  }
0x7f: {  	s9 =	sadd.s32 $0x1, s9;
	_ =	swait.ge [sflag:s15], $0x400  }
0x80: {  	p0 =	sne.s32 s9, $0x1B;
	[sflag:s15] =	ssyncset.done $0x0  }
.Ltmp1:
0x81: {  	[sflag:s15] =	ssyncadd.s32 $0xFFFFFC00;
	(pc) =	sbr.rel @p0 .LBB2_2-.Ltmp1, $4  }
0x82: {  	[spmem:s3] =	stream.indirect.scatter.add.f32 [tilespmem:s0], [sflag:$0x2], $0x8, s18, s19, $0xb8;
	[tilespmem:$0x4690] =	vst v63  }
0x83: {  	_ =	swait.ge [sflag:s15], $0x400  }
0x84: {  	[sflag:s15] =	ssyncset.done $0x0  }
0x85: {  	[sflag:s15] =	ssyncadd.s32 $0xFFFFFC00  }
0x86: {  	[bflag:$0x0] =	sbarrier.arrive $0xFFFF  }
0x87: {  	s13 =	rddreg [dreg:$0x5]  }
0x88: {  	s9 =	rddreg [dreg:$0x7]  }
0x89: {  	s10 =	rddreg [dreg:$0x8]  }
0x8a: {  	[hbm:s9], [sflag:s13] =	dma.local [spmem:s10], $0x272  }
0x8b: {  	_ =	swait.ge [sflag:s15], $0x272  }
0x8c: {  	s2 =	sadd.s32 $0x1, s2;
	s12 =	rddreg [dreg:$0x6]  }
0x8d: {  	p0 =	sne.s32 s2, s12  }
.Ltmp2:
0x8e: {  	_ = 	snop;
	(pc) =	sbr.rel @p0 .LBB2_1-.Ltmp2, $3  }
0x8f: {  	_ =	sdelay $0x1  }
0x90: {  	[sflag:s15] =	ssyncset.done $0x0  }
0x91: {  	[sflag:s15] =	ssyncadd.s32 $0xFFFFFD8E  }
0x92: {  	_ =	sfence.sel $0x180000  }
0x93: {  	[bflag:$0x0] =	sbarrier.arrive $0xFFFF  }
0x94: {  	_ =	strace $0x9000004A  }
0x95: {  	s0 =	stileid.u32;
	[bflag:$0x2] =	sbarrier.arrive $0xFFFF  }
0x96: {  	p0 =	sne.s32 s0, $0x0;
	s0 =	rddreg [dreg:$0x3]  }
0x97: {  	s0 =	sadd.s32 @!p0 $0x100000, s0  }
0x98: {  	[sflag:s0] =	ssyncadd.tile.s32 @!p0 $0x1;
	_ =	shalt  }
.Lfunc_end2:
_tile_overlayer_lowered:
.L_overlay_start_2:
0x99: {  	(tag) =	ssettag $0x2  }
0x9a: {  	s0 =	rddreg [dreg:$0x0];
	s2 =	stileid.u32  }
0x9b: {  	s1 =	rddreg [dreg:$0x1];
	p0 =	sne.s32 s2, $0x0  }
0x9c: {  	s3 =	rddreg [dreg:$0x2];
	[bflag:$0x3] =	sbarrier.arrive $0xFFFF;
	s2 =	simm.s32 @!p0 $0x1C02  }
0x9d: {  	[timem:s3], [sflag:s2] =	dma.local @!p0 [hbm:s0], s1  }
0x9e: {  	s0 =	simm.s32 @!p0 $0x2  }
0x9f: {  	_ =	swait.ge @!p0 [sflag:s0], s1  }
0xa0: {  	s1 =	ssub.s32 @!p0 $0x0, s1;
	[sflag:s0] =	ssyncset.done @!p0 $0x0  }
0xa1: {  	[sflag:s0] =	ssyncadd.s32 @!p0 s1  }
0xa2: {  	[bflag:$0x3] =	sbarrier.arrive $0xFFFF  }
0xa3: {  	_ =	shalt  }

// kernel: sparse-core-data-format-call.cloned.1.call-start
scs
called_computation_lowered:
.L_overlay_start_0:
0x0: {  	s1 =	sld [smem:$0x3FD9]  }
0x1: {  	s2 =	sld [smem:$0x3FFE];
	_ =	sdelay $0x1  }
0x2: {  	s3 =	srdreg.scid  }
0x3: {  	s0 =	sand.u32 $0x1, s3  }
0x4: {  	s17 =	sshll.u32 s0, $0xA;
	s1 =	sadd.s32 s2, s1  }
0x5: {  	s1 =	sadd.s32 s1, s17  }
0x6: {  	[smem:$0x3FC2] =	sst s1  }
0x7: {  	_ = 	snop  }
0x8: {  	(tm) =	ssettm $0x1  }
0x9: {  	s18 =	sld [smem:$0x3FFB];
	_ =	sdelay $0x3  }
0xa: {  	_ =	strace s18  }
0xb: {  	s1 =	sld [smem:$0x3FFC];
	_ =	sdelay $0x3  }
0xc: {  	_ =	strace s1  }
0xd: {  	s1 =	sld [smem:$0x3FFD];
	_ =	sdelay $0x3  }
0xe: {  	_ =	strace s1  }
0xf: {  	_ =	strace $0x8FFFFFFF  }
0x10: {  	s19 =	sld [smem:$0x3FDB];
	_ =	sdelay $0x1  }
0x11: {  	s20 =	simm.s32 $_scs_section_size  }
0x12: {  	s4 =	simm.s32 $_size__tile_overlayer_lowered;
	s5 =	simm.s32 $_tile_overlayer_lowered  }
0x13: {  	s23 =	simm.s32 $0x1BFF;
	s22 =	sshll.u32 s5, $0x1;
	s1 =	sadd.s32 s20, s19  }
0x14: {  	s6 =	simm.s32 $0x0;
	s21 =	sshll.u32 s4, $0x1;
	s4 =	sadd.s32 s22, s1  }
0x15: {  	[timem:s6], [sflag:s23] =	dma.local [hbm:s4], s21  }
0x16: {  	_ =	swait.ge [sflag:s23], s21  }
0x17: {  	s2 =	ssub.s32 $0x0, s21;
	[sflag:s23] =	ssyncset.done $0x0  }
0x18: {  	[sflag:s23] =	ssyncadd.s32 s2;
	_ =	sdelay $0x1  }
0x19: {  	s24 =	simm.s32 $0x1B8B  }
0x1a: {  	_ =	swait.ge [sflag:s24], $0x1  }
0x1b: {  	[sflag:s24] =	ssyncset.done $0x0  }
0x1c: {  	s26 =	simm.s32 $0x1B8E;
	s25 =	sld [smem:$0x3FFE];
	[sflag:s24] =	ssyncadd.s32 $0xFFFFFFFF  }
0x1d: {  	s27 =	simm.s32 $execute0_lowered;
	[smem:$0x3FD2] =	sst s26  }
0x1e: {  	s4 =	sshll.u32 s27, $0x1;
	_ =	strace $0x80000046;
	[dreg:$0x1] =	wrdreg $0xFFFFFFFF  }
0x1f: {  	s28 =	simm.s32 $_size_execute0_lowered;
	s1 =	sadd.s32 s1, s4;
	[dreg:$0x0] =	wrdreg $0x0  }
0x20: {  	s4 =	sshll.u32 s28, $0x1;
	[dreg:$0x2] =	wrdreg s1  }
0x21: {  	[dreg:$0x3] =	wrdreg s4  }
0x22: {  	[dreg:$0x4] =	wrdreg $0xC0  }
0x23: {  	_ =	task [dreg:s6], $0x5FFFF  }
0x24: {  	[dreg:$0x1] =	wrdreg $0xFFFFFFFF  }
0x25: {  	[dreg:$0x0] =	wrdreg $0x60  }
0x26: {  	[dreg:$0x2] =	wrdreg s25  }
0x27: {  	[dreg:$0x3] =	wrdreg $0x9  }
0x28: {  	_ =	task.clear_ibuf [dreg:s6], $0x4FFFF;
	_ =	strace $0x90000046  }
0x29: {  	s29 =	simm.s32 $0x9;
	_ =	strace $0x80000048  }
0x2a: {  	_ =	swait.ge [sflag:s29], $0x1  }
0x2b: {  	[sflag:s29] =	ssyncadd.s32 $0xFFFFFFFF  }
0x2c: {  	_ =	strace $0x90000048  }
0x2d: {  	_ =	sfence  }
0x2e: {  	s30 =	sld [smem:$0x0];
	_ =	sdelay $0x2  }
0x2f: {  	s31 =	sshll.u32 s3, $0xD;
	s3 =	sshrl.u32 s3, $0x2  }
0x30: {  	s2 =	sand.u32 $0x4000, s31;
	s1 =	sadd.s32 s3, s30  }
0x31: {  	s0 =	sor.u32 s2, s0;
	s1 =	sshll.u32 s1, $0x11  }
0x32: {  	s0 =	sor.u32 s1, s0  }
0x33: {  	s0 =	sadd.s32 $0x8F2B, s0  }
0x34: {  	[sflag:s0] =	ssyncadd.remote.s32 $0x1  }
0x35: {  	_ =	sfence.sel $0xFFFF  }
0x36: {  	[dreg:$0x0] =	wrdreg $0xFFFFFFFF;
	(pc) =	sbr.abs _section_cstart, $3  }
0x37: {  	[dreg:$0x1] =	wrdreg $0xFFFFFFFF  }
0x38: {  	_ =	task.clear_ibuf [dreg:s6], $0x2FFFF;
	_ =	strace $0x9FFFFFFF  }
0x39: {  	(tm) =	ssettm $0x7FFFFFFF  }
tec
execute0_lowered:
.L_overlay_start_1:
0x0: {  	(tag) =	ssettag $0x1  }
0x1: {  	s0 =	srdreg.scid;
	s7 =	rddreg [dreg:$0x0];
	s31 =	simm.s32 $0x2  }
0x2: {  	s14 =	simm.s32 $0x0;
	s13 =	simm.s32 $0x0;
	s1 =	sshll.u32 s0, $0x4  }
0x3: {  	s12 =	simm.s32 $0x0;
	s0 =	stileid.u32;
	s1 =	sand.u32 $0x10, s1  }
0x4: {  	s4 =	sadd.s32 $0xA1A00, s7;
	s2 =	sshll.u32 s0, $0x7;
	s8 =	sor.u32 s0, s1  }
0x5: {  	s1 =	rddreg [dreg:$0x1];
	s2 =	sand.u32 $0x180, s2;
	s3 =	sshll.u32 s8, $0x5  }
0x6: {  	_ =	strace $0x80000047;
	s5 =	ssub.s32 $0x2800, s2;
	s3 =	sand.u32 $0x380, s3  }
0x7: {  	s6 =	sand.u32 $0x180, s5;
	s11 =	sshrl.u32 s5, $0x9;
	s9 =	ssub.s32 $0x400, s3  }
0x8: {  	p0 =	sne.s32 s6, $0x0;
	s6 =	simm.s32 $0x1;
	s10 =	sand.u32 $0x380, s9  }
0x9: {  	s6 =	simm.s32 @!p0 $0x0;
	p0 =	sne.s32 s10, $0x0;
	s10 =	simm.s32 $0x1  }
.Ltmp0:
0xa: {  	s9 =	sshrl.u32 s9, $0xA;
	s10 =	simm.s32 @!p0 $0x0;
	(pc) =	sbr.rel .LBB1_1-.Ltmp0, $4  }
0xb: {  	s5 =	simm.s32 $0x1;
	s6 =	sadd.s32 s6, s11;
	s9 =	sadd.s32 s10, s9  }
0xc: {  	s7 =	sadd.s32 $0x1E1A00, s7;
	[sflag:s5] =	ssyncpa.u1 $0x0;
	s6 =	smul.u32 s6, s9  }
0xd: {  	s8 =	sshll.u32 s8, $0x8;
	[sflag:s31] =	ssyncpa.u1 $0x0;
	s11 =	smov.u32 s2  }
0xe: {  	p0 =	por $0x0, $0x0;
	s10 =	simm.s32 $0x14000;
	s9 =	sadd.s32 $0x1, s6  }
.LBB1_4:
0xf: {  	s14 =	sshrl.u32 s14, $0x3  }
0x10: {  	s20 =	sshll.u32 s13, $0x3;
	s14 =	smul.u32 $0x14000, s14  }
0x11: {  	v5 =	vld [tilespmem:s18+$0xFFFFFFD0];
	[tilespmem:s17+$0x2040 ss:$0x81] =	vst.msk $0xffff, v4;
	s20 =	sand.u32 $0xFFFFFC00, s20  }
0x12: {  	v58 =	vld [tilespmem:s18+$0xFFFFFFE0];
	[tilespmem:s17+$0x2850 ss:$0x81] =	vst.msk $0xffff, v3;
	s30 =	sand.u32 $0x7F, s13;
	s14 =	sadd.s32 s20, s14  }
0x13: {  	s19 =	sshra.s32 s19, $0x2;
	v59 =	vld [tilespmem:s18+$0xFFFFFFF0];
	[tilespmem:s17+$0x3060 ss:$0x81] =	vst.msk $0xffff, v2;
	s13 =	sor.u32 s30, s14  }
0x14: {  	v60 =	vld [tilespmem:s18+$0x0];
	[tilespmem:s17+$0x0 ss:$0x81] =	vst.msk $0xffff, v0;
	s16 =	sadd.s32 s19, s16;
	s31 =	smulhi.u32 $0xCCCCCCCD, s13  }
0x15: {  	v61 =	vld [tilespmem:s18+$0x10];
	[tilespmem:s16+$0x3870 ss:$0x81] =	vst.msk $0xffff, v1  }
0x16: {  	v62 =	vld [tilespmem:s18+$0x20];
	s14 =	smulhi.u32 $0xCCCCCCCD, s14;
	[tilespmem:s16+$0x810 ss:$0x81] =	vst.msk $0xffff, v5;
	s17 =	sshrl.u32 s31, $0xD  }
0x17: {  	v63 =	vld [tilespmem:s18+$0xFFFFFFC0];
	[tilespmem:s16+$0x1020 ss:$0x81] =	vst.msk $0xffff, v58;
	s17 =	smul.u32 $0x2800, s17  }
0x18: {  	[tilespmem:s16+$0x1830 ss:$0x81] =	vst.msk $0xffff, v59;
	s14 =	sshrl.u32 s14, $0xD  }
0x19: {  	[tilespmem:s16+$0x2040 ss:$0x81] =	vst.msk $0xffff, v60;
	s14 =	sand.u32 $0x3FF, s14;
	s13 =	ssub.s32 s13, s17  }
0x1a: {  	[tilespmem:s16+$0x2850 ss:$0x81] =	vst.msk $0xffff, v61;
	s14 =	smul.u32 $0x500, s14;
	s17 =	sshrl.u32 s13, $0x3;
	s13 =	sand.u32 $0x7, s13  }
0x1b: {  	[tilespmem:s16+$0x3060 ss:$0x81] =	vst.msk $0xffff, v62;
	s17 =	sadd.s32 s7, s17;
	s13 =	sshll.u32 s13, $0x12  }
0x1c: {  	[tilespmem:s16+$0x0 ss:$0x81] =	vst.msk $0xffff, v63;
	s14 =	sadd.s32 s14, s17;
	s13 =	sor.u32 $0x400, s13  }
0x1d: {  	[hbm4b:s14+s13] =	stream.strided.scatter [tilespmem:s15], [sflag:$0x2], $0x4000, s10, s13, $0x20;
	[tilespmem:$0x10100] =	vst v63  }
.LBB1_5:
0x1e: {  	s15 =	sadd.s32 $0x200, s11  }
0x1f: {  	p2 =	sgt.s32 s15, $0x27FF  }
0x20: {  	s15 =	smov.u32 @p2 s2;
	p2 =	sne.s32 s12, s9  }
.Ltmp1:
0x21: {  	p1 =	slt.u32 s12, $0x2;
	(pc) =	sbr.rel @!p2 .LBB1_6-.Ltmp1, $4  }
0x22: {  	s14 =	simm.s32 @!p1 $0x2  }
0x23: {  	s16 =	sadd.s32 $0x1, s12;
	s13 =	smov.u32 s11;
	_ =	swait.ge @!p1 [sflag:s14], $0x4000  }
0x24: {  	p0 =	por !p0, !p0;
	s12 =	smov.u32 s16;
	[sflag:s14] =	ssyncset.done @!p1 $0x0  }
0x25: {  	s11 =	smov.u32 s15;
	[sflag:s14] =	ssyncadd.s32 @!p1 $0xFFFFC000;
	s14 =	smov.u32 s3  }
.LBB1_1:
0x26: {  	p1 =	sge.u32 s12, s6  }
0x27: {  	s15 =	sshll.u32 @!p1 s11, $0xA  }
0x28: {  	s15 =	sand.u32 @!p1 $0xFFFFE000, s15  }
0x29: {  	s15 =	sor.u32 @!p1 s8, s15  }
0x2a: {  	s15 =	sshrl.u32 @!p1 s15, $0xA  }
0x2b: {  	s16 =	smulhi.u32 @!p1 $0xCCCCD, s15;
	_ =	sdelay $0x1  }
0x2c: {  	s16 =	sshrl.u32 @!p1 s16, $0x1  }
0x2d: {  	s16 =	smul.u32 @!p1 $0x2800, s16  }
0x2e: {  	s31 =	sadd.s32 $0xFFFFFFFF, s12;
	s17 =	sxor.u32 @!p1 $0xFFFFFFFF, s12;
	s18 =	sshll.u32 @!p1 s11, $0x4  }
0x2f: {  	s17 =	sshll.u32 @!p1 s17, $0xE;
	s15 =	ssub.s32 @!p1 s15, s16;
	s16 =	sand.u32 @!p1 $0x70, s18  }
0x30: {  	s17 =	sand.u32 @!p1 $0x4000, s17;
	s15 =	sshll.u32 @!p1 s15, $0x7;
	s16 =	sadd.s32 @!p1 s4, s16  }
0x31: {  	s18 =	simm.s32 @!p1 $0x2000;
	s15 =	sadd.s32 @!p1 s15, s16;
	s16 =	simm.s32 @!p1 $0x400  }
0x32: {  	[tilespmem:s17], [sflag:$0x1] =	stream.strided.gather @!p1 [hbm4b:s15+s16], $0x4000, s18, s16, $0x38;
	[tilespmem:$0x10100] =	vst v63  }
0x33: {  	p1 =	sge.u32 s31, s6  }
.Ltmp2:
0x34: {  	_ = 	snop;
	(pc) =	sbr.rel @p1 .LBB1_5-.Ltmp2, $1  }
0x35: {  	_ =	sdelay $0x3  }
0x36: {  	s15 =	simm.s32 $0x1  }
0x37: {  	_ =	swait.ge [sflag:s5], $0x4000;
	s15 =	simm.s32 @!p0 $0x0  }
0x38: {  	[sflag:s5] =	ssyncset.done $0x0;
	s16 =	sshll.u32 s15, $0xE  }
0x39: {  	[sflag:s5] =	ssyncadd.s32 $0xFFFFC000;
	s18 =	sor.u32 $0x40, s16  }
0x3a: {  	s15 =	smul.u32 $0x10200, s15;
	v0 =	vld [tilespmem:s18+$0x30]  }
0x3b: {  	v1 =	vld [tilespmem:s18+$0xFFFFFFD0]  }
0x3c: {  	s15 =	sshrl.u32 s15, $0x2;
	v5 =	vld [tilespmem:s18+$0xFFFFFFE0]  }
0x3d: {  	v6 =	vld [tilespmem:s18+$0xFFFFFFF0];
	s16 =	sor.u32 $0x8000, s15  }
0x3e: {  	s31 =	sand.u32 $0x1, s12;
	v4 =	vld [tilespmem:s18+$0x0];
	s17 =	sadd.s32 $0x0, s16  }
0x3f: {  	v3 =	vld [tilespmem:s18+$0x10];
	s15 =	smul.u32 $0x10200, s31;
	[tilespmem:s17+$0x3870 ss:$0x81] =	vst.msk $0xffff, v0  }
0x40: {  	v2 =	vld [tilespmem:s18+$0x20];
	[tilespmem:s17+$0x810 ss:$0x81] =	vst.msk $0xffff, v1  }
0x41: {  	s15 =	sshrl.u32 s15, $0x2;
	v0 =	vld [tilespmem:s18+$0xFFFFFFC0];
	[tilespmem:s17+$0x1020 ss:$0x81] =	vst.msk $0xffff, v5;
	s18 =	sadd.s32 $0x80, s18  }
0x42: {  	s19 =	simm.s32 $0x4;
	s20 =	simm.s32 $0x8;
	s15 =	sor.u32 $0x8000, s15;
	[tilespmem:s17+$0x1830 ss:$0x81] =	vst.msk $0xffff, v6;
	v1 =	vld [tilespmem:s18+$0x30]  }
.LBB1_3:
0x43: {  	p1 =	sne.s32 s20, $0x1FC;
	v5 =	vld [tilespmem:s18+$0xFFFFFFD0];
	[tilespmem:s17+$0x2040 ss:$0x81] =	vst.msk $0xffff, v4  }
0x44: {  	v6 =	vld [tilespmem:s18+$0xFFFFFFE0];
	[tilespmem:s17+$0x2850 ss:$0x81] =	vst.msk $0xffff, v3  }
0x45: {  	s21 =	sshra.s32 s19, $0x2;
	s19 =	smov.u32 s20;
	v7 =	vld [tilespmem:s18+$0xFFFFFFF0];
	[tilespmem:s17+$0x3060 ss:$0x81] =	vst.msk $0xffff, v2  }
.Ltmp3:
0x46: {  	v4 =	vld [tilespmem:s18+$0x0];
	[tilespmem:s17+$0x0 ss:$0x81] =	vst.msk $0xffff, v0;
	s17 =	sadd.s32 s21, s16;
	(pc) =	sbr.rel @p1 .LBB1_3-.Ltmp3, $4  }
0x47: {  	v3 =	vld [tilespmem:s18+$0x10];
	[tilespmem:s17+$0x3870 ss:$0x81] =	vst.msk $0xffff, v1  }
0x48: {  	[tilespmem:s17+$0x810 ss:$0x81] =	vst.msk $0xffff, v5;
	v2 =	vld [tilespmem:s18+$0x20]  }
0x49: {  	v0 =	vld [tilespmem:s18+$0xFFFFFFC0];
	[tilespmem:s17+$0x1020 ss:$0x81] =	vst.msk $0xffff, v6;
	s18 =	sadd.s32 $0x80, s18  }
0x4a: {  	s20 =	sadd.s32 $0x4, s20;
	v1 =	vld [tilespmem:s18+$0x30];
	[tilespmem:s17+$0x1830 ss:$0x81] =	vst.msk $0xffff, v7  }
.Ltmp4:
0x4b: {  	_ = 	snop;
	(pc) =	sbr.rel .LBB1_4-.Ltmp4, $1  }
0x4c: {  	_ =	sdelay $0x3  }
.LBB1_6:
0x4d: {  	_ =	sfence.sel $0x180000  }
0x4e: {  	s2 =	simm.s32 $0x1;
	[bflag:$0x0] =	sbarrier.arrive $0xFFFF  }
0x4f: {  	s31 =	simm.s32 $0x2;
	[sflag:s2] =	ssyncpa.u1 $0x1  }
0x50: {  	[sflag:s31] =	ssyncpa.u1 $0x1  }
0x51: {  	p0 =	sne.s32 s0, $0x0;
	_ =	strace $0x90000047  }
0x52: {  	s0 =	sadd.s32 @!p0 $0x100000, s1;
	[bflag:$0x2] =	sbarrier.arrive $0xFFFF  }
0x53: {  	[sflag:s0] =	ssyncadd.tile.s32 @!p0 $0x1;
	_ =	shalt  }
.Lfunc_end1:
_tile_overlayer_lowered:
.L_overlay_start_2:
0x54: {  	(tag) =	ssettag $0x2  }
0x55: {  	s0 =	rddreg [dreg:$0x0];
	s2 =	stileid.u32  }
0x56: {  	s1 =	rddreg [dreg:$0x1];
	p0 =	sne.s32 s2, $0x0  }
0x57: {  	s3 =	rddreg [dreg:$0x2];
	[bflag:$0x3] =	sbarrier.arrive $0xFFFF;
	s2 =	simm.s32 @!p0 $0x1C01  }
0x58: {  	[timem:s3], [sflag:s2] =	dma.local @!p0 [hbm:s0], s1  }
0x59: {  	s0 =	simm.s32 @!p0 $0x1  }
0x5a: {  	_ =	swait.ge @!p0 [sflag:s0], s1  }
0x5b: {  	s1 =	ssub.s32 @!p0 $0x0, s1;
	[sflag:s0] =	ssyncset.done @!p0 $0x0  }
0x5c: {  	[sflag:s0] =	ssyncadd.s32 @!p0 s1  }
0x5d: {  	[bflag:$0x3] =	sbarrier.arrive $0xFFFF  }
0x5e: {  	_ =	shalt  }

</sc_bundles>
